<compile_context>
chip_gen: v7x
topology: tpu7x:2x2x1
jax: 0.10.2.dev20260603
libtpu: 0.0.44.dev20260713+nightly
codegen_flags: <defaults>
</compile_context>

<pallas_src>
import functools

import numpy as np
import jax
import jax.numpy as jnp
from jax import lax
from jax.experimental import pallas as pl
from jax.experimental.pallas import tpu as pltpu
import jax.experimental.pallas.tpu_sc as plsc

_B, _L, _D = 4096, 50, 64
_NC, _NS = 2, 16
_NW = _NC * _NS
_BPW = _B // _NW
_PPW = _BPW * _L
_CHUNK = 128
_NCHUNK = _PPW // _CHUNK
_NBUF = 4


def _body(idx0, idx1, dst, zeros, tab0, tab1, out,
          idxv, dstv, rows, acc0, acc1, gsem, ssem, zsem):
    sid = lax.axis_index("s")
    wid = sid * _NC + lax.axis_index("c")
    base = wid * _BPW
    accs = (acc0, acc1)
    tables = (tab0, tab1)

    for f, idx_hbm in enumerate((idx0, idx1)):
        pltpu.sync_copy(idx_hbm.at[wid], idxv.at[f])
    pltpu.sync_copy(dst.at[sid], dstv)
    my = pl.ds(sid * _BPW, _BPW)
    for f in range(2):
        pltpu.async_copy(zeros, accs[f].at[my], zsem)
    for f in range(2):
        pltpu.make_async_copy(zeros, accs[f].at[my], zsem).wait()

    pending = [False] * _NBUF

    def gather(f, j, slot):
        pltpu.async_copy(tables[f].at[idxv.at[f, j]], rows.at[slot],
                         gsem.at[slot])

    def wait_gather(f, slot):
        pltpu.make_async_copy(tables[f].at[idxv.at[f, 0]], rows.at[slot],
                              gsem.at[slot]).wait()

    def scatter(f, j, slot):
        pltpu.async_copy(rows.at[slot], accs[f].at[dstv.at[j]],
                         ssem.at[slot], add=True)

    def wait_scatter(f, slot):
        pltpu.make_async_copy(rows.at[slot], accs[f].at[dstv.at[0]],
                              ssem.at[slot]).wait()

    for f in range(2):
        for b in range(_NBUF):
            if pending[b]:
                wait_scatter(f - 1, b)
                pending[b] = False
            gather(f, b, b)
        wait_gather(f, 0)
        scatter(f, 0, 0)

        def step(j, carry):
            p = j % _NBUF
            p1 = (j - 1) % _NBUF
            wait_gather(f, p)
            scatter(f, j, p)
            wait_scatter(f, p1)
            gather(f, j - 1 + _NBUF, p1)
            return carry

        lax.fori_loop(1, _NCHUNK - _NBUF + 1, step, 0, unroll=2)

        for j in range(_NCHUNK - _NBUF + 1, _NCHUNK):
            p = j % _NBUF
            wait_gather(f, p)
            scatter(f, j, p)
        for j in range(_NCHUNK - _NBUF, _NCHUNK):
            pending[j % _NBUF] = True

    for b in range(_NBUF):
        if pending[b]:
            wait_scatter(1, b)
            pending[b] = False
    for f in range(2):
        pltpu.sync_copy(accs[f].at[my],
                        out.at[pl.ds(base, _BPW), pl.ds(f * _D, _D)])


_LOCAL = (np.arange(_PPW, dtype=np.int32) // _L).reshape(_NCHUNK, _CHUNK)
_DST = (np.arange(_NS, dtype=np.int32)[:, None, None] * _BPW
        + _LOCAL[None]).astype(np.int32)
_ZEROS = np.zeros((_BPW, _D), np.float32)

_NREP = 8
_REP_OFF = ((np.arange(_NCHUNK, dtype=np.int32) % _NREP) * 1000)[None, :, None]


def _make_pair_kernel():
    acc_t = pltpu.VMEM_SHARED((_NS * _BPW, _D), jnp.float32)
    return pl.kernel(
        _body,
        out_type=jax.ShapeDtypeStruct((_B, 2 * _D), jnp.float32),
        mesh=plsc.VectorSubcoreMesh(core_axis_name="c", subcore_axis_name="s"),
        compiler_params=pltpu.CompilerParams(use_tc_tiling_on_sc=False),
        scratch_types=[
            pltpu.VMEM((2, _NCHUNK, _CHUNK), jnp.int32),
            pltpu.VMEM((_NCHUNK, _CHUNK), jnp.int32),
            pltpu.VMEM((_NBUF, _CHUNK, _D), jnp.float32),
            acc_t, acc_t,
            pltpu.SemaphoreType.DMA((_NBUF,)),
            pltpu.SemaphoreType.DMA((_NBUF,)),
            pltpu.SemaphoreType.DMA,
        ],
    )


@jax.jit
def kernel(vgids, vsids, vcids, vgprices,
           goods_table, shop_table, cate_table, price_table):
    shape3 = (_NW, _NCHUNK, _CHUNK)
    gidx = vgids.astype(jnp.int32).reshape(shape3)
    sidx = vsids.astype(jnp.int32).reshape(shape3)
    cidx = vcids.astype(jnp.int32).reshape(shape3)
    pidx = vgprices.astype(jnp.int32).reshape(shape3)
    dst = jnp.asarray(_DST)
    zeros = jnp.asarray(_ZEROS)

    rep_off = jnp.asarray(_REP_OFF)
    cidx = cidx + rep_off
    pidx = pidx + rep_off
    cate8 = jnp.tile(cate_table, (_NREP, 1))
    price8 = jnp.tile(price_table, (_NREP, 1))

    run = _make_pair_kernel()
    out_cp = run(cidx, pidx, dst, zeros, cate8, price8)
    out_gs = run(gidx, sidx, dst, zeros, goods_table, shop_table)
    return jnp.concatenate([out_gs, out_cp], axis=1)

# --- scband reference (transcript-rebuilt; emitter-appended) ---
"""Pipeline reference for scband-user-behavior-embedding-14431090115279 (READ-ONLY COPY).

The authoritative reference and input builder live on the scoring server;
editing this copy changes nothing except your own understanding.
"""

import jax, jax.numpy as jnp
import numpy as np

B, L, D = 4096, 50, 64
GOODS_V, SHOP_V, CATE_V, PRICE_V = 100000, 100000, 1000, 1000


def setup_inputs(seed: int = 0) -> dict:
    key = jax.random.key(seed)
    ks = jax.random.split(key, 8)
    return {
        "vgids": jax.random.randint(ks[0], (B, L), 0, GOODS_V, dtype=jnp.int64) if jax.config.jax_enable_x64 else jax.random.randint(ks[0], (B, L), 0, GOODS_V),
        "vsids": jax.random.randint(ks[1], (B, L), 0, SHOP_V),
        "vcids": jax.random.randint(ks[2], (B, L), 0, CATE_V),
        "vgprices": jax.random.randint(ks[3], (B, L), 0, PRICE_V),
        "goods_table": jax.random.normal(ks[4], (GOODS_V, D), dtype=jnp.float32) * 0.05,
        "shop_table": jax.random.normal(ks[5], (SHOP_V, D), dtype=jnp.float32) * 0.05,
        "cate_table": jax.random.normal(ks[6], (CATE_V, D), dtype=jnp.float32) * 0.05,
        "price_table": jax.random.normal(ks[7], (PRICE_V, D), dtype=jnp.float32) * 0.05,
    }


def reference(vgids, vsids, vcids, vgprices, goods_table, shop_table, cate_table, price_table):
    # SequenceFeatures -> per-timestep embedding lookup for each behavior feature
    vgids_emb = jnp.take(goods_table, vgids, axis=0)      # [B, L, D]
    vsids_emb = jnp.take(shop_table, vsids, axis=0)       # [B, L, D]
    vcids_emb = jnp.take(cate_table, vcids, axis=0)       # [B, L, D]
    vgprices_emb = jnp.take(price_table, vgprices, axis=0)  # [B, L, D]
    # concat along feature dim, then sum-pool over the sequence axis
    user_behavior_rep = jnp.concatenate([vgids_emb, vsids_emb, vcids_emb, vgprices_emb], axis=-1)  # [B, L, 4D]
    user_behavior_rep = jnp.sum(user_behavior_rep, axis=1)  # [B, 4D]
    # dropout with training=False is identity
    return user_behavior_rep

if __name__ == "__main__":
    import jax
    _d = setup_inputs()
    print(jax.jit(kernel)(*tuple(_d.values())))

</pallas_src>

<mosaic_0001>
#map = affine_map<(d0, d1) -> (0, 0, 0)>
#map1 = affine_map<(d0, d1) -> (0, 0)>
module attributes {stable_mosaic.version = 14 : i64} {
  func.func @_body(%arg0: i32, %arg1: i32, %arg2: memref<32x50x128xi32, #tpu.memory_space<hbm>>, %arg3: memref<32x50x128xi32, #tpu.memory_space<hbm>>, %arg4: memref<16x50x128xi32, #tpu.memory_space<hbm>>, %arg5: memref<128x64xf32, #tpu.memory_space<hbm>>, %arg6: memref<100000x64xf32, #tpu.memory_space<hbm>>, %arg7: memref<100000x64xf32, #tpu.memory_space<hbm>>, %arg8: memref<4096x128xf32, #tpu.memory_space<hbm>>, %arg9: memref<2x50x128xi32, #tpu.memory_space<vmem>>, %arg10: memref<50x128xi32, #tpu.memory_space<vmem>>, %arg11: memref<4x128x64xf32, #tpu.memory_space<vmem>>, %arg12: memref<2048x64xf32, #tpu.memory_space<vmem_shared>>, %arg13: memref<2048x64xf32, #tpu.memory_space<vmem_shared>>, %arg14: memref<4x!tpu.dma_semaphore, #tpu.memory_space<semaphore_mem>>, %arg15: memref<4x!tpu.dma_semaphore, #tpu.memory_space<semaphore_mem>>, %arg16: memref<!tpu.dma_semaphore, #tpu.memory_space<semaphore_mem>>) attributes {dimension_semantics = [#tpu.dimension_semantics<core_parallel>, #tpu.dimension_semantics<subcore_parallel>], iteration_bounds = array<i64: 2, 16>, scalar_prefetch = 0 : i64, scratch_operands = 8 : i64, tpu.core_type = #tpu.core_type<sc_vector_subcore>, window_params = [{transform_indices = #map}, {transform_indices = #map}, {transform_indices = #map}, {transform_indices = #map1}, {transform_indices = #map1}, {transform_indices = #map1}, {transform_indices = #map1}]} {
    %mul3A = arith.constant 2 : i32
    %mul3A_0 = arith.muli %arg1, %mul3A : i32
    %add3A = arith.addi %mul3A_0, %arg0 : i32
    %mul3A_1 = arith.constant 128 : i32
    %mul3A_2 = arith.muli %add3A, %mul3A_1 : i32
    %run_scoped3A = arith.constant 0 : i32
    "tpu.region"() ({
      %run_scoped3A_519 = tpu.sem_alloc : memref<!tpu.dma_semaphore, #tpu.memory_space<semaphore_mem>>
      %dma_start3A_520 = arith.constant 0 : i32
      %dma_start3A_521 = arith.constant 0 : i32
      %dma_start3A_522 = tpu.memref_slice %arg9[%run_scoped3A, %dma_start3A_520, %dma_start3A_521] : memref<2x50x128xi32, #tpu.memory_space<vmem>> -> memref<1x50x128xi32, #tpu.memory_space<vmem>>
      %dma_start3A_523 = tpu.memref_squeeze %dma_start3A_522 : memref<1x50x128xi32, #tpu.memory_space<vmem>> -> memref<50x128xi32, #tpu.memory_space<vmem>>
      %dma_start3A_524 = arith.constant 0 : i32
      %dma_start3A_525 = arith.constant 0 : i32
      %dma_start3A_526 = tpu.memref_slice %arg2[%add3A, %dma_start3A_524, %dma_start3A_525] : memref<32x50x128xi32, #tpu.memory_space<hbm>> -> memref<1x50x128xi32, #tpu.memory_space<hbm>>
      %dma_start3A_527 = tpu.memref_squeeze %dma_start3A_526 : memref<1x50x128xi32, #tpu.memory_space<hbm>> -> memref<50x128xi32, #tpu.memory_space<hbm>>
      %dma_start3A_528 = arith.constant 0 : i32
      %dma_start3A_529 = arith.constant 0 : i32
      %dma_start3A_530 = tpu.memref_slice %arg9[%run_scoped3A, %dma_start3A_528, %dma_start3A_529] : memref<2x50x128xi32, #tpu.memory_space<vmem>> -> memref<1x50x128xi32, #tpu.memory_space<vmem>>
      %dma_start3A_531 = tpu.memref_squeeze %dma_start3A_530 : memref<1x50x128xi32, #tpu.memory_space<vmem>> -> memref<50x128xi32, #tpu.memory_space<vmem>>
      %dma_start3A_532 = arith.constant 0 : i32
      %dma_start3A_533 = arith.constant 0 : i32
      %dma_start3A_534 = tpu.memref_slice %arg2[%add3A, %dma_start3A_532, %dma_start3A_533] : memref<32x50x128xi32, #tpu.memory_space<hbm>> -> memref<1x50x128xi32, #tpu.memory_space<hbm>>
      %dma_start3A_535 = tpu.memref_squeeze %dma_start3A_534 : memref<1x50x128xi32, #tpu.memory_space<hbm>> -> memref<50x128xi32, #tpu.memory_space<hbm>>
      tpu.enqueue_dma source(%dma_start3A_535 : memref<50x128xi32, #tpu.memory_space<hbm>>) target(%dma_start3A_531 : memref<50x128xi32, #tpu.memory_space<vmem>>) target_semaphore(%run_scoped3A_519 : memref<!tpu.dma_semaphore, #tpu.memory_space<semaphore_mem>>)
      %dma_wait3A_536 = arith.constant 0 : i32
      %dma_wait3A_537 = arith.constant 0 : i32
      %dma_wait3A_538 = tpu.memref_slice %arg9[%run_scoped3A, %dma_wait3A_536, %dma_wait3A_537] : memref<2x50x128xi32, #tpu.memory_space<vmem>> -> memref<1x50x128xi32, #tpu.memory_space<vmem>>
      %dma_wait3A_539 = tpu.memref_squeeze %dma_wait3A_538 : memref<1x50x128xi32, #tpu.memory_space<vmem>> -> memref<50x128xi32, #tpu.memory_space<vmem>>
      %dma_wait3A_540 = arith.constant 0 : i32
      %dma_wait3A_541 = arith.constant 0 : i32
      %dma_wait3A_542 = tpu.memref_slice %arg2[%add3A, %dma_wait3A_540, %dma_wait3A_541] : memref<32x50x128xi32, #tpu.memory_space<hbm>> -> memref<1x50x128xi32, #tpu.memory_space<hbm>>
      %dma_wait3A_543 = tpu.memref_squeeze %dma_wait3A_542 : memref<1x50x128xi32, #tpu.memory_space<hbm>> -> memref<50x128xi32, #tpu.memory_space<hbm>>
      %dma_wait3A_544 = arith.constant 0 : i32
      %dma_wait3A_545 = arith.constant 0 : i32
      %dma_wait3A_546 = tpu.memref_slice %arg9[%run_scoped3A, %dma_wait3A_544, %dma_wait3A_545] : memref<2x50x128xi32, #tpu.memory_space<vmem>> -> memref<1x50x128xi32, #tpu.memory_space<vmem>>
      %dma_wait3A_547 = tpu.memref_squeeze %dma_wait3A_546 : memref<1x50x128xi32, #tpu.memory_space<vmem>> -> memref<50x128xi32, #tpu.memory_space<vmem>>
      %dma_wait3A_548 = arith.constant 0 : i32
      %dma_wait3A_549 = arith.constant 0 : i32
      %dma_wait3A_550 = tpu.memref_slice %arg2[%add3A, %dma_wait3A_548, %dma_wait3A_549] : memref<32x50x128xi32, #tpu.memory_space<hbm>> -> memref<1x50x128xi32, #tpu.memory_space<hbm>>
      %dma_wait3A_551 = tpu.memref_squeeze %dma_wait3A_550 : memref<1x50x128xi32, #tpu.memory_space<hbm>> -> memref<50x128xi32, #tpu.memory_space<hbm>>
      tpu.wait_dma2 semaphore(%run_scoped3A_519 : memref<!tpu.dma_semaphore, #tpu.memory_space<semaphore_mem>>) src(%dma_wait3A_551 : memref<50x128xi32, #tpu.memory_space<hbm>>) dst(%dma_wait3A_547 : memref<50x128xi32, #tpu.memory_space<vmem>>)
      tpu.yield
    }) : () -> ()
    %run_scoped3A_3 = arith.constant 1 : i32
    "tpu.region"() ({
      %run_scoped3A_519 = tpu.sem_alloc : memref<!tpu.dma_semaphore, #tpu.memory_space<semaphore_mem>>
      %dma_start3A_520 = arith.constant 0 : i32
      %dma_start3A_521 = arith.constant 0 : i32
      %dma_start3A_522 = tpu.memref_slice %arg9[%run_scoped3A_3, %dma_start3A_520, %dma_start3A_521] : memref<2x50x128xi32, #tpu.memory_space<vmem>> -> memref<1x50x128xi32, #tpu.memory_space<vmem>>
      %dma_start3A_523 = tpu.memref_squeeze %dma_start3A_522 : memref<1x50x128xi32, #tpu.memory_space<vmem>> -> memref<50x128xi32, #tpu.memory_space<vmem>>
      %dma_start3A_524 = arith.constant 0 : i32
      %dma_start3A_525 = arith.constant 0 : i32
      %dma_start3A_526 = tpu.memref_slice %arg3[%add3A, %dma_start3A_524, %dma_start3A_525] : memref<32x50x128xi32, #tpu.memory_space<hbm>> -> memref<1x50x128xi32, #tpu.memory_space<hbm>>
      %dma_start3A_527 = tpu.memref_squeeze %dma_start3A_526 : memref<1x50x128xi32, #tpu.memory_space<hbm>> -> memref<50x128xi32, #tpu.memory_space<hbm>>
      %dma_start3A_528 = arith.constant 0 : i32
      %dma_start3A_529 = arith.constant 0 : i32
      %dma_start3A_530 = tpu.memref_slice %arg9[%run_scoped3A_3, %dma_start3A_528, %dma_start3A_529] : memref<2x50x128xi32, #tpu.memory_space<vmem>> -> memref<1x50x128xi32, #tpu.memory_space<vmem>>
      %dma_start3A_531 = tpu.memref_squeeze %dma_start3A_530 : memref<1x50x128xi32, #tpu.memory_space<vmem>> -> memref<50x128xi32, #tpu.memory_space<vmem>>
      %dma_start3A_532 = arith.constant 0 : i32
      %dma_start3A_533 = arith.constant 0 : i32
      %dma_start3A_534 = tpu.memref_slice %arg3[%add3A, %dma_start3A_532, %dma_start3A_533] : memref<32x50x128xi32, #tpu.memory_space<hbm>> -> memref<1x50x128xi32, #tpu.memory_space<hbm>>
      %dma_start3A_535 = tpu.memref_squeeze %dma_start3A_534 : memref<1x50x128xi32, #tpu.memory_space<hbm>> -> memref<50x128xi32, #tpu.memory_space<hbm>>
      tpu.enqueue_dma source(%dma_start3A_535 : memref<50x128xi32, #tpu.memory_space<hbm>>) target(%dma_start3A_531 : memref<50x128xi32, #tpu.memory_space<vmem>>) target_semaphore(%run_scoped3A_519 : memref<!tpu.dma_semaphore, #tpu.memory_space<semaphore_mem>>)
      %dma_wait3A_536 = arith.constant 0 : i32
      %dma_wait3A_537 = arith.constant 0 : i32
      %dma_wait3A_538 = tpu.memref_slice %arg9[%run_scoped3A_3, %dma_wait3A_536, %dma_wait3A_537] : memref<2x50x128xi32, #tpu.memory_space<vmem>> -> memref<1x50x128xi32, #tpu.memory_space<vmem>>
      %dma_wait3A_539 = tpu.memref_squeeze %dma_wait3A_538 : memref<1x50x128xi32, #tpu.memory_space<vmem>> -> memref<50x128xi32, #tpu.memory_space<vmem>>
      %dma_wait3A_540 = arith.constant 0 : i32
      %dma_wait3A_541 = arith.constant 0 : i32
      %dma_wait3A_542 = tpu.memref_slice %arg3[%add3A, %dma_wait3A_540, %dma_wait3A_541] : memref<32x50x128xi32, #tpu.memory_space<hbm>> -> memref<1x50x128xi32, #tpu.memory_space<hbm>>
      %dma_wait3A_543 = tpu.memref_squeeze %dma_wait3A_542 : memref<1x50x128xi32, #tpu.memory_space<hbm>> -> memref<50x128xi32, #tpu.memory_space<hbm>>
      %dma_wait3A_544 = arith.constant 0 : i32
      %dma_wait3A_545 = arith.constant 0 : i32
      %dma_wait3A_546 = tpu.memref_slice %arg9[%run_scoped3A_3, %dma_wait3A_544, %dma_wait3A_545] : memref<2x50x128xi32, #tpu.memory_space<vmem>> -> memref<1x50x128xi32, #tpu.memory_space<vmem>>
      %dma_wait3A_547 = tpu.memref_squeeze %dma_wait3A_546 : memref<1x50x128xi32, #tpu.memory_space<vmem>> -> memref<50x128xi32, #tpu.memory_space<vmem>>
      %dma_wait3A_548 = arith.constant 0 : i32
      %dma_wait3A_549 = arith.constant 0 : i32
      %dma_wait3A_550 = tpu.memref_slice %arg3[%add3A, %dma_wait3A_548, %dma_wait3A_549] : memref<32x50x128xi32, #tpu.memory_space<hbm>> -> memref<1x50x128xi32, #tpu.memory_space<hbm>>
      %dma_wait3A_551 = tpu.memref_squeeze %dma_wait3A_550 : memref<1x50x128xi32, #tpu.memory_space<hbm>> -> memref<50x128xi32, #tpu.memory_space<hbm>>
      tpu.wait_dma2 semaphore(%run_scoped3A_519 : memref<!tpu.dma_semaphore, #tpu.memory_space<semaphore_mem>>) src(%dma_wait3A_551 : memref<50x128xi32, #tpu.memory_space<hbm>>) dst(%dma_wait3A_547 : memref<50x128xi32, #tpu.memory_space<vmem>>)
      tpu.yield
    }) : () -> ()
    "tpu.region"() ({
      %run_scoped3A_519 = tpu.sem_alloc : memref<!tpu.dma_semaphore, #tpu.memory_space<semaphore_mem>>
      %dma_start3A_520 = arith.constant 0 : i32
      %dma_start3A_521 = arith.constant 0 : i32
      %dma_start3A_522 = tpu.memref_slice %arg4[%arg1, %dma_start3A_520, %dma_start3A_521] : memref<16x50x128xi32, #tpu.memory_space<hbm>> -> memref<1x50x128xi32, #tpu.memory_space<hbm>>
      %dma_start3A_523 = tpu.memref_squeeze %dma_start3A_522 : memref<1x50x128xi32, #tpu.memory_space<hbm>> -> memref<50x128xi32, #tpu.memory_space<hbm>>
      %dma_start3A_524 = arith.constant 0 : i32
      %dma_start3A_525 = arith.constant 0 : i32
      %dma_start3A_526 = tpu.memref_slice %arg4[%arg1, %dma_start3A_524, %dma_start3A_525] : memref<16x50x128xi32, #tpu.memory_space<hbm>> -> memref<1x50x128xi32, #tpu.memory_space<hbm>>
      %dma_start3A_527 = tpu.memref_squeeze %dma_start3A_526 : memref<1x50x128xi32, #tpu.memory_space<hbm>> -> memref<50x128xi32, #tpu.memory_space<hbm>>
      tpu.enqueue_dma source(%dma_start3A_527 : memref<50x128xi32, #tpu.memory_space<hbm>>) target(%arg10 : memref<50x128xi32, #tpu.memory_space<vmem>>) target_semaphore(%run_scoped3A_519 : memref<!tpu.dma_semaphore, #tpu.memory_space<semaphore_mem>>)
      %dma_wait3A_528 = arith.constant 0 : i32
      %dma_wait3A_529 = arith.constant 0 : i32
      %dma_wait3A_530 = tpu.memref_slice %arg4[%arg1, %dma_wait3A_528, %dma_wait3A_529] : memref<16x50x128xi32, #tpu.memory_space<hbm>> -> memref<1x50x128xi32, #tpu.memory_space<hbm>>
      %dma_wait3A_531 = tpu.memref_squeeze %dma_wait3A_530 : memref<1x50x128xi32, #tpu.memory_space<hbm>> -> memref<50x128xi32, #tpu.memory_space<hbm>>
      %dma_wait3A_532 = arith.constant 0 : i32
      %dma_wait3A_533 = arith.constant 0 : i32
      %dma_wait3A_534 = tpu.memref_slice %arg4[%arg1, %dma_wait3A_532, %dma_wait3A_533] : memref<16x50x128xi32, #tpu.memory_space<hbm>> -> memref<1x50x128xi32, #tpu.memory_space<hbm>>
      %dma_wait3A_535 = tpu.memref_squeeze %dma_wait3A_534 : memref<1x50x128xi32, #tpu.memory_space<hbm>> -> memref<50x128xi32, #tpu.memory_space<hbm>>
      tpu.wait_dma2 semaphore(%run_scoped3A_519 : memref<!tpu.dma_semaphore, #tpu.memory_space<semaphore_mem>>) src(%dma_wait3A_535 : memref<50x128xi32, #tpu.memory_space<hbm>>) dst(%arg10 : memref<50x128xi32, #tpu.memory_space<vmem>>)
      tpu.yield
    }) : () -> ()
    %mul3A_4 = arith.constant 128 : i32
    %mul3A_5 = arith.muli %arg1, %mul3A_4 : i32
    %dma_start3A = arith.constant 0 : i32
    %dma_start3A_6 = tpu.memref_slice %arg12[%mul3A_5, %dma_start3A] : memref<2048x64xf32, #tpu.memory_space<vmem_shared>> -> memref<128x64xf32, #tpu.memory_space<vmem_shared>>
    tpu.enqueue_dma source(%arg5 : memref<128x64xf32, #tpu.memory_space<hbm>>) target(%dma_start3A_6 : memref<128x64xf32, #tpu.memory_space<vmem_shared>>) target_semaphore(%arg16 : memref<!tpu.dma_semaphore, #tpu.memory_space<semaphore_mem>>)
    %dma_start3A_7 = arith.constant 0 : i32
    %dma_start3A_8 = tpu.memref_slice %arg13[%mul3A_5, %dma_start3A_7] : memref<2048x64xf32, #tpu.memory_space<vmem_shared>> -> memref<128x64xf32, #tpu.memory_space<vmem_shared>>
    tpu.enqueue_dma source(%arg5 : memref<128x64xf32, #tpu.memory_space<hbm>>) target(%dma_start3A_8 : memref<128x64xf32, #tpu.memory_space<vmem_shared>>) target_semaphore(%arg16 : memref<!tpu.dma_semaphore, #tpu.memory_space<semaphore_mem>>)
    %dma_wait3A = arith.constant 0 : i32
    %dma_wait3A_9 = tpu.memref_slice %arg12[%mul3A_5, %dma_wait3A] : memref<2048x64xf32, #tpu.memory_space<vmem_shared>> -> memref<128x64xf32, #tpu.memory_space<vmem_shared>>
    tpu.wait_dma2 semaphore(%arg16 : memref<!tpu.dma_semaphore, #tpu.memory_space<semaphore_mem>>) src(%arg5 : memref<128x64xf32, #tpu.memory_space<hbm>>) dst(%dma_wait3A_9 : memref<128x64xf32, #tpu.memory_space<vmem_shared>>)
    %dma_wait3A_10 = arith.constant 0 : i32
    %dma_wait3A_11 = tpu.memref_slice %arg13[%mul3A_5, %dma_wait3A_10] : memref<2048x64xf32, #tpu.memory_space<vmem_shared>> -> memref<128x64xf32, #tpu.memory_space<vmem_shared>>
    tpu.wait_dma2 semaphore(%arg16 : memref<!tpu.dma_semaphore, #tpu.memory_space<semaphore_mem>>) src(%arg5 : memref<128x64xf32, #tpu.memory_space<hbm>>) dst(%dma_wait3A_11 : memref<128x64xf32, #tpu.memory_space<vmem_shared>>)
    %dma_start3A_12 = arith.constant 0 : i32
    %dma_start3A_13 = arith.constant 0 : i32
    %dma_start3A_14 = arith.constant 0 : i32
    %dma_start3A_15 = arith.constant 0 : i32
    %dma_start3A_16 = arith.constant 0 : i32
    %dma_start3A_17 = arith.constant 0 : i32
    %dma_start3A_18 = tpu.memref_slice %arg11[%dma_start3A_14, %dma_start3A_16, %dma_start3A_17] : memref<4x128x64xf32, #tpu.memory_space<vmem>> -> memref<1x128x64xf32, #tpu.memory_space<vmem>>
    %dma_start3A_19 = tpu.memref_squeeze %dma_start3A_18 : memref<1x128x64xf32, #tpu.memory_space<vmem>> -> memref<128x64xf32, #tpu.memory_space<vmem>>
    %dma_start3A_20 = arith.constant 0 : i32
    %dma_start3A_21 = tpu.memref_slice %arg9[%dma_start3A_12, %dma_start3A_13, %dma_start3A_20] : memref<2x50x128xi32, #tpu.memory_space<vmem>> -> memref<1x1x128xi32, #tpu.memory_space<vmem>>
    %dma_start3A_22 = tpu.memref_squeeze %dma_start3A_21 : memref<1x1x128xi32, #tpu.memory_space<vmem>> -> memref<128xi32, #tpu.memory_space<vmem>>
    %dma_start3A_23 = arith.constant 0 : i32
    %dma_start3A_24 = arith.constant 0 : i32
    %dma_start3A_25 = tpu.memref_slice %arg6[%dma_start3A_23, %dma_start3A_24] : memref<100000x64xf32, #tpu.memory_space<hbm>> -> memref<100000x64xf32, #tpu.memory_space<hbm>>
    %dma_start3A_26 = tpu.memref_slice %arg14[%dma_start3A_15] : memref<4x!tpu.dma_semaphore, #tpu.memory_space<semaphore_mem>> -> memref<1x!tpu.dma_semaphore, #tpu.memory_space<semaphore_mem>>
    %dma_start3A_27 = tpu.memref_squeeze %dma_start3A_26 : memref<1x!tpu.dma_semaphore, #tpu.memory_space<semaphore_mem>> -> memref<!tpu.dma_semaphore, #tpu.memory_space<semaphore_mem>>
    tpu.enqueue_indirect_dma source(%dma_start3A_25 : memref<100000x64xf32, #tpu.memory_space<hbm>>) target(%dma_start3A_19 : memref<128x64xf32, #tpu.memory_space<vmem>>) offsets(%dma_start3A_22 : memref<128xi32, #tpu.memory_space<vmem>>) semaphore(%dma_start3A_27 : memref<!tpu.dma_semaphore, #tpu.memory_space<semaphore_mem>>)
    %dma_start3A_28 = arith.constant 0 : i32
    %dma_start3A_29 = arith.constant 1 : i32
    %dma_start3A_30 = arith.constant 1 : i32
    %dma_start3A_31 = arith.constant 1 : i32
    %dma_start3A_32 = arith.constant 0 : i32
    %dma_start3A_33 = arith.constant 0 : i32
    %dma_start3A_34 = tpu.memref_slice %arg11[%dma_start3A_30, %dma_start3A_32, %dma_start3A_33] : memref<4x128x64xf32, #tpu.memory_space<vmem>> -> memref<1x128x64xf32, #tpu.memory_space<vmem>>
    %dma_start3A_35 = tpu.memref_squeeze %dma_start3A_34 : memref<1x128x64xf32, #tpu.memory_space<vmem>> -> memref<128x64xf32, #tpu.memory_space<vmem>>
    %dma_start3A_36 = arith.constant 0 : i32
    %dma_start3A_37 = tpu.memref_slice %arg9[%dma_start3A_28, %dma_start3A_29, %dma_start3A_36] : memref<2x50x128xi32, #tpu.memory_space<vmem>> -> memref<1x1x128xi32, #tpu.memory_space<vmem>>
    %dma_start3A_38 = tpu.memref_squeeze %dma_start3A_37 : memref<1x1x128xi32, #tpu.memory_space<vmem>> -> memref<128xi32, #tpu.memory_space<vmem>>
    %dma_start3A_39 = arith.constant 0 : i32
    %dma_start3A_40 = arith.constant 0 : i32
    %dma_start3A_41 = tpu.memref_slice %arg6[%dma_start3A_39, %dma_start3A_40] : memref<100000x64xf32, #tpu.memory_space<hbm>> -> memref<100000x64xf32, #tpu.memory_space<hbm>>
    %dma_start3A_42 = tpu.memref_slice %arg14[%dma_start3A_31] : memref<4x!tpu.dma_semaphore, #tpu.memory_space<semaphore_mem>> -> memref<1x!tpu.dma_semaphore, #tpu.memory_space<semaphore_mem>>
    %dma_start3A_43 = tpu.memref_squeeze %dma_start3A_42 : memref<1x!tpu.dma_semaphore, #tpu.memory_space<semaphore_mem>> -> memref<!tpu.dma_semaphore, #tpu.memory_space<semaphore_mem>>
    tpu.enqueue_indirect_dma source(%dma_start3A_41 : memref<100000x64xf32, #tpu.memory_space<hbm>>) target(%dma_start3A_35 : memref<128x64xf32, #tpu.memory_space<vmem>>) offsets(%dma_start3A_38 : memref<128xi32, #tpu.memory_space<vmem>>) semaphore(%dma_start3A_43 : memref<!tpu.dma_semaphore, #tpu.memory_space<semaphore_mem>>)
    %dma_start3A_44 = arith.constant 0 : i32
    %dma_start3A_45 = arith.constant 2 : i32
    %dma_start3A_46 = arith.constant 2 : i32
    %dma_start3A_47 = arith.constant 2 : i32
    %dma_start3A_48 = arith.constant 0 : i32
    %dma_start3A_49 = arith.constant 0 : i32
    %dma_start3A_50 = tpu.memref_slice %arg11[%dma_start3A_46, %dma_start3A_48, %dma_start3A_49] : memref<4x128x64xf32, #tpu.memory_space<vmem>> -> memref<1x128x64xf32, #tpu.memory_space<vmem>>
    %dma_start3A_51 = tpu.memref_squeeze %dma_start3A_50 : memref<1x128x64xf32, #tpu.memory_space<vmem>> -> memref<128x64xf32, #tpu.memory_space<vmem>>
    %dma_start3A_52 = arith.constant 0 : i32
    %dma_start3A_53 = tpu.memref_slice %arg9[%dma_start3A_44, %dma_start3A_45, %dma_start3A_52] : memref<2x50x128xi32, #tpu.memory_space<vmem>> -> memref<1x1x128xi32, #tpu.memory_space<vmem>>
    %dma_start3A_54 = tpu.memref_squeeze %dma_start3A_53 : memref<1x1x128xi32, #tpu.memory_space<vmem>> -> memref<128xi32, #tpu.memory_space<vmem>>
    %dma_start3A_55 = arith.constant 0 : i32
    %dma_start3A_56 = arith.constant 0 : i32
    %dma_start3A_57 = tpu.memref_slice %arg6[%dma_start3A_55, %dma_start3A_56] : memref<100000x64xf32, #tpu.memory_space<hbm>> -> memref<100000x64xf32, #tpu.memory_space<hbm>>
    %dma_start3A_58 = tpu.memref_slice %arg14[%dma_start3A_47] : memref<4x!tpu.dma_semaphore, #tpu.memory_space<semaphore_mem>> -> memref<1x!tpu.dma_semaphore, #tpu.memory_space<semaphore_mem>>
    %dma_start3A_59 = tpu.memref_squeeze %dma_start3A_58 : memref<1x!tpu.dma_semaphore, #tpu.memory_space<semaphore_mem>> -> memref<!tpu.dma_semaphore, #tpu.memory_space<semaphore_mem>>
    tpu.enqueue_indirect_dma source(%dma_start3A_57 : memref<100000x64xf32, #tpu.memory_space<hbm>>) target(%dma_start3A_51 : memref<128x64xf32, #tpu.memory_space<vmem>>) offsets(%dma_start3A_54 : memref<128xi32, #tpu.memory_space<vmem>>) semaphore(%dma_start3A_59 : memref<!tpu.dma_semaphore, #tpu.memory_space<semaphore_mem>>)
    %dma_start3A_60 = arith.constant 0 : i32
    %dma_start3A_61 = arith.constant 3 : i32
    %dma_start3A_62 = arith.constant 3 : i32
    %dma_start3A_63 = arith.constant 3 : i32
    %dma_start3A_64 = arith.constant 0 : i32
    %dma_start3A_65 = arith.constant 0 : i32
    %dma_start3A_66 = tpu.memref_slice %arg11[%dma_start3A_62, %dma_start3A_64, %dma_start3A_65] : memref<4x128x64xf32, #tpu.memory_space<vmem>> -> memref<1x128x64xf32, #tpu.memory_space<vmem>>
    %dma_start3A_67 = tpu.memref_squeeze %dma_start3A_66 : memref<1x128x64xf32, #tpu.memory_space<vmem>> -> memref<128x64xf32, #tpu.memory_space<vmem>>
    %dma_start3A_68 = arith.constant 0 : i32
    %dma_start3A_69 = tpu.memref_slice %arg9[%dma_start3A_60, %dma_start3A_61, %dma_start3A_68] : memref<2x50x128xi32, #tpu.memory_space<vmem>> -> memref<1x1x128xi32, #tpu.memory_space<vmem>>
    %dma_start3A_70 = tpu.memref_squeeze %dma_start3A_69 : memref<1x1x128xi32, #tpu.memory_space<vmem>> -> memref<128xi32, #tpu.memory_space<vmem>>
    %dma_start3A_71 = arith.constant 0 : i32
    %dma_start3A_72 = arith.constant 0 : i32
    %dma_start3A_73 = tpu.memref_slice %arg6[%dma_start3A_71, %dma_start3A_72] : memref<100000x64xf32, #tpu.memory_space<hbm>> -> memref<100000x64xf32, #tpu.memory_space<hbm>>
    %dma_start3A_74 = tpu.memref_slice %arg14[%dma_start3A_63] : memref<4x!tpu.dma_semaphore, #tpu.memory_space<semaphore_mem>> -> memref<1x!tpu.dma_semaphore, #tpu.memory_space<semaphore_mem>>
    %dma_start3A_75 = tpu.memref_squeeze %dma_start3A_74 : memref<1x!tpu.dma_semaphore, #tpu.memory_space<semaphore_mem>> -> memref<!tpu.dma_semaphore, #tpu.memory_space<semaphore_mem>>
    tpu.enqueue_indirect_dma source(%dma_start3A_73 : memref<100000x64xf32, #tpu.memory_space<hbm>>) target(%dma_start3A_67 : memref<128x64xf32, #tpu.memory_space<vmem>>) offsets(%dma_start3A_70 : memref<128xi32, #tpu.memory_space<vmem>>) semaphore(%dma_start3A_75 : memref<!tpu.dma_semaphore, #tpu.memory_space<semaphore_mem>>)
    %dma_wait3A_76 = arith.constant 0 : i32
    %dma_wait3A_77 = arith.constant 0 : i32
    %dma_wait3A_78 = arith.constant 0 : i32
    %dma_wait3A_79 = arith.constant 0 : i32
    %dma_wait3A_80 = arith.constant 0 : i32
    %dma_wait3A_81 = arith.constant 0 : i32
    %dma_wait3A_82 = tpu.memref_slice %arg11[%dma_wait3A_78, %dma_wait3A_80, %dma_wait3A_81] : memref<4x128x64xf32, #tpu.memory_space<vmem>> -> memref<1x128x64xf32, #tpu.memory_space<vmem>>
    %dma_wait3A_83 = tpu.memref_squeeze %dma_wait3A_82 : memref<1x128x64xf32, #tpu.memory_space<vmem>> -> memref<128x64xf32, #tpu.memory_space<vmem>>
    %dma_wait3A_84 = arith.constant 0 : i32
    %dma_wait3A_85 = tpu.memref_slice %arg9[%dma_wait3A_76, %dma_wait3A_77, %dma_wait3A_84] : memref<2x50x128xi32, #tpu.memory_space<vmem>> -> memref<1x1x128xi32, #tpu.memory_space<vmem>>
    %dma_wait3A_86 = tpu.memref_squeeze %dma_wait3A_85 : memref<1x1x128xi32, #tpu.memory_space<vmem>> -> memref<128xi32, #tpu.memory_space<vmem>>
    %dma_wait3A_87 = arith.constant 0 : i32
    %dma_wait3A_88 = arith.constant 0 : i32
    %dma_wait3A_89 = tpu.memref_slice %arg6[%dma_wait3A_87, %dma_wait3A_88] : memref<100000x64xf32, #tpu.memory_space<hbm>> -> memref<100000x64xf32, #tpu.memory_space<hbm>>
    %dma_wait3A_90 = tpu.memref_slice %arg14[%dma_wait3A_79] : memref<4x!tpu.dma_semaphore, #tpu.memory_space<semaphore_mem>> -> memref<1x!tpu.dma_semaphore, #tpu.memory_space<semaphore_mem>>
    %dma_wait3A_91 = tpu.memref_squeeze %dma_wait3A_90 : memref<1x!tpu.dma_semaphore, #tpu.memory_space<semaphore_mem>> -> memref<!tpu.dma_semaphore, #tpu.memory_space<semaphore_mem>>
    tpu.wait_indirect_dma semaphore(%dma_wait3A_91 : memref<!tpu.dma_semaphore, #tpu.memory_space<semaphore_mem>>) src(%dma_wait3A_89 : memref<100000x64xf32, #tpu.memory_space<hbm>>) dst(%dma_wait3A_83 : memref<128x64xf32, #tpu.memory_space<vmem>>)
    %dma_start3A_92 = arith.constant 0 : i32
    %dma_start3A_93 = arith.constant 0 : i32
    %dma_start3A_94 = arith.constant 0 : i32
    %dma_start3A_95 = arith.constant 0 : i32
    %dma_start3A_96 = arith.constant 0 : i32
    %dma_start3A_97 = tpu.memref_slice %arg11[%dma_start3A_92, %dma_start3A_95, %dma_start3A_96] : memref<4x128x64xf32, #tpu.memory_space<vmem>> -> memref<1x128x64xf32, #tpu.memory_space<vmem>>
    %dma_start3A_98 = tpu.memref_squeeze %dma_start3A_97 : memref<1x128x64xf32, #tpu.memory_space<vmem>> -> memref<128x64xf32, #tpu.memory_space<vmem>>
    %dma_start3A_99 = arith.constant 0 : i32
    %dma_start3A_100 = tpu.memref_slice %arg10[%dma_start3A_93, %dma_start3A_99] : memref<50x128xi32, #tpu.memory_space<vmem>> -> memref<1x128xi32, #tpu.memory_space<vmem>>
    %dma_start3A_101 = tpu.memref_squeeze %dma_start3A_100 : memref<1x128xi32, #tpu.memory_space<vmem>> -> memref<128xi32, #tpu.memory_space<vmem>>
    %dma_start3A_102 = arith.constant 0 : i32
    %dma_start3A_103 = arith.constant 0 : i32
    %dma_start3A_104 = tpu.memref_slice %arg12[%dma_start3A_102, %dma_start3A_103] : memref<2048x64xf32, #tpu.memory_space<vmem_shared>> -> memref<2048x64xf32, #tpu.memory_space<vmem_shared>>
    %dma_start3A_105 = tpu.memref_slice %arg15[%dma_start3A_94] : memref<4x!tpu.dma_semaphore, #tpu.memory_space<semaphore_mem>> -> memref<1x!tpu.dma_semaphore, #tpu.memory_space<semaphore_mem>>
    %dma_start3A_106 = tpu.memref_squeeze %dma_start3A_105 : memref<1x!tpu.dma_semaphore, #tpu.memory_space<semaphore_mem>> -> memref<!tpu.dma_semaphore, #tpu.memory_space<semaphore_mem>>
    tpu.enqueue_indirect_dma source(%dma_start3A_98 : memref<128x64xf32, #tpu.memory_space<vmem>>) target(%dma_start3A_104 : memref<2048x64xf32, #tpu.memory_space<vmem_shared>>) offsets(%dma_start3A_101 : memref<128xi32, #tpu.memory_space<vmem>>) semaphore(%dma_start3A_106 : memref<!tpu.dma_semaphore, #tpu.memory_space<semaphore_mem>>) {add = true}
    %scan3A = arith.constant 0 : i32
    %scan3A_107 = arith.constant 1 : i32
    %scan3A_108 = arith.constant 46 : i32
    %scan3A_109 = arith.addi %scan3A_107, %scan3A_108 : i32
    %scan3A_110 = arith.constant 2 : i32
    scf.for %scan3A_519 = %scan3A_107 to %scan3A_109 step %scan3A_110  : i32 {
      %jit3A = arith.constant 4 : i32
      %eq3A = arith.constant 0 : i32
      %eq3A_520 = arith.cmpi eq, %jit3A, %eq3A : i32
      %jit3A_521 = arith.constant 1 : i32
      %select_n3A = arith.select %eq3A_520, %jit3A_521, %jit3A : i32
      %rem3A = arith.remsi %scan3A_519, %select_n3A : i32
      %ne3A = arith.constant 0 : i32
      %ne3A_522 = arith.cmpi ne, %rem3A, %ne3A : i32
      %lt3A = arith.constant 0 : i32
      %lt3A_523 = arith.cmpi slt, %rem3A, %lt3A : i32
      %lt3A_524 = arith.constant 0 : i32
      %lt3A_525 = arith.cmpi slt, %select_n3A, %lt3A_524 : i32
      %ne3A_526 = arith.xori %lt3A_523, %lt3A_525 : i1
      %and3A = arith.andi %ne3A_526, %ne3A_522 : i1
      %add3A_527 = arith.addi %rem3A, %select_n3A : i32
      %select_n3A_528 = arith.select %and3A, %add3A_527, %rem3A : i32
      %sub3A = arith.constant 1 : i32
      %sub3A_529 = arith.subi %scan3A_519, %sub3A : i32
      %jit3A_530 = arith.constant 4 : i32
      %eq3A_531 = arith.constant 0 : i32
      %eq3A_532 = arith.cmpi eq, %jit3A_530, %eq3A_531 : i32
      %jit3A_533 = arith.constant 1 : i32
      %select_n3A_534 = arith.select %eq3A_532, %jit3A_533, %jit3A_530 : i32
      %rem3A_535 = arith.remsi %sub3A_529, %select_n3A_534 : i32
      %ne3A_536 = arith.constant 0 : i32
      %ne3A_537 = arith.cmpi ne, %rem3A_535, %ne3A_536 : i32
      %lt3A_538 = arith.constant 0 : i32
      %lt3A_539 = arith.cmpi slt, %rem3A_535, %lt3A_538 : i32
      %lt3A_540 = arith.constant 0 : i32
      %lt3A_541 = arith.cmpi slt, %select_n3A_534, %lt3A_540 : i32
      %ne3A_542 = arith.xori %lt3A_539, %lt3A_541 : i1
      %and3A_543 = arith.andi %ne3A_542, %ne3A_537 : i1
      %add3A_544 = arith.addi %rem3A_535, %select_n3A_534 : i32
      %select_n3A_545 = arith.select %and3A_543, %add3A_544, %rem3A_535 : i32
      %dma_wait3A_546 = arith.constant 0 : i32
      %dma_wait3A_547 = arith.constant 0 : i32
      %dma_wait3A_548 = arith.constant 0 : i32
      %dma_wait3A_549 = arith.constant 0 : i32
      %dma_wait3A_550 = tpu.memref_slice %arg11[%select_n3A_528, %dma_wait3A_548, %dma_wait3A_549] : memref<4x128x64xf32, #tpu.memory_space<vmem>> -> memref<1x128x64xf32, #tpu.memory_space<vmem>>
      %dma_wait3A_551 = tpu.memref_squeeze %dma_wait3A_550 : memref<1x128x64xf32, #tpu.memory_space<vmem>> -> memref<128x64xf32, #tpu.memory_space<vmem>>
      %dma_wait3A_552 = arith.constant 0 : i32
      %dma_wait3A_553 = tpu.memref_slice %arg9[%dma_wait3A_546, %dma_wait3A_547, %dma_wait3A_552] : memref<2x50x128xi32, #tpu.memory_space<vmem>> -> memref<1x1x128xi32, #tpu.memory_space<vmem>>
      %dma_wait3A_554 = tpu.memref_squeeze %dma_wait3A_553 : memref<1x1x128xi32, #tpu.memory_space<vmem>> -> memref<128xi32, #tpu.memory_space<vmem>>
      %dma_wait3A_555 = arith.constant 0 : i32
      %dma_wait3A_556 = arith.constant 0 : i32
      %dma_wait3A_557 = tpu.memref_slice %arg6[%dma_wait3A_555, %dma_wait3A_556] : memref<100000x64xf32, #tpu.memory_space<hbm>> -> memref<100000x64xf32, #tpu.memory_space<hbm>>
      %dma_wait3A_558 = tpu.memref_slice %arg14[%select_n3A_528] : memref<4x!tpu.dma_semaphore, #tpu.memory_space<semaphore_mem>> -> memref<1x!tpu.dma_semaphore, #tpu.memory_space<semaphore_mem>>
      %dma_wait3A_559 = tpu.memref_squeeze %dma_wait3A_558 : memref<1x!tpu.dma_semaphore, #tpu.memory_space<semaphore_mem>> -> memref<!tpu.dma_semaphore, #tpu.memory_space<semaphore_mem>>
      tpu.wait_indirect_dma semaphore(%dma_wait3A_559 : memref<!tpu.dma_semaphore, #tpu.memory_space<semaphore_mem>>) src(%dma_wait3A_557 : memref<100000x64xf32, #tpu.memory_space<hbm>>) dst(%dma_wait3A_551 : memref<128x64xf32, #tpu.memory_space<vmem>>)
      %dma_start3A_560 = arith.constant 0 : i32
      %dma_start3A_561 = arith.constant 0 : i32
      %dma_start3A_562 = tpu.memref_slice %arg11[%select_n3A_528, %dma_start3A_560, %dma_start3A_561] : memref<4x128x64xf32, #tpu.memory_space<vmem>> -> memref<1x128x64xf32, #tpu.memory_space<vmem>>
      %dma_start3A_563 = tpu.memref_squeeze %dma_start3A_562 : memref<1x128x64xf32, #tpu.memory_space<vmem>> -> memref<128x64xf32, #tpu.memory_space<vmem>>
      %dma_start3A_564 = arith.constant 0 : i32
      %dma_start3A_565 = tpu.memref_slice %arg10[%scan3A_519, %dma_start3A_564] : memref<50x128xi32, #tpu.memory_space<vmem>> -> memref<1x128xi32, #tpu.memory_space<vmem>>
      %dma_start3A_566 = tpu.memref_squeeze %dma_start3A_565 : memref<1x128xi32, #tpu.memory_space<vmem>> -> memref<128xi32, #tpu.memory_space<vmem>>
      %dma_start3A_567 = arith.constant 0 : i32
      %dma_start3A_568 = arith.constant 0 : i32
      %dma_start3A_569 = tpu.memref_slice %arg12[%dma_start3A_567, %dma_start3A_568] : memref<2048x64xf32, #tpu.memory_space<vmem_shared>> -> memref<2048x64xf32, #tpu.memory_space<vmem_shared>>
      %dma_start3A_570 = tpu.memref_slice %arg15[%select_n3A_528] : memref<4x!tpu.dma_semaphore, #tpu.memory_space<semaphore_mem>> -> memref<1x!tpu.dma_semaphore, #tpu.memory_space<semaphore_mem>>
      %dma_start3A_571 = tpu.memref_squeeze %dma_start3A_570 : memref<1x!tpu.dma_semaphore, #tpu.memory_space<semaphore_mem>> -> memref<!tpu.dma_semaphore, #tpu.memory_space<semaphore_mem>>
      tpu.enqueue_indirect_dma source(%dma_start3A_563 : memref<128x64xf32, #tpu.memory_space<vmem>>) target(%dma_start3A_569 : memref<2048x64xf32, #tpu.memory_space<vmem_shared>>) offsets(%dma_start3A_566 : memref<128xi32, #tpu.memory_space<vmem>>) semaphore(%dma_start3A_571 : memref<!tpu.dma_semaphore, #tpu.memory_space<semaphore_mem>>) {add = true}
      %dma_wait3A_572 = arith.constant 0 : i32
      %dma_wait3A_573 = arith.constant 0 : i32
      %dma_wait3A_574 = arith.constant 0 : i32
      %dma_wait3A_575 = tpu.memref_slice %arg11[%select_n3A_545, %dma_wait3A_573, %dma_wait3A_574] : memref<4x128x64xf32, #tpu.memory_space<vmem>> -> memref<1x128x64xf32, #tpu.memory_space<vmem>>
      %dma_wait3A_576 = tpu.memref_squeeze %dma_wait3A_575 : memref<1x128x64xf32, #tpu.memory_space<vmem>> -> memref<128x64xf32, #tpu.memory_space<vmem>>
      %dma_wait3A_577 = arith.constant 0 : i32
      %dma_wait3A_578 = tpu.memref_slice %arg10[%dma_wait3A_572, %dma_wait3A_577] : memref<50x128xi32, #tpu.memory_space<vmem>> -> memref<1x128xi32, #tpu.memory_space<vmem>>
      %dma_wait3A_579 = tpu.memref_squeeze %dma_wait3A_578 : memref<1x128xi32, #tpu.memory_space<vmem>> -> memref<128xi32, #tpu.memory_space<vmem>>
      %dma_wait3A_580 = arith.constant 0 : i32
      %dma_wait3A_581 = arith.constant 0 : i32
      %dma_wait3A_582 = tpu.memref_slice %arg12[%dma_wait3A_580, %dma_wait3A_581] : memref<2048x64xf32, #tpu.memory_space<vmem_shared>> -> memref<2048x64xf32, #tpu.memory_space<vmem_shared>>
      %dma_wait3A_583 = tpu.memref_slice %arg15[%select_n3A_545] : memref<4x!tpu.dma_semaphore, #tpu.memory_space<semaphore_mem>> -> memref<1x!tpu.dma_semaphore, #tpu.memory_space<semaphore_mem>>
      %dma_wait3A_584 = tpu.memref_squeeze %dma_wait3A_583 : memref<1x!tpu.dma_semaphore, #tpu.memory_space<semaphore_mem>> -> memref<!tpu.dma_semaphore, #tpu.memory_space<semaphore_mem>>
      tpu.wait_indirect_dma semaphore(%dma_wait3A_584 : memref<!tpu.dma_semaphore, #tpu.memory_space<semaphore_mem>>) src(%dma_wait3A_576 : memref<128x64xf32, #tpu.memory_space<vmem>>) dst(%dma_wait3A_582 : memref<2048x64xf32, #tpu.memory_space<vmem_shared>>)
      %sub3A_585 = arith.constant 1 : i32
      %sub3A_586 = arith.subi %scan3A_519, %sub3A_585 : i32
      %add3A_587 = arith.constant 4 : i32
      %add3A_588 = arith.addi %sub3A_586, %add3A_587 : i32
      %dma_start3A_589 = arith.constant 0 : i32
      %dma_start3A_590 = arith.constant 0 : i32
      %dma_start3A_591 = arith.constant 0 : i32
      %dma_start3A_592 = tpu.memref_slice %arg11[%select_n3A_545, %dma_start3A_590, %dma_start3A_591] : memref<4x128x64xf32, #tpu.memory_space<vmem>> -> memref<1x128x64xf32, #tpu.memory_space<vmem>>
      %dma_start3A_593 = tpu.memref_squeeze %dma_start3A_592 : memref<1x128x64xf32, #tpu.memory_space<vmem>> -> memref<128x64xf32, #tpu.memory_space<vmem>>
      %dma_start3A_594 = arith.constant 0 : i32
      %dma_start3A_595 = tpu.memref_slice %arg9[%dma_start3A_589, %add3A_588, %dma_start3A_594] : memref<2x50x128xi32, #tpu.memory_space<vmem>> -> memref<1x1x128xi32, #tpu.memory_space<vmem>>
      %dma_start3A_596 = tpu.memref_squeeze %dma_start3A_595 : memref<1x1x128xi32, #tpu.memory_space<vmem>> -> memref<128xi32, #tpu.memory_space<vmem>>
      %dma_start3A_597 = arith.constant 0 : i32
      %dma_start3A_598 = arith.constant 0 : i32
      %dma_start3A_599 = tpu.memref_slice %arg6[%dma_start3A_597, %dma_start3A_598] : memref<100000x64xf32, #tpu.memory_space<hbm>> -> memref<100000x64xf32, #tpu.memory_space<hbm>>
      %dma_start3A_600 = tpu.memref_slice %arg14[%select_n3A_545] : memref<4x!tpu.dma_semaphore, #tpu.memory_space<semaphore_mem>> -> memref<1x!tpu.dma_semaphore, #tpu.memory_space<semaphore_mem>>
      %dma_start3A_601 = tpu.memref_squeeze %dma_start3A_600 : memref<1x!tpu.dma_semaphore, #tpu.memory_space<semaphore_mem>> -> memref<!tpu.dma_semaphore, #tpu.memory_space<semaphore_mem>>
      tpu.enqueue_indirect_dma source(%dma_start3A_599 : memref<100000x64xf32, #tpu.memory_space<hbm>>) target(%dma_start3A_593 : memref<128x64xf32, #tpu.memory_space<vmem>>) offsets(%dma_start3A_596 : memref<128xi32, #tpu.memory_space<vmem>>) semaphore(%dma_start3A_601 : memref<!tpu.dma_semaphore, #tpu.memory_space<semaphore_mem>>)
      %scan3A_602 = arith.constant 1 : i32
      %scan3A_603 = arith.addi %scan3A_519, %scan3A_602 : i32
      %jit3A_604 = arith.constant 4 : i32
      %eq3A_605 = arith.constant 0 : i32
      %eq3A_606 = arith.cmpi eq, %jit3A_604, %eq3A_605 : i32
      %jit3A_607 = arith.constant 1 : i32
      %select_n3A_608 = arith.select %eq3A_606, %jit3A_607, %jit3A_604 : i32
      %rem3A_609 = arith.remsi %scan3A_603, %select_n3A_608 : i32
      %ne3A_610 = arith.constant 0 : i32
      %ne3A_611 = arith.cmpi ne, %rem3A_609, %ne3A_610 : i32
      %lt3A_612 = arith.constant 0 : i32
      %lt3A_613 = arith.cmpi slt, %rem3A_609, %lt3A_612 : i32
      %lt3A_614 = arith.constant 0 : i32
      %lt3A_615 = arith.cmpi slt, %select_n3A_608, %lt3A_614 : i32
      %ne3A_616 = arith.xori %lt3A_613, %lt3A_615 : i1
      %and3A_617 = arith.andi %ne3A_616, %ne3A_611 : i1
      %add3A_618 = arith.addi %rem3A_609, %select_n3A_608 : i32
      %select_n3A_619 = arith.select %and3A_617, %add3A_618, %rem3A_609 : i32
      %sub3A_620 = arith.constant 1 : i32
      %sub3A_621 = arith.subi %scan3A_603, %sub3A_620 : i32
      %jit3A_622 = arith.constant 4 : i32
      %eq3A_623 = arith.constant 0 : i32
      %eq3A_624 = arith.cmpi eq, %jit3A_622, %eq3A_623 : i32
      %jit3A_625 = arith.constant 1 : i32
      %select_n3A_626 = arith.select %eq3A_624, %jit3A_625, %jit3A_622 : i32
      %rem3A_627 = arith.remsi %sub3A_621, %select_n3A_626 : i32
      %ne3A_628 = arith.constant 0 : i32
      %ne3A_629 = arith.cmpi ne, %rem3A_627, %ne3A_628 : i32
      %lt3A_630 = arith.constant 0 : i32
      %lt3A_631 = arith.cmpi slt, %rem3A_627, %lt3A_630 : i32
      %lt3A_632 = arith.constant 0 : i32
      %lt3A_633 = arith.cmpi slt, %select_n3A_626, %lt3A_632 : i32
      %ne3A_634 = arith.xori %lt3A_631, %lt3A_633 : i1
      %and3A_635 = arith.andi %ne3A_634, %ne3A_629 : i1
      %add3A_636 = arith.addi %rem3A_627, %select_n3A_626 : i32
      %select_n3A_637 = arith.select %and3A_635, %add3A_636, %rem3A_627 : i32
      %dma_wait3A_638 = arith.constant 0 : i32
      %dma_wait3A_639 = arith.constant 0 : i32
      %dma_wait3A_640 = arith.constant 0 : i32
      %dma_wait3A_641 = arith.constant 0 : i32
      %dma_wait3A_642 = tpu.memref_slice %arg11[%select_n3A_619, %dma_wait3A_640, %dma_wait3A_641] : memref<4x128x64xf32, #tpu.memory_space<vmem>> -> memref<1x128x64xf32, #tpu.memory_space<vmem>>
      %dma_wait3A_643 = tpu.memref_squeeze %dma_wait3A_642 : memref<1x128x64xf32, #tpu.memory_space<vmem>> -> memref<128x64xf32, #tpu.memory_space<vmem>>
      %dma_wait3A_644 = arith.constant 0 : i32
      %dma_wait3A_645 = tpu.memref_slice %arg9[%dma_wait3A_638, %dma_wait3A_639, %dma_wait3A_644] : memref<2x50x128xi32, #tpu.memory_space<vmem>> -> memref<1x1x128xi32, #tpu.memory_space<vmem>>
      %dma_wait3A_646 = tpu.memref_squeeze %dma_wait3A_645 : memref<1x1x128xi32, #tpu.memory_space<vmem>> -> memref<128xi32, #tpu.memory_space<vmem>>
      %dma_wait3A_647 = arith.constant 0 : i32
      %dma_wait3A_648 = arith.constant 0 : i32
      %dma_wait3A_649 = tpu.memref_slice %arg6[%dma_wait3A_647, %dma_wait3A_648] : memref<100000x64xf32, #tpu.memory_space<hbm>> -> memref<100000x64xf32, #tpu.memory_space<hbm>>
      %dma_wait3A_650 = tpu.memref_slice %arg14[%select_n3A_619] : memref<4x!tpu.dma_semaphore, #tpu.memory_space<semaphore_mem>> -> memref<1x!tpu.dma_semaphore, #tpu.memory_space<semaphore_mem>>
      %dma_wait3A_651 = tpu.memref_squeeze %dma_wait3A_650 : memref<1x!tpu.dma_semaphore, #tpu.memory_space<semaphore_mem>> -> memref<!tpu.dma_semaphore, #tpu.memory_space<semaphore_mem>>
      tpu.wait_indirect_dma semaphore(%dma_wait3A_651 : memref<!tpu.dma_semaphore, #tpu.memory_space<semaphore_mem>>) src(%dma_wait3A_649 : memref<100000x64xf32, #tpu.memory_space<hbm>>) dst(%dma_wait3A_643 : memref<128x64xf32, #tpu.memory_space<vmem>>)
      %dma_start3A_652 = arith.constant 0 : i32
      %dma_start3A_653 = arith.constant 0 : i32
      %dma_start3A_654 = tpu.memref_slice %arg11[%select_n3A_619, %dma_start3A_652, %dma_start3A_653] : memref<4x128x64xf32, #tpu.memory_space<vmem>> -> memref<1x128x64xf32, #tpu.memory_space<vmem>>
      %dma_start3A_655 = tpu.memref_squeeze %dma_start3A_654 : memref<1x128x64xf32, #tpu.memory_space<vmem>> -> memref<128x64xf32, #tpu.memory_space<vmem>>
      %dma_start3A_656 = arith.constant 0 : i32
      %dma_start3A_657 = tpu.memref_slice %arg10[%scan3A_603, %dma_start3A_656] : memref<50x128xi32, #tpu.memory_space<vmem>> -> memref<1x128xi32, #tpu.memory_space<vmem>>
      %dma_start3A_658 = tpu.memref_squeeze %dma_start3A_657 : memref<1x128xi32, #tpu.memory_space<vmem>> -> memref<128xi32, #tpu.memory_space<vmem>>
      %dma_start3A_659 = arith.constant 0 : i32
      %dma_start3A_660 = arith.constant 0 : i32
      %dma_start3A_661 = tpu.memref_slice %arg12[%dma_start3A_659, %dma_start3A_660] : memref<2048x64xf32, #tpu.memory_space<vmem_shared>> -> memref<2048x64xf32, #tpu.memory_space<vmem_shared>>
      %dma_start3A_662 = tpu.memref_slice %arg15[%select_n3A_619] : memref<4x!tpu.dma_semaphore, #tpu.memory_space<semaphore_mem>> -> memref<1x!tpu.dma_semaphore, #tpu.memory_space<semaphore_mem>>
      %dma_start3A_663 = tpu.memref_squeeze %dma_start3A_662 : memref<1x!tpu.dma_semaphore, #tpu.memory_space<semaphore_mem>> -> memref<!tpu.dma_semaphore, #tpu.memory_space<semaphore_mem>>
      tpu.enqueue_indirect_dma source(%dma_start3A_655 : memref<128x64xf32, #tpu.memory_space<vmem>>) target(%dma_start3A_661 : memref<2048x64xf32, #tpu.memory_space<vmem_shared>>) offsets(%dma_start3A_658 : memref<128xi32, #tpu.memory_space<vmem>>) semaphore(%dma_start3A_663 : memref<!tpu.dma_semaphore, #tpu.memory_space<semaphore_mem>>) {add = true}
      %dma_wait3A_664 = arith.constant 0 : i32
      %dma_wait3A_665 = arith.constant 0 : i32
      %dma_wait3A_666 = arith.constant 0 : i32
      %dma_wait3A_667 = tpu.memref_slice %arg11[%select_n3A_637, %dma_wait3A_665, %dma_wait3A_666] : memref<4x128x64xf32, #tpu.memory_space<vmem>> -> memref<1x128x64xf32, #tpu.memory_space<vmem>>
      %dma_wait3A_668 = tpu.memref_squeeze %dma_wait3A_667 : memref<1x128x64xf32, #tpu.memory_space<vmem>> -> memref<128x64xf32, #tpu.memory_space<vmem>>
      %dma_wait3A_669 = arith.constant 0 : i32
      %dma_wait3A_670 = tpu.memref_slice %arg10[%dma_wait3A_664, %dma_wait3A_669] : memref<50x128xi32, #tpu.memory_space<vmem>> -> memref<1x128xi32, #tpu.memory_space<vmem>>
      %dma_wait3A_671 = tpu.memref_squeeze %dma_wait3A_670 : memref<1x128xi32, #tpu.memory_space<vmem>> -> memref<128xi32, #tpu.memory_space<vmem>>
      %dma_wait3A_672 = arith.constant 0 : i32
      %dma_wait3A_673 = arith.constant 0 : i32
      %dma_wait3A_674 = tpu.memref_slice %arg12[%dma_wait3A_672, %dma_wait3A_673] : memref<2048x64xf32, #tpu.memory_space<vmem_shared>> -> memref<2048x64xf32, #tpu.memory_space<vmem_shared>>
      %dma_wait3A_675 = tpu.memref_slice %arg15[%select_n3A_637] : memref<4x!tpu.dma_semaphore, #tpu.memory_space<semaphore_mem>> -> memref<1x!tpu.dma_semaphore, #tpu.memory_space<semaphore_mem>>
      %dma_wait3A_676 = tpu.memref_squeeze %dma_wait3A_675 : memref<1x!tpu.dma_semaphore, #tpu.memory_space<semaphore_mem>> -> memref<!tpu.dma_semaphore, #tpu.memory_space<semaphore_mem>>
      tpu.wait_indirect_dma semaphore(%dma_wait3A_676 : memref<!tpu.dma_semaphore, #tpu.memory_space<semaphore_mem>>) src(%dma_wait3A_668 : memref<128x64xf32, #tpu.memory_space<vmem>>) dst(%dma_wait3A_674 : memref<2048x64xf32, #tpu.memory_space<vmem_shared>>)
      %sub3A_677 = arith.constant 1 : i32
      %sub3A_678 = arith.subi %scan3A_603, %sub3A_677 : i32
      %add3A_679 = arith.constant 4 : i32
      %add3A_680 = arith.addi %sub3A_678, %add3A_679 : i32
      %dma_start3A_681 = arith.constant 0 : i32
      %dma_start3A_682 = arith.constant 0 : i32
      %dma_start3A_683 = arith.constant 0 : i32
      %dma_start3A_684 = tpu.memref_slice %arg11[%select_n3A_637, %dma_start3A_682, %dma_start3A_683] : memref<4x128x64xf32, #tpu.memory_space<vmem>> -> memref<1x128x64xf32, #tpu.memory_space<vmem>>
      %dma_start3A_685 = tpu.memref_squeeze %dma_start3A_684 : memref<1x128x64xf32, #tpu.memory_space<vmem>> -> memref<128x64xf32, #tpu.memory_space<vmem>>
      %dma_start3A_686 = arith.constant 0 : i32
      %dma_start3A_687 = tpu.memref_slice %arg9[%dma_start3A_681, %add3A_680, %dma_start3A_686] : memref<2x50x128xi32, #tpu.memory_space<vmem>> -> memref<1x1x128xi32, #tpu.memory_space<vmem>>
      %dma_start3A_688 = tpu.memref_squeeze %dma_start3A_687 : memref<1x1x128xi32, #tpu.memory_space<vmem>> -> memref<128xi32, #tpu.memory_space<vmem>>
      %dma_start3A_689 = arith.constant 0 : i32
      %dma_start3A_690 = arith.constant 0 : i32
      %dma_start3A_691 = tpu.memref_slice %arg6[%dma_start3A_689, %dma_start3A_690] : memref<100000x64xf32, #tpu.memory_space<hbm>> -> memref<100000x64xf32, #tpu.memory_space<hbm>>
      %dma_start3A_692 = tpu.memref_slice %arg14[%select_n3A_637] : memref<4x!tpu.dma_semaphore, #tpu.memory_space<semaphore_mem>> -> memref<1x!tpu.dma_semaphore, #tpu.memory_space<semaphore_mem>>
      %dma_start3A_693 = tpu.memref_squeeze %dma_start3A_692 : memref<1x!tpu.dma_semaphore, #tpu.memory_space<semaphore_mem>> -> memref<!tpu.dma_semaphore, #tpu.memory_space<semaphore_mem>>
      tpu.enqueue_indirect_dma source(%dma_start3A_691 : memref<100000x64xf32, #tpu.memory_space<hbm>>) target(%dma_start3A_685 : memref<128x64xf32, #tpu.memory_space<vmem>>) offsets(%dma_start3A_688 : memref<128xi32, #tpu.memory_space<vmem>>) semaphore(%dma_start3A_693 : memref<!tpu.dma_semaphore, #tpu.memory_space<semaphore_mem>>)
    }
    %scan3A_111 = arith.constant 46 : i32
    %dma_wait3A_112 = arith.constant 0 : i32
    %dma_wait3A_113 = arith.constant 0 : i32
    %dma_wait3A_114 = arith.constant 3 : i32
    %dma_wait3A_115 = arith.constant 3 : i32
    %dma_wait3A_116 = arith.constant 0 : i32
    %dma_wait3A_117 = arith.constant 0 : i32
    %dma_wait3A_118 = tpu.memref_slice %arg11[%dma_wait3A_114, %dma_wait3A_116, %dma_wait3A_117] : memref<4x128x64xf32, #tpu.memory_space<vmem>> -> memref<1x128x64xf32, #tpu.memory_space<vmem>>
    %dma_wait3A_119 = tpu.memref_squeeze %dma_wait3A_118 : memref<1x128x64xf32, #tpu.memory_space<vmem>> -> memref<128x64xf32, #tpu.memory_space<vmem>>
    %dma_wait3A_120 = arith.constant 0 : i32
    %dma_wait3A_121 = tpu.memref_slice %arg9[%dma_wait3A_112, %dma_wait3A_113, %dma_wait3A_120] : memref<2x50x128xi32, #tpu.memory_space<vmem>> -> memref<1x1x128xi32, #tpu.memory_space<vmem>>
    %dma_wait3A_122 = tpu.memref_squeeze %dma_wait3A_121 : memref<1x1x128xi32, #tpu.memory_space<vmem>> -> memref<128xi32, #tpu.memory_space<vmem>>
    %dma_wait3A_123 = arith.constant 0 : i32
    %dma_wait3A_124 = arith.constant 0 : i32
    %dma_wait3A_125 = tpu.memref_slice %arg6[%dma_wait3A_123, %dma_wait3A_124] : memref<100000x64xf32, #tpu.memory_space<hbm>> -> memref<100000x64xf32, #tpu.memory_space<hbm>>
    %dma_wait3A_126 = tpu.memref_slice %arg14[%dma_wait3A_115] : memref<4x!tpu.dma_semaphore, #tpu.memory_space<semaphore_mem>> -> memref<1x!tpu.dma_semaphore, #tpu.memory_space<semaphore_mem>>
    %dma_wait3A_127 = tpu.memref_squeeze %dma_wait3A_126 : memref<1x!tpu.dma_semaphore, #tpu.memory_space<semaphore_mem>> -> memref<!tpu.dma_semaphore, #tpu.memory_space<semaphore_mem>>
    tpu.wait_indirect_dma semaphore(%dma_wait3A_127 : memref<!tpu.dma_semaphore, #tpu.memory_space<semaphore_mem>>) src(%dma_wait3A_125 : memref<100000x64xf32, #tpu.memory_space<hbm>>) dst(%dma_wait3A_119 : memref<128x64xf32, #tpu.memory_space<vmem>>)
    %dma_start3A_128 = arith.constant 3 : i32
    %dma_start3A_129 = arith.constant 47 : i32
    %dma_start3A_130 = arith.constant 3 : i32
    %dma_start3A_131 = arith.constant 0 : i32
    %dma_start3A_132 = arith.constant 0 : i32
    %dma_start3A_133 = tpu.memref_slice %arg11[%dma_start3A_128, %dma_start3A_131, %dma_start3A_132] : memref<4x128x64xf32, #tpu.memory_space<vmem>> -> memref<1x128x64xf32, #tpu.memory_space<vmem>>
    %dma_start3A_134 = tpu.memref_squeeze %dma_start3A_133 : memref<1x128x64xf32, #tpu.memory_space<vmem>> -> memref<128x64xf32, #tpu.memory_space<vmem>>
    %dma_start3A_135 = arith.constant 0 : i32
    %dma_start3A_136 = tpu.memref_slice %arg10[%dma_start3A_129, %dma_start3A_135] : memref<50x128xi32, #tpu.memory_space<vmem>> -> memref<1x128xi32, #tpu.memory_space<vmem>>
    %dma_start3A_137 = tpu.memref_squeeze %dma_start3A_136 : memref<1x128xi32, #tpu.memory_space<vmem>> -> memref<128xi32, #tpu.memory_space<vmem>>
    %dma_start3A_138 = arith.constant 0 : i32
    %dma_start3A_139 = arith.constant 0 : i32
    %dma_start3A_140 = tpu.memref_slice %arg12[%dma_start3A_138, %dma_start3A_139] : memref<2048x64xf32, #tpu.memory_space<vmem_shared>> -> memref<2048x64xf32, #tpu.memory_space<vmem_shared>>
    %dma_start3A_141 = tpu.memref_slice %arg15[%dma_start3A_130] : memref<4x!tpu.dma_semaphore, #tpu.memory_space<semaphore_mem>> -> memref<1x!tpu.dma_semaphore, #tpu.memory_space<semaphore_mem>>
    %dma_start3A_142 = tpu.memref_squeeze %dma_start3A_141 : memref<1x!tpu.dma_semaphore, #tpu.memory_space<semaphore_mem>> -> memref<!tpu.dma_semaphore, #tpu.memory_space<semaphore_mem>>
    tpu.enqueue_indirect_dma source(%dma_start3A_134 : memref<128x64xf32, #tpu.memory_space<vmem>>) target(%dma_start3A_140 : memref<2048x64xf32, #tpu.memory_space<vmem_shared>>) offsets(%dma_start3A_137 : memref<128xi32, #tpu.memory_space<vmem>>) semaphore(%dma_start3A_142 : memref<!tpu.dma_semaphore, #tpu.memory_space<semaphore_mem>>) {add = true}
    %dma_wait3A_143 = arith.constant 0 : i32
    %dma_wait3A_144 = arith.constant 0 : i32
    %dma_wait3A_145 = arith.constant 0 : i32
    %dma_wait3A_146 = arith.constant 0 : i32
    %dma_wait3A_147 = arith.constant 0 : i32
    %dma_wait3A_148 = arith.constant 0 : i32
    %dma_wait3A_149 = tpu.memref_slice %arg11[%dma_wait3A_145, %dma_wait3A_147, %dma_wait3A_148] : memref<4x128x64xf32, #tpu.memory_space<vmem>> -> memref<1x128x64xf32, #tpu.memory_space<vmem>>
    %dma_wait3A_150 = tpu.memref_squeeze %dma_wait3A_149 : memref<1x128x64xf32, #tpu.memory_space<vmem>> -> memref<128x64xf32, #tpu.memory_space<vmem>>
    %dma_wait3A_151 = arith.constant 0 : i32
    %dma_wait3A_152 = tpu.memref_slice %arg9[%dma_wait3A_143, %dma_wait3A_144, %dma_wait3A_151] : memref<2x50x128xi32, #tpu.memory_space<vmem>> -> memref<1x1x128xi32, #tpu.memory_space<vmem>>
    %dma_wait3A_153 = tpu.memref_squeeze %dma_wait3A_152 : memref<1x1x128xi32, #tpu.memory_space<vmem>> -> memref<128xi32, #tpu.memory_space<vmem>>
    %dma_wait3A_154 = arith.constant 0 : i32
    %dma_wait3A_155 = arith.constant 0 : i32
    %dma_wait3A_156 = tpu.memref_slice %arg6[%dma_wait3A_154, %dma_wait3A_155] : memref<100000x64xf32, #tpu.memory_space<hbm>> -> memref<100000x64xf32, #tpu.memory_space<hbm>>
    %dma_wait3A_157 = tpu.memref_slice %arg14[%dma_wait3A_146] : memref<4x!tpu.dma_semaphore, #tpu.memory_space<semaphore_mem>> -> memref<1x!tpu.dma_semaphore, #tpu.memory_space<semaphore_mem>>
    %dma_wait3A_158 = tpu.memref_squeeze %dma_wait3A_157 : memref<1x!tpu.dma_semaphore, #tpu.memory_space<semaphore_mem>> -> memref<!tpu.dma_semaphore, #tpu.memory_space<semaphore_mem>>
    tpu.wait_indirect_dma semaphore(%dma_wait3A_158 : memref<!tpu.dma_semaphore, #tpu.memory_space<semaphore_mem>>) src(%dma_wait3A_156 : memref<100000x64xf32, #tpu.memory_space<hbm>>) dst(%dma_wait3A_150 : memref<128x64xf32, #tpu.memory_space<vmem>>)
    %dma_start3A_159 = arith.constant 0 : i32
    %dma_start3A_160 = arith.constant 48 : i32
    %dma_start3A_161 = arith.constant 0 : i32
    %dma_start3A_162 = arith.constant 0 : i32
    %dma_start3A_163 = arith.constant 0 : i32
    %dma_start3A_164 = tpu.memref_slice %arg11[%dma_start3A_159, %dma_start3A_162, %dma_start3A_163] : memref<4x128x64xf32, #tpu.memory_space<vmem>> -> memref<1x128x64xf32, #tpu.memory_space<vmem>>
    %dma_start3A_165 = tpu.memref_squeeze %dma_start3A_164 : memref<1x128x64xf32, #tpu.memory_space<vmem>> -> memref<128x64xf32, #tpu.memory_space<vmem>>
    %dma_start3A_166 = arith.constant 0 : i32
    %dma_start3A_167 = tpu.memref_slice %arg10[%dma_start3A_160, %dma_start3A_166] : memref<50x128xi32, #tpu.memory_space<vmem>> -> memref<1x128xi32, #tpu.memory_space<vmem>>
    %dma_start3A_168 = tpu.memref_squeeze %dma_start3A_167 : memref<1x128xi32, #tpu.memory_space<vmem>> -> memref<128xi32, #tpu.memory_space<vmem>>
    %dma_start3A_169 = arith.constant 0 : i32
    %dma_start3A_170 = arith.constant 0 : i32
    %dma_start3A_171 = tpu.memref_slice %arg12[%dma_start3A_169, %dma_start3A_170] : memref<2048x64xf32, #tpu.memory_space<vmem_shared>> -> memref<2048x64xf32, #tpu.memory_space<vmem_shared>>
    %dma_start3A_172 = tpu.memref_slice %arg15[%dma_start3A_161] : memref<4x!tpu.dma_semaphore, #tpu.memory_space<semaphore_mem>> -> memref<1x!tpu.dma_semaphore, #tpu.memory_space<semaphore_mem>>
    %dma_start3A_173 = tpu.memref_squeeze %dma_start3A_172 : memref<1x!tpu.dma_semaphore, #tpu.memory_space<semaphore_mem>> -> memref<!tpu.dma_semaphore, #tpu.memory_space<semaphore_mem>>
    tpu.enqueue_indirect_dma source(%dma_start3A_165 : memref<128x64xf32, #tpu.memory_space<vmem>>) target(%dma_start3A_171 : memref<2048x64xf32, #tpu.memory_space<vmem_shared>>) offsets(%dma_start3A_168 : memref<128xi32, #tpu.memory_space<vmem>>) semaphore(%dma_start3A_173 : memref<!tpu.dma_semaphore, #tpu.memory_space<semaphore_mem>>) {add = true}
    %dma_wait3A_174 = arith.constant 0 : i32
    %dma_wait3A_175 = arith.constant 0 : i32
    %dma_wait3A_176 = arith.constant 1 : i32
    %dma_wait3A_177 = arith.constant 1 : i32
    %dma_wait3A_178 = arith.constant 0 : i32
    %dma_wait3A_179 = arith.constant 0 : i32
    %dma_wait3A_180 = tpu.memref_slice %arg11[%dma_wait3A_176, %dma_wait3A_178, %dma_wait3A_179] : memref<4x128x64xf32, #tpu.memory_space<vmem>> -> memref<1x128x64xf32, #tpu.memory_space<vmem>>
    %dma_wait3A_181 = tpu.memref_squeeze %dma_wait3A_180 : memref<1x128x64xf32, #tpu.memory_space<vmem>> -> memref<128x64xf32, #tpu.memory_space<vmem>>
    %dma_wait3A_182 = arith.constant 0 : i32
    %dma_wait3A_183 = tpu.memref_slice %arg9[%dma_wait3A_174, %dma_wait3A_175, %dma_wait3A_182] : memref<2x50x128xi32, #tpu.memory_space<vmem>> -> memref<1x1x128xi32, #tpu.memory_space<vmem>>
    %dma_wait3A_184 = tpu.memref_squeeze %dma_wait3A_183 : memref<1x1x128xi32, #tpu.memory_space<vmem>> -> memref<128xi32, #tpu.memory_space<vmem>>
    %dma_wait3A_185 = arith.constant 0 : i32
    %dma_wait3A_186 = arith.constant 0 : i32
    %dma_wait3A_187 = tpu.memref_slice %arg6[%dma_wait3A_185, %dma_wait3A_186] : memref<100000x64xf32, #tpu.memory_space<hbm>> -> memref<100000x64xf32, #tpu.memory_space<hbm>>
    %dma_wait3A_188 = tpu.memref_slice %arg14[%dma_wait3A_177] : memref<4x!tpu.dma_semaphore, #tpu.memory_space<semaphore_mem>> -> memref<1x!tpu.dma_semaphore, #tpu.memory_space<semaphore_mem>>
    %dma_wait3A_189 = tpu.memref_squeeze %dma_wait3A_188 : memref<1x!tpu.dma_semaphore, #tpu.memory_space<semaphore_mem>> -> memref<!tpu.dma_semaphore, #tpu.memory_space<semaphore_mem>>
    tpu.wait_indirect_dma semaphore(%dma_wait3A_189 : memref<!tpu.dma_semaphore, #tpu.memory_space<semaphore_mem>>) src(%dma_wait3A_187 : memref<100000x64xf32, #tpu.memory_space<hbm>>) dst(%dma_wait3A_181 : memref<128x64xf32, #tpu.memory_space<vmem>>)
    %dma_start3A_190 = arith.constant 1 : i32
    %dma_start3A_191 = arith.constant 49 : i32
    %dma_start3A_192 = arith.constant 1 : i32
    %dma_start3A_193 = arith.constant 0 : i32
    %dma_start3A_194 = arith.constant 0 : i32
    %dma_start3A_195 = tpu.memref_slice %arg11[%dma_start3A_190, %dma_start3A_193, %dma_start3A_194] : memref<4x128x64xf32, #tpu.memory_space<vmem>> -> memref<1x128x64xf32, #tpu.memory_space<vmem>>
    %dma_start3A_196 = tpu.memref_squeeze %dma_start3A_195 : memref<1x128x64xf32, #tpu.memory_space<vmem>> -> memref<128x64xf32, #tpu.memory_space<vmem>>
    %dma_start3A_197 = arith.constant 0 : i32
    %dma_start3A_198 = tpu.memref_slice %arg10[%dma_start3A_191, %dma_start3A_197] : memref<50x128xi32, #tpu.memory_space<vmem>> -> memref<1x128xi32, #tpu.memory_space<vmem>>
    %dma_start3A_199 = tpu.memref_squeeze %dma_start3A_198 : memref<1x128xi32, #tpu.memory_space<vmem>> -> memref<128xi32, #tpu.memory_space<vmem>>
    %dma_start3A_200 = arith.constant 0 : i32
    %dma_start3A_201 = arith.constant 0 : i32
    %dma_start3A_202 = tpu.memref_slice %arg12[%dma_start3A_200, %dma_start3A_201] : memref<2048x64xf32, #tpu.memory_space<vmem_shared>> -> memref<2048x64xf32, #tpu.memory_space<vmem_shared>>
    %dma_start3A_203 = tpu.memref_slice %arg15[%dma_start3A_192] : memref<4x!tpu.dma_semaphore, #tpu.memory_space<semaphore_mem>> -> memref<1x!tpu.dma_semaphore, #tpu.memory_space<semaphore_mem>>
    %dma_start3A_204 = tpu.memref_squeeze %dma_start3A_203 : memref<1x!tpu.dma_semaphore, #tpu.memory_space<semaphore_mem>> -> memref<!tpu.dma_semaphore, #tpu.memory_space<semaphore_mem>>
    tpu.enqueue_indirect_dma source(%dma_start3A_196 : memref<128x64xf32, #tpu.memory_space<vmem>>) target(%dma_start3A_202 : memref<2048x64xf32, #tpu.memory_space<vmem_shared>>) offsets(%dma_start3A_199 : memref<128xi32, #tpu.memory_space<vmem>>) semaphore(%dma_start3A_204 : memref<!tpu.dma_semaphore, #tpu.memory_space<semaphore_mem>>) {add = true}
    %dma_wait3A_205 = arith.constant 0 : i32
    %dma_wait3A_206 = arith.constant 0 : i32
    %dma_wait3A_207 = arith.constant 0 : i32
    %dma_wait3A_208 = arith.constant 0 : i32
    %dma_wait3A_209 = arith.constant 0 : i32
    %dma_wait3A_210 = tpu.memref_slice %arg11[%dma_wait3A_205, %dma_wait3A_208, %dma_wait3A_209] : memref<4x128x64xf32, #tpu.memory_space<vmem>> -> memref<1x128x64xf32, #tpu.memory_space<vmem>>
    %dma_wait3A_211 = tpu.memref_squeeze %dma_wait3A_210 : memref<1x128x64xf32, #tpu.memory_space<vmem>> -> memref<128x64xf32, #tpu.memory_space<vmem>>
    %dma_wait3A_212 = arith.constant 0 : i32
    %dma_wait3A_213 = tpu.memref_slice %arg10[%dma_wait3A_206, %dma_wait3A_212] : memref<50x128xi32, #tpu.memory_space<vmem>> -> memref<1x128xi32, #tpu.memory_space<vmem>>
    %dma_wait3A_214 = tpu.memref_squeeze %dma_wait3A_213 : memref<1x128xi32, #tpu.memory_space<vmem>> -> memref<128xi32, #tpu.memory_space<vmem>>
    %dma_wait3A_215 = arith.constant 0 : i32
    %dma_wait3A_216 = arith.constant 0 : i32
    %dma_wait3A_217 = tpu.memref_slice %arg12[%dma_wait3A_215, %dma_wait3A_216] : memref<2048x64xf32, #tpu.memory_space<vmem_shared>> -> memref<2048x64xf32, #tpu.memory_space<vmem_shared>>
    %dma_wait3A_218 = tpu.memref_slice %arg15[%dma_wait3A_207] : memref<4x!tpu.dma_semaphore, #tpu.memory_space<semaphore_mem>> -> memref<1x!tpu.dma_semaphore, #tpu.memory_space<semaphore_mem>>
    %dma_wait3A_219 = tpu.memref_squeeze %dma_wait3A_218 : memref<1x!tpu.dma_semaphore, #tpu.memory_space<semaphore_mem>> -> memref<!tpu.dma_semaphore, #tpu.memory_space<semaphore_mem>>
    tpu.wait_indirect_dma semaphore(%dma_wait3A_219 : memref<!tpu.dma_semaphore, #tpu.memory_space<semaphore_mem>>) src(%dma_wait3A_211 : memref<128x64xf32, #tpu.memory_space<vmem>>) dst(%dma_wait3A_217 : memref<2048x64xf32, #tpu.memory_space<vmem_shared>>)
    %dma_start3A_220 = arith.constant 1 : i32
    %dma_start3A_221 = arith.constant 0 : i32
    %dma_start3A_222 = arith.constant 0 : i32
    %dma_start3A_223 = arith.constant 0 : i32
    %dma_start3A_224 = arith.constant 0 : i32
    %dma_start3A_225 = arith.constant 0 : i32
    %dma_start3A_226 = tpu.memref_slice %arg11[%dma_start3A_222, %dma_start3A_224, %dma_start3A_225] : memref<4x128x64xf32, #tpu.memory_space<vmem>> -> memref<1x128x64xf32, #tpu.memory_space<vmem>>
    %dma_start3A_227 = tpu.memref_squeeze %dma_start3A_226 : memref<1x128x64xf32, #tpu.memory_space<vmem>> -> memref<128x64xf32, #tpu.memory_space<vmem>>
    %dma_start3A_228 = arith.constant 0 : i32
    %dma_start3A_229 = tpu.memref_slice %arg9[%dma_start3A_220, %dma_start3A_221, %dma_start3A_228] : memref<2x50x128xi32, #tpu.memory_space<vmem>> -> memref<1x1x128xi32, #tpu.memory_space<vmem>>
    %dma_start3A_230 = tpu.memref_squeeze %dma_start3A_229 : memref<1x1x128xi32, #tpu.memory_space<vmem>> -> memref<128xi32, #tpu.memory_space<vmem>>
    %dma_start3A_231 = arith.constant 0 : i32
    %dma_start3A_232 = arith.constant 0 : i32
    %dma_start3A_233 = tpu.memref_slice %arg7[%dma_start3A_231, %dma_start3A_232] : memref<100000x64xf32, #tpu.memory_space<hbm>> -> memref<100000x64xf32, #tpu.memory_space<hbm>>
    %dma_start3A_234 = tpu.memref_slice %arg14[%dma_start3A_223] : memref<4x!tpu.dma_semaphore, #tpu.memory_space<semaphore_mem>> -> memref<1x!tpu.dma_semaphore, #tpu.memory_space<semaphore_mem>>
    %dma_start3A_235 = tpu.memref_squeeze %dma_start3A_234 : memref<1x!tpu.dma_semaphore, #tpu.memory_space<semaphore_mem>> -> memref<!tpu.dma_semaphore, #tpu.memory_space<semaphore_mem>>
    tpu.enqueue_indirect_dma source(%dma_start3A_233 : memref<100000x64xf32, #tpu.memory_space<hbm>>) target(%dma_start3A_227 : memref<128x64xf32, #tpu.memory_space<vmem>>) offsets(%dma_start3A_230 : memref<128xi32, #tpu.memory_space<vmem>>) semaphore(%dma_start3A_235 : memref<!tpu.dma_semaphore, #tpu.memory_space<semaphore_mem>>)
    %dma_wait3A_236 = arith.constant 1 : i32
    %dma_wait3A_237 = arith.constant 0 : i32
    %dma_wait3A_238 = arith.constant 1 : i32
    %dma_wait3A_239 = arith.constant 0 : i32
    %dma_wait3A_240 = arith.constant 0 : i32
    %dma_wait3A_241 = tpu.memref_slice %arg11[%dma_wait3A_236, %dma_wait3A_239, %dma_wait3A_240] : memref<4x128x64xf32, #tpu.memory_space<vmem>> -> memref<1x128x64xf32, #tpu.memory_space<vmem>>
    %dma_wait3A_242 = tpu.memref_squeeze %dma_wait3A_241 : memref<1x128x64xf32, #tpu.memory_space<vmem>> -> memref<128x64xf32, #tpu.memory_space<vmem>>
    %dma_wait3A_243 = arith.constant 0 : i32
    %dma_wait3A_244 = tpu.memref_slice %arg10[%dma_wait3A_237, %dma_wait3A_243] : memref<50x128xi32, #tpu.memory_space<vmem>> -> memref<1x128xi32, #tpu.memory_space<vmem>>
    %dma_wait3A_245 = tpu.memref_squeeze %dma_wait3A_244 : memref<1x128xi32, #tpu.memory_space<vmem>> -> memref<128xi32, #tpu.memory_space<vmem>>
    %dma_wait3A_246 = arith.constant 0 : i32
    %dma_wait3A_247 = arith.constant 0 : i32
    %dma_wait3A_248 = tpu.memref_slice %arg12[%dma_wait3A_246, %dma_wait3A_247] : memref<2048x64xf32, #tpu.memory_space<vmem_shared>> -> memref<2048x64xf32, #tpu.memory_space<vmem_shared>>
    %dma_wait3A_249 = tpu.memref_slice %arg15[%dma_wait3A_238] : memref<4x!tpu.dma_semaphore, #tpu.memory_space<semaphore_mem>> -> memref<1x!tpu.dma_semaphore, #tpu.memory_space<semaphore_mem>>
    %dma_wait3A_250 = tpu.memref_squeeze %dma_wait3A_249 : memref<1x!tpu.dma_semaphore, #tpu.memory_space<semaphore_mem>> -> memref<!tpu.dma_semaphore, #tpu.memory_space<semaphore_mem>>
    tpu.wait_indirect_dma semaphore(%dma_wait3A_250 : memref<!tpu.dma_semaphore, #tpu.memory_space<semaphore_mem>>) src(%dma_wait3A_242 : memref<128x64xf32, #tpu.memory_space<vmem>>) dst(%dma_wait3A_248 : memref<2048x64xf32, #tpu.memory_space<vmem_shared>>)
    %dma_start3A_251 = arith.constant 1 : i32
    %dma_start3A_252 = arith.constant 1 : i32
    %dma_start3A_253 = arith.constant 1 : i32
    %dma_start3A_254 = arith.constant 1 : i32
    %dma_start3A_255 = arith.constant 0 : i32
    %dma_start3A_256 = arith.constant 0 : i32
    %dma_start3A_257 = tpu.memref_slice %arg11[%dma_start3A_253, %dma_start3A_255, %dma_start3A_256] : memref<4x128x64xf32, #tpu.memory_space<vmem>> -> memref<1x128x64xf32, #tpu.memory_space<vmem>>
    %dma_start3A_258 = tpu.memref_squeeze %dma_start3A_257 : memref<1x128x64xf32, #tpu.memory_space<vmem>> -> memref<128x64xf32, #tpu.memory_space<vmem>>
    %dma_start3A_259 = arith.constant 0 : i32
    %dma_start3A_260 = tpu.memref_slice %arg9[%dma_start3A_251, %dma_start3A_252, %dma_start3A_259] : memref<2x50x128xi32, #tpu.memory_space<vmem>> -> memref<1x1x128xi32, #tpu.memory_space<vmem>>
    %dma_start3A_261 = tpu.memref_squeeze %dma_start3A_260 : memref<1x1x128xi32, #tpu.memory_space<vmem>> -> memref<128xi32, #tpu.memory_space<vmem>>
    %dma_start3A_262 = arith.constant 0 : i32
    %dma_start3A_263 = arith.constant 0 : i32
    %dma_start3A_264 = tpu.memref_slice %arg7[%dma_start3A_262, %dma_start3A_263] : memref<100000x64xf32, #tpu.memory_space<hbm>> -> memref<100000x64xf32, #tpu.memory_space<hbm>>
    %dma_start3A_265 = tpu.memref_slice %arg14[%dma_start3A_254] : memref<4x!tpu.dma_semaphore, #tpu.memory_space<semaphore_mem>> -> memref<1x!tpu.dma_semaphore, #tpu.memory_space<semaphore_mem>>
    %dma_start3A_266 = tpu.memref_squeeze %dma_start3A_265 : memref<1x!tpu.dma_semaphore, #tpu.memory_space<semaphore_mem>> -> memref<!tpu.dma_semaphore, #tpu.memory_space<semaphore_mem>>
    tpu.enqueue_indirect_dma source(%dma_start3A_264 : memref<100000x64xf32, #tpu.memory_space<hbm>>) target(%dma_start3A_258 : memref<128x64xf32, #tpu.memory_space<vmem>>) offsets(%dma_start3A_261 : memref<128xi32, #tpu.memory_space<vmem>>) semaphore(%dma_start3A_266 : memref<!tpu.dma_semaphore, #tpu.memory_space<semaphore_mem>>)
    %dma_wait3A_267 = arith.constant 2 : i32
    %dma_wait3A_268 = arith.constant 0 : i32
    %dma_wait3A_269 = arith.constant 2 : i32
    %dma_wait3A_270 = arith.constant 0 : i32
    %dma_wait3A_271 = arith.constant 0 : i32
    %dma_wait3A_272 = tpu.memref_slice %arg11[%dma_wait3A_267, %dma_wait3A_270, %dma_wait3A_271] : memref<4x128x64xf32, #tpu.memory_space<vmem>> -> memref<1x128x64xf32, #tpu.memory_space<vmem>>
    %dma_wait3A_273 = tpu.memref_squeeze %dma_wait3A_272 : memref<1x128x64xf32, #tpu.memory_space<vmem>> -> memref<128x64xf32, #tpu.memory_space<vmem>>
    %dma_wait3A_274 = arith.constant 0 : i32
    %dma_wait3A_275 = tpu.memref_slice %arg10[%dma_wait3A_268, %dma_wait3A_274] : memref<50x128xi32, #tpu.memory_space<vmem>> -> memref<1x128xi32, #tpu.memory_space<vmem>>
    %dma_wait3A_276 = tpu.memref_squeeze %dma_wait3A_275 : memref<1x128xi32, #tpu.memory_space<vmem>> -> memref<128xi32, #tpu.memory_space<vmem>>
    %dma_wait3A_277 = arith.constant 0 : i32
    %dma_wait3A_278 = arith.constant 0 : i32
    %dma_wait3A_279 = tpu.memref_slice %arg12[%dma_wait3A_277, %dma_wait3A_278] : memref<2048x64xf32, #tpu.memory_space<vmem_shared>> -> memref<2048x64xf32, #tpu.memory_space<vmem_shared>>
    %dma_wait3A_280 = tpu.memref_slice %arg15[%dma_wait3A_269] : memref<4x!tpu.dma_semaphore, #tpu.memory_space<semaphore_mem>> -> memref<1x!tpu.dma_semaphore, #tpu.memory_space<semaphore_mem>>
    %dma_wait3A_281 = tpu.memref_squeeze %dma_wait3A_280 : memref<1x!tpu.dma_semaphore, #tpu.memory_space<semaphore_mem>> -> memref<!tpu.dma_semaphore, #tpu.memory_space<semaphore_mem>>
    tpu.wait_indirect_dma semaphore(%dma_wait3A_281 : memref<!tpu.dma_semaphore, #tpu.memory_space<semaphore_mem>>) src(%dma_wait3A_273 : memref<128x64xf32, #tpu.memory_space<vmem>>) dst(%dma_wait3A_279 : memref<2048x64xf32, #tpu.memory_space<vmem_shared>>)
    %dma_start3A_282 = arith.constant 1 : i32
    %dma_start3A_283 = arith.constant 2 : i32
    %dma_start3A_284 = arith.constant 2 : i32
    %dma_start3A_285 = arith.constant 2 : i32
    %dma_start3A_286 = arith.constant 0 : i32
    %dma_start3A_287 = arith.constant 0 : i32
    %dma_start3A_288 = tpu.memref_slice %arg11[%dma_start3A_284, %dma_start3A_286, %dma_start3A_287] : memref<4x128x64xf32, #tpu.memory_space<vmem>> -> memref<1x128x64xf32, #tpu.memory_space<vmem>>
    %dma_start3A_289 = tpu.memref_squeeze %dma_start3A_288 : memref<1x128x64xf32, #tpu.memory_space<vmem>> -> memref<128x64xf32, #tpu.memory_space<vmem>>
    %dma_start3A_290 = arith.constant 0 : i32
    %dma_start3A_291 = tpu.memref_slice %arg9[%dma_start3A_282, %dma_start3A_283, %dma_start3A_290] : memref<2x50x128xi32, #tpu.memory_space<vmem>> -> memref<1x1x128xi32, #tpu.memory_space<vmem>>
    %dma_start3A_292 = tpu.memref_squeeze %dma_start3A_291 : memref<1x1x128xi32, #tpu.memory_space<vmem>> -> memref<128xi32, #tpu.memory_space<vmem>>
    %dma_start3A_293 = arith.constant 0 : i32
    %dma_start3A_294 = arith.constant 0 : i32
    %dma_start3A_295 = tpu.memref_slice %arg7[%dma_start3A_293, %dma_start3A_294] : memref<100000x64xf32, #tpu.memory_space<hbm>> -> memref<100000x64xf32, #tpu.memory_space<hbm>>
    %dma_start3A_296 = tpu.memref_slice %arg14[%dma_start3A_285] : memref<4x!tpu.dma_semaphore, #tpu.memory_space<semaphore_mem>> -> memref<1x!tpu.dma_semaphore, #tpu.memory_space<semaphore_mem>>
    %dma_start3A_297 = tpu.memref_squeeze %dma_start3A_296 : memref<1x!tpu.dma_semaphore, #tpu.memory_space<semaphore_mem>> -> memref<!tpu.dma_semaphore, #tpu.memory_space<semaphore_mem>>
    tpu.enqueue_indirect_dma source(%dma_start3A_295 : memref<100000x64xf32, #tpu.memory_space<hbm>>) target(%dma_start3A_289 : memref<128x64xf32, #tpu.memory_space<vmem>>) offsets(%dma_start3A_292 : memref<128xi32, #tpu.memory_space<vmem>>) semaphore(%dma_start3A_297 : memref<!tpu.dma_semaphore, #tpu.memory_space<semaphore_mem>>)
    %dma_wait3A_298 = arith.constant 3 : i32
    %dma_wait3A_299 = arith.constant 0 : i32
    %dma_wait3A_300 = arith.constant 3 : i32
    %dma_wait3A_301 = arith.constant 0 : i32
    %dma_wait3A_302 = arith.constant 0 : i32
    %dma_wait3A_303 = tpu.memref_slice %arg11[%dma_wait3A_298, %dma_wait3A_301, %dma_wait3A_302] : memref<4x128x64xf32, #tpu.memory_space<vmem>> -> memref<1x128x64xf32, #tpu.memory_space<vmem>>
    %dma_wait3A_304 = tpu.memref_squeeze %dma_wait3A_303 : memref<1x128x64xf32, #tpu.memory_space<vmem>> -> memref<128x64xf32, #tpu.memory_space<vmem>>
    %dma_wait3A_305 = arith.constant 0 : i32
    %dma_wait3A_306 = tpu.memref_slice %arg10[%dma_wait3A_299, %dma_wait3A_305] : memref<50x128xi32, #tpu.memory_space<vmem>> -> memref<1x128xi32, #tpu.memory_space<vmem>>
    %dma_wait3A_307 = tpu.memref_squeeze %dma_wait3A_306 : memref<1x128xi32, #tpu.memory_space<vmem>> -> memref<128xi32, #tpu.memory_space<vmem>>
    %dma_wait3A_308 = arith.constant 0 : i32
    %dma_wait3A_309 = arith.constant 0 : i32
    %dma_wait3A_310 = tpu.memref_slice %arg12[%dma_wait3A_308, %dma_wait3A_309] : memref<2048x64xf32, #tpu.memory_space<vmem_shared>> -> memref<2048x64xf32, #tpu.memory_space<vmem_shared>>
    %dma_wait3A_311 = tpu.memref_slice %arg15[%dma_wait3A_300] : memref<4x!tpu.dma_semaphore, #tpu.memory_space<semaphore_mem>> -> memref<1x!tpu.dma_semaphore, #tpu.memory_space<semaphore_mem>>
    %dma_wait3A_312 = tpu.memref_squeeze %dma_wait3A_311 : memref<1x!tpu.dma_semaphore, #tpu.memory_space<semaphore_mem>> -> memref<!tpu.dma_semaphore, #tpu.memory_space<semaphore_mem>>
    tpu.wait_indirect_dma semaphore(%dma_wait3A_312 : memref<!tpu.dma_semaphore, #tpu.memory_space<semaphore_mem>>) src(%dma_wait3A_304 : memref<128x64xf32, #tpu.memory_space<vmem>>) dst(%dma_wait3A_310 : memref<2048x64xf32, #tpu.memory_space<vmem_shared>>)
    %dma_start3A_313 = arith.constant 1 : i32
    %dma_start3A_314 = arith.constant 3 : i32
    %dma_start3A_315 = arith.constant 3 : i32
    %dma_start3A_316 = arith.constant 3 : i32
    %dma_start3A_317 = arith.constant 0 : i32
    %dma_start3A_318 = arith.constant 0 : i32
    %dma_start3A_319 = tpu.memref_slice %arg11[%dma_start3A_315, %dma_start3A_317, %dma_start3A_318] : memref<4x128x64xf32, #tpu.memory_space<vmem>> -> memref<1x128x64xf32, #tpu.memory_space<vmem>>
    %dma_start3A_320 = tpu.memref_squeeze %dma_start3A_319 : memref<1x128x64xf32, #tpu.memory_space<vmem>> -> memref<128x64xf32, #tpu.memory_space<vmem>>
    %dma_start3A_321 = arith.constant 0 : i32
    %dma_start3A_322 = tpu.memref_slice %arg9[%dma_start3A_313, %dma_start3A_314, %dma_start3A_321] : memref<2x50x128xi32, #tpu.memory_space<vmem>> -> memref<1x1x128xi32, #tpu.memory_space<vmem>>
    %dma_start3A_323 = tpu.memref_squeeze %dma_start3A_322 : memref<1x1x128xi32, #tpu.memory_space<vmem>> -> memref<128xi32, #tpu.memory_space<vmem>>
    %dma_start3A_324 = arith.constant 0 : i32
    %dma_start3A_325 = arith.constant 0 : i32
    %dma_start3A_326 = tpu.memref_slice %arg7[%dma_start3A_324, %dma_start3A_325] : memref<100000x64xf32, #tpu.memory_space<hbm>> -> memref<100000x64xf32, #tpu.memory_space<hbm>>
    %dma_start3A_327 = tpu.memref_slice %arg14[%dma_start3A_316] : memref<4x!tpu.dma_semaphore, #tpu.memory_space<semaphore_mem>> -> memref<1x!tpu.dma_semaphore, #tpu.memory_space<semaphore_mem>>
    %dma_start3A_328 = tpu.memref_squeeze %dma_start3A_327 : memref<1x!tpu.dma_semaphore, #tpu.memory_space<semaphore_mem>> -> memref<!tpu.dma_semaphore, #tpu.memory_space<semaphore_mem>>
    tpu.enqueue_indirect_dma source(%dma_start3A_326 : memref<100000x64xf32, #tpu.memory_space<hbm>>) target(%dma_start3A_320 : memref<128x64xf32, #tpu.memory_space<vmem>>) offsets(%dma_start3A_323 : memref<128xi32, #tpu.memory_space<vmem>>) semaphore(%dma_start3A_328 : memref<!tpu.dma_semaphore, #tpu.memory_space<semaphore_mem>>)
    %dma_wait3A_329 = arith.constant 1 : i32
    %dma_wait3A_330 = arith.constant 0 : i32
    %dma_wait3A_331 = arith.constant 0 : i32
    %dma_wait3A_332 = arith.constant 0 : i32
    %dma_wait3A_333 = arith.constant 0 : i32
    %dma_wait3A_334 = arith.constant 0 : i32
    %dma_wait3A_335 = tpu.memref_slice %arg11[%dma_wait3A_331, %dma_wait3A_333, %dma_wait3A_334] : memref<4x128x64xf32, #tpu.memory_space<vmem>> -> memref<1x128x64xf32, #tpu.memory_space<vmem>>
    %dma_wait3A_336 = tpu.memref_squeeze %dma_wait3A_335 : memref<1x128x64xf32, #tpu.memory_space<vmem>> -> memref<128x64xf32, #tpu.memory_space<vmem>>
    %dma_wait3A_337 = arith.constant 0 : i32
    %dma_wait3A_338 = tpu.memref_slice %arg9[%dma_wait3A_329, %dma_wait3A_330, %dma_wait3A_337] : memref<2x50x128xi32, #tpu.memory_space<vmem>> -> memref<1x1x128xi32, #tpu.memory_space<vmem>>
    %dma_wait3A_339 = tpu.memref_squeeze %dma_wait3A_338 : memref<1x1x128xi32, #tpu.memory_space<vmem>> -> memref<128xi32, #tpu.memory_space<vmem>>
    %dma_wait3A_340 = arith.constant 0 : i32
    %dma_wait3A_341 = arith.constant 0 : i32
    %dma_wait3A_342 = tpu.memref_slice %arg7[%dma_wait3A_340, %dma_wait3A_341] : memref<100000x64xf32, #tpu.memory_space<hbm>> -> memref<100000x64xf32, #tpu.memory_space<hbm>>
    %dma_wait3A_343 = tpu.memref_slice %arg14[%dma_wait3A_332] : memref<4x!tpu.dma_semaphore, #tpu.memory_space<semaphore_mem>> -> memref<1x!tpu.dma_semaphore, #tpu.memory_space<semaphore_mem>>
    %dma_wait3A_344 = tpu.memref_squeeze %dma_wait3A_343 : memref<1x!tpu.dma_semaphore, #tpu.memory_space<semaphore_mem>> -> memref<!tpu.dma_semaphore, #tpu.memory_space<semaphore_mem>>
    tpu.wait_indirect_dma semaphore(%dma_wait3A_344 : memref<!tpu.dma_semaphore, #tpu.memory_space<semaphore_mem>>) src(%dma_wait3A_342 : memref<100000x64xf32, #tpu.memory_space<hbm>>) dst(%dma_wait3A_336 : memref<128x64xf32, #tpu.memory_space<vmem>>)
    %dma_start3A_345 = arith.constant 0 : i32
    %dma_start3A_346 = arith.constant 0 : i32
    %dma_start3A_347 = arith.constant 0 : i32
    %dma_start3A_348 = arith.constant 0 : i32
    %dma_start3A_349 = arith.constant 0 : i32
    %dma_start3A_350 = tpu.memref_slice %arg11[%dma_start3A_345, %dma_start3A_348, %dma_start3A_349] : memref<4x128x64xf32, #tpu.memory_space<vmem>> -> memref<1x128x64xf32, #tpu.memory_space<vmem>>
    %dma_start3A_351 = tpu.memref_squeeze %dma_start3A_350 : memref<1x128x64xf32, #tpu.memory_space<vmem>> -> memref<128x64xf32, #tpu.memory_space<vmem>>
    %dma_start3A_352 = arith.constant 0 : i32
    %dma_start3A_353 = tpu.memref_slice %arg10[%dma_start3A_346, %dma_start3A_352] : memref<50x128xi32, #tpu.memory_space<vmem>> -> memref<1x128xi32, #tpu.memory_space<vmem>>
    %dma_start3A_354 = tpu.memref_squeeze %dma_start3A_353 : memref<1x128xi32, #tpu.memory_space<vmem>> -> memref<128xi32, #tpu.memory_space<vmem>>
    %dma_start3A_355 = arith.constant 0 : i32
    %dma_start3A_356 = arith.constant 0 : i32
    %dma_start3A_357 = tpu.memref_slice %arg13[%dma_start3A_355, %dma_start3A_356] : memref<2048x64xf32, #tpu.memory_space<vmem_shared>> -> memref<2048x64xf32, #tpu.memory_space<vmem_shared>>
    %dma_start3A_358 = tpu.memref_slice %arg15[%dma_start3A_347] : memref<4x!tpu.dma_semaphore, #tpu.memory_space<semaphore_mem>> -> memref<1x!tpu.dma_semaphore, #tpu.memory_space<semaphore_mem>>
    %dma_start3A_359 = tpu.memref_squeeze %dma_start3A_358 : memref<1x!tpu.dma_semaphore, #tpu.memory_space<semaphore_mem>> -> memref<!tpu.dma_semaphore, #tpu.memory_space<semaphore_mem>>
    tpu.enqueue_indirect_dma source(%dma_start3A_351 : memref<128x64xf32, #tpu.memory_space<vmem>>) target(%dma_start3A_357 : memref<2048x64xf32, #tpu.memory_space<vmem_shared>>) offsets(%dma_start3A_354 : memref<128xi32, #tpu.memory_space<vmem>>) semaphore(%dma_start3A_359 : memref<!tpu.dma_semaphore, #tpu.memory_space<semaphore_mem>>) {add = true}
    %scan3A_360 = arith.constant 0 : i32
    %scan3A_361 = arith.constant 1 : i32
    %scan3A_362 = arith.constant 46 : i32
    %scan3A_363 = arith.addi %scan3A_361, %scan3A_362 : i32
    %scan3A_364 = arith.constant 2 : i32
    scf.for %scan3A_519 = %scan3A_361 to %scan3A_363 step %scan3A_364  : i32 {
      %jit3A = arith.constant 4 : i32
      %eq3A = arith.constant 0 : i32
      %eq3A_520 = arith.cmpi eq, %jit3A, %eq3A : i32
      %jit3A_521 = arith.constant 1 : i32
      %select_n3A = arith.select %eq3A_520, %jit3A_521, %jit3A : i32
      %rem3A = arith.remsi %scan3A_519, %select_n3A : i32
      %ne3A = arith.constant 0 : i32
      %ne3A_522 = arith.cmpi ne, %rem3A, %ne3A : i32
      %lt3A = arith.constant 0 : i32
      %lt3A_523 = arith.cmpi slt, %rem3A, %lt3A : i32
      %lt3A_524 = arith.constant 0 : i32
      %lt3A_525 = arith.cmpi slt, %select_n3A, %lt3A_524 : i32
      %ne3A_526 = arith.xori %lt3A_523, %lt3A_525 : i1
      %and3A = arith.andi %ne3A_526, %ne3A_522 : i1
      %add3A_527 = arith.addi %rem3A, %select_n3A : i32
      %select_n3A_528 = arith.select %and3A, %add3A_527, %rem3A : i32
      %sub3A = arith.constant 1 : i32
      %sub3A_529 = arith.subi %scan3A_519, %sub3A : i32
      %jit3A_530 = arith.constant 4 : i32
      %eq3A_531 = arith.constant 0 : i32
      %eq3A_532 = arith.cmpi eq, %jit3A_530, %eq3A_531 : i32
      %jit3A_533 = arith.constant 1 : i32
      %select_n3A_534 = arith.select %eq3A_532, %jit3A_533, %jit3A_530 : i32
      %rem3A_535 = arith.remsi %sub3A_529, %select_n3A_534 : i32
      %ne3A_536 = arith.constant 0 : i32
      %ne3A_537 = arith.cmpi ne, %rem3A_535, %ne3A_536 : i32
      %lt3A_538 = arith.constant 0 : i32
      %lt3A_539 = arith.cmpi slt, %rem3A_535, %lt3A_538 : i32
      %lt3A_540 = arith.constant 0 : i32
      %lt3A_541 = arith.cmpi slt, %select_n3A_534, %lt3A_540 : i32
      %ne3A_542 = arith.xori %lt3A_539, %lt3A_541 : i1
      %and3A_543 = arith.andi %ne3A_542, %ne3A_537 : i1
      %add3A_544 = arith.addi %rem3A_535, %select_n3A_534 : i32
      %select_n3A_545 = arith.select %and3A_543, %add3A_544, %rem3A_535 : i32
      %dma_wait3A_546 = arith.constant 1 : i32
      %dma_wait3A_547 = arith.constant 0 : i32
      %dma_wait3A_548 = arith.constant 0 : i32
      %dma_wait3A_549 = arith.constant 0 : i32
      %dma_wait3A_550 = tpu.memref_slice %arg11[%select_n3A_528, %dma_wait3A_548, %dma_wait3A_549] : memref<4x128x64xf32, #tpu.memory_space<vmem>> -> memref<1x128x64xf32, #tpu.memory_space<vmem>>
      %dma_wait3A_551 = tpu.memref_squeeze %dma_wait3A_550 : memref<1x128x64xf32, #tpu.memory_space<vmem>> -> memref<128x64xf32, #tpu.memory_space<vmem>>
      %dma_wait3A_552 = arith.constant 0 : i32
      %dma_wait3A_553 = tpu.memref_slice %arg9[%dma_wait3A_546, %dma_wait3A_547, %dma_wait3A_552] : memref<2x50x128xi32, #tpu.memory_space<vmem>> -> memref<1x1x128xi32, #tpu.memory_space<vmem>>
      %dma_wait3A_554 = tpu.memref_squeeze %dma_wait3A_553 : memref<1x1x128xi32, #tpu.memory_space<vmem>> -> memref<128xi32, #tpu.memory_space<vmem>>
      %dma_wait3A_555 = arith.constant 0 : i32
      %dma_wait3A_556 = arith.constant 0 : i32
      %dma_wait3A_557 = tpu.memref_slice %arg7[%dma_wait3A_555, %dma_wait3A_556] : memref<100000x64xf32, #tpu.memory_space<hbm>> -> memref<100000x64xf32, #tpu.memory_space<hbm>>
      %dma_wait3A_558 = tpu.memref_slice %arg14[%select_n3A_528] : memref<4x!tpu.dma_semaphore, #tpu.memory_space<semaphore_mem>> -> memref<1x!tpu.dma_semaphore, #tpu.memory_space<semaphore_mem>>
      %dma_wait3A_559 = tpu.memref_squeeze %dma_wait3A_558 : memref<1x!tpu.dma_semaphore, #tpu.memory_space<semaphore_mem>> -> memref<!tpu.dma_semaphore, #tpu.memory_space<semaphore_mem>>
      tpu.wait_indirect_dma semaphore(%dma_wait3A_559 : memref<!tpu.dma_semaphore, #tpu.memory_space<semaphore_mem>>) src(%dma_wait3A_557 : memref<100000x64xf32, #tpu.memory_space<hbm>>) dst(%dma_wait3A_551 : memref<128x64xf32, #tpu.memory_space<vmem>>)
      %dma_start3A_560 = arith.constant 0 : i32
      %dma_start3A_561 = arith.constant 0 : i32
      %dma_start3A_562 = tpu.memref_slice %arg11[%select_n3A_528, %dma_start3A_560, %dma_start3A_561] : memref<4x128x64xf32, #tpu.memory_space<vmem>> -> memref<1x128x64xf32, #tpu.memory_space<vmem>>
      %dma_start3A_563 = tpu.memref_squeeze %dma_start3A_562 : memref<1x128x64xf32, #tpu.memory_space<vmem>> -> memref<128x64xf32, #tpu.memory_space<vmem>>
      %dma_start3A_564 = arith.constant 0 : i32
      %dma_start3A_565 = tpu.memref_slice %arg10[%scan3A_519, %dma_start3A_564] : memref<50x128xi32, #tpu.memory_space<vmem>> -> memref<1x128xi32, #tpu.memory_space<vmem>>
      %dma_start3A_566 = tpu.memref_squeeze %dma_start3A_565 : memref<1x128xi32, #tpu.memory_space<vmem>> -> memref<128xi32, #tpu.memory_space<vmem>>
      %dma_start3A_567 = arith.constant 0 : i32
      %dma_start3A_568 = arith.constant 0 : i32
      %dma_start3A_569 = tpu.memref_slice %arg13[%dma_start3A_567, %dma_start3A_568] : memref<2048x64xf32, #tpu.memory_space<vmem_shared>> -> memref<2048x64xf32, #tpu.memory_space<vmem_shared>>
      %dma_start3A_570 = tpu.memref_slice %arg15[%select_n3A_528] : memref<4x!tpu.dma_semaphore, #tpu.memory_space<semaphore_mem>> -> memref<1x!tpu.dma_semaphore, #tpu.memory_space<semaphore_mem>>
      %dma_start3A_571 = tpu.memref_squeeze %dma_start3A_570 : memref<1x!tpu.dma_semaphore, #tpu.memory_space<semaphore_mem>> -> memref<!tpu.dma_semaphore, #tpu.memory_space<semaphore_mem>>
      tpu.enqueue_indirect_dma source(%dma_start3A_563 : memref<128x64xf32, #tpu.memory_space<vmem>>) target(%dma_start3A_569 : memref<2048x64xf32, #tpu.memory_space<vmem_shared>>) offsets(%dma_start3A_566 : memref<128xi32, #tpu.memory_space<vmem>>) semaphore(%dma_start3A_571 : memref<!tpu.dma_semaphore, #tpu.memory_space<semaphore_mem>>) {add = true}
      %dma_wait3A_572 = arith.constant 0 : i32
      %dma_wait3A_573 = arith.constant 0 : i32
      %dma_wait3A_574 = arith.constant 0 : i32
      %dma_wait3A_575 = tpu.memref_slice %arg11[%select_n3A_545, %dma_wait3A_573, %dma_wait3A_574] : memref<4x128x64xf32, #tpu.memory_space<vmem>> -> memref<1x128x64xf32, #tpu.memory_space<vmem>>
      %dma_wait3A_576 = tpu.memref_squeeze %dma_wait3A_575 : memref<1x128x64xf32, #tpu.memory_space<vmem>> -> memref<128x64xf32, #tpu.memory_space<vmem>>
      %dma_wait3A_577 = arith.constant 0 : i32
      %dma_wait3A_578 = tpu.memref_slice %arg10[%dma_wait3A_572, %dma_wait3A_577] : memref<50x128xi32, #tpu.memory_space<vmem>> -> memref<1x128xi32, #tpu.memory_space<vmem>>
      %dma_wait3A_579 = tpu.memref_squeeze %dma_wait3A_578 : memref<1x128xi32, #tpu.memory_space<vmem>> -> memref<128xi32, #tpu.memory_space<vmem>>
      %dma_wait3A_580 = arith.constant 0 : i32
      %dma_wait3A_581 = arith.constant 0 : i32
      %dma_wait3A_582 = tpu.memref_slice %arg13[%dma_wait3A_580, %dma_wait3A_581] : memref<2048x64xf32, #tpu.memory_space<vmem_shared>> -> memref<2048x64xf32, #tpu.memory_space<vmem_shared>>
      %dma_wait3A_583 = tpu.memref_slice %arg15[%select_n3A_545] : memref<4x!tpu.dma_semaphore, #tpu.memory_space<semaphore_mem>> -> memref<1x!tpu.dma_semaphore, #tpu.memory_space<semaphore_mem>>
      %dma_wait3A_584 = tpu.memref_squeeze %dma_wait3A_583 : memref<1x!tpu.dma_semaphore, #tpu.memory_space<semaphore_mem>> -> memref<!tpu.dma_semaphore, #tpu.memory_space<semaphore_mem>>
      tpu.wait_indirect_dma semaphore(%dma_wait3A_584 : memref<!tpu.dma_semaphore, #tpu.memory_space<semaphore_mem>>) src(%dma_wait3A_576 : memref<128x64xf32, #tpu.memory_space<vmem>>) dst(%dma_wait3A_582 : memref<2048x64xf32, #tpu.memory_space<vmem_shared>>)
      %sub3A_585 = arith.constant 1 : i32
      %sub3A_586 = arith.subi %scan3A_519, %sub3A_585 : i32
      %add3A_587 = arith.constant 4 : i32
      %add3A_588 = arith.addi %sub3A_586, %add3A_587 : i32
      %dma_start3A_589 = arith.constant 1 : i32
      %dma_start3A_590 = arith.constant 0 : i32
      %dma_start3A_591 = arith.constant 0 : i32
      %dma_start3A_592 = tpu.memref_slice %arg11[%select_n3A_545, %dma_start3A_590, %dma_start3A_591] : memref<4x128x64xf32, #tpu.memory_space<vmem>> -> memref<1x128x64xf32, #tpu.memory_space<vmem>>
      %dma_start3A_593 = tpu.memref_squeeze %dma_start3A_592 : memref<1x128x64xf32, #tpu.memory_space<vmem>> -> memref<128x64xf32, #tpu.memory_space<vmem>>
      %dma_start3A_594 = arith.constant 0 : i32
      %dma_start3A_595 = tpu.memref_slice %arg9[%dma_start3A_589, %add3A_588, %dma_start3A_594] : memref<2x50x128xi32, #tpu.memory_space<vmem>> -> memref<1x1x128xi32, #tpu.memory_space<vmem>>
      %dma_start3A_596 = tpu.memref_squeeze %dma_start3A_595 : memref<1x1x128xi32, #tpu.memory_space<vmem>> -> memref<128xi32, #tpu.memory_space<vmem>>
      %dma_start3A_597 = arith.constant 0 : i32
      %dma_start3A_598 = arith.constant 0 : i32
      %dma_start3A_599 = tpu.memref_slice %arg7[%dma_start3A_597, %dma_start3A_598] : memref<100000x64xf32, #tpu.memory_space<hbm>> -> memref<100000x64xf32, #tpu.memory_space<hbm>>
      %dma_start3A_600 = tpu.memref_slice %arg14[%select_n3A_545] : memref<4x!tpu.dma_semaphore, #tpu.memory_space<semaphore_mem>> -> memref<1x!tpu.dma_semaphore, #tpu.memory_space<semaphore_mem>>
      %dma_start3A_601 = tpu.memref_squeeze %dma_start3A_600 : memref<1x!tpu.dma_semaphore, #tpu.memory_space<semaphore_mem>> -> memref<!tpu.dma_semaphore, #tpu.memory_space<semaphore_mem>>
      tpu.enqueue_indirect_dma source(%dma_start3A_599 : memref<100000x64xf32, #tpu.memory_space<hbm>>) target(%dma_start3A_593 : memref<128x64xf32, #tpu.memory_space<vmem>>) offsets(%dma_start3A_596 : memref<128xi32, #tpu.memory_space<vmem>>) semaphore(%dma_start3A_601 : memref<!tpu.dma_semaphore, #tpu.memory_space<semaphore_mem>>)
      %scan3A_602 = arith.constant 1 : i32
      %scan3A_603 = arith.addi %scan3A_519, %scan3A_602 : i32
      %jit3A_604 = arith.constant 4 : i32
      %eq3A_605 = arith.constant 0 : i32
      %eq3A_606 = arith.cmpi eq, %jit3A_604, %eq3A_605 : i32
      %jit3A_607 = arith.constant 1 : i32
      %select_n3A_608 = arith.select %eq3A_606, %jit3A_607, %jit3A_604 : i32
      %rem3A_609 = arith.remsi %scan3A_603, %select_n3A_608 : i32
      %ne3A_610 = arith.constant 0 : i32
      %ne3A_611 = arith.cmpi ne, %rem3A_609, %ne3A_610 : i32
      %lt3A_612 = arith.constant 0 : i32
      %lt3A_613 = arith.cmpi slt, %rem3A_609, %lt3A_612 : i32
      %lt3A_614 = arith.constant 0 : i32
      %lt3A_615 = arith.cmpi slt, %select_n3A_608, %lt3A_614 : i32
      %ne3A_616 = arith.xori %lt3A_613, %lt3A_615 : i1
      %and3A_617 = arith.andi %ne3A_616, %ne3A_611 : i1
      %add3A_618 = arith.addi %rem3A_609, %select_n3A_608 : i32
      %select_n3A_619 = arith.select %and3A_617, %add3A_618, %rem3A_609 : i32
      %sub3A_620 = arith.constant 1 : i32
      %sub3A_621 = arith.subi %scan3A_603, %sub3A_620 : i32
      %jit3A_622 = arith.constant 4 : i32
      %eq3A_623 = arith.constant 0 : i32
      %eq3A_624 = arith.cmpi eq, %jit3A_622, %eq3A_623 : i32
      %jit3A_625 = arith.constant 1 : i32
      %select_n3A_626 = arith.select %eq3A_624, %jit3A_625, %jit3A_622 : i32
      %rem3A_627 = arith.remsi %sub3A_621, %select_n3A_626 : i32
      %ne3A_628 = arith.constant 0 : i32
      %ne3A_629 = arith.cmpi ne, %rem3A_627, %ne3A_628 : i32
      %lt3A_630 = arith.constant 0 : i32
      %lt3A_631 = arith.cmpi slt, %rem3A_627, %lt3A_630 : i32
      %lt3A_632 = arith.constant 0 : i32
      %lt3A_633 = arith.cmpi slt, %select_n3A_626, %lt3A_632 : i32
      %ne3A_634 = arith.xori %lt3A_631, %lt3A_633 : i1
      %and3A_635 = arith.andi %ne3A_634, %ne3A_629 : i1
      %add3A_636 = arith.addi %rem3A_627, %select_n3A_626 : i32
      %select_n3A_637 = arith.select %and3A_635, %add3A_636, %rem3A_627 : i32
      %dma_wait3A_638 = arith.constant 1 : i32
      %dma_wait3A_639 = arith.constant 0 : i32
      %dma_wait3A_640 = arith.constant 0 : i32
      %dma_wait3A_641 = arith.constant 0 : i32
      %dma_wait3A_642 = tpu.memref_slice %arg11[%select_n3A_619, %dma_wait3A_640, %dma_wait3A_641] : memref<4x128x64xf32, #tpu.memory_space<vmem>> -> memref<1x128x64xf32, #tpu.memory_space<vmem>>
      %dma_wait3A_643 = tpu.memref_squeeze %dma_wait3A_642 : memref<1x128x64xf32, #tpu.memory_space<vmem>> -> memref<128x64xf32, #tpu.memory_space<vmem>>
      %dma_wait3A_644 = arith.constant 0 : i32
      %dma_wait3A_645 = tpu.memref_slice %arg9[%dma_wait3A_638, %dma_wait3A_639, %dma_wait3A_644] : memref<2x50x128xi32, #tpu.memory_space<vmem>> -> memref<1x1x128xi32, #tpu.memory_space<vmem>>
      %dma_wait3A_646 = tpu.memref_squeeze %dma_wait3A_645 : memref<1x1x128xi32, #tpu.memory_space<vmem>> -> memref<128xi32, #tpu.memory_space<vmem>>
      %dma_wait3A_647 = arith.constant 0 : i32
      %dma_wait3A_648 = arith.constant 0 : i32
      %dma_wait3A_649 = tpu.memref_slice %arg7[%dma_wait3A_647, %dma_wait3A_648] : memref<100000x64xf32, #tpu.memory_space<hbm>> -> memref<100000x64xf32, #tpu.memory_space<hbm>>
      %dma_wait3A_650 = tpu.memref_slice %arg14[%select_n3A_619] : memref<4x!tpu.dma_semaphore, #tpu.memory_space<semaphore_mem>> -> memref<1x!tpu.dma_semaphore, #tpu.memory_space<semaphore_mem>>
      %dma_wait3A_651 = tpu.memref_squeeze %dma_wait3A_650 : memref<1x!tpu.dma_semaphore, #tpu.memory_space<semaphore_mem>> -> memref<!tpu.dma_semaphore, #tpu.memory_space<semaphore_mem>>
      tpu.wait_indirect_dma semaphore(%dma_wait3A_651 : memref<!tpu.dma_semaphore, #tpu.memory_space<semaphore_mem>>) src(%dma_wait3A_649 : memref<100000x64xf32, #tpu.memory_space<hbm>>) dst(%dma_wait3A_643 : memref<128x64xf32, #tpu.memory_space<vmem>>)
      %dma_start3A_652 = arith.constant 0 : i32
      %dma_start3A_653 = arith.constant 0 : i32
      %dma_start3A_654 = tpu.memref_slice %arg11[%select_n3A_619, %dma_start3A_652, %dma_start3A_653] : memref<4x128x64xf32, #tpu.memory_space<vmem>> -> memref<1x128x64xf32, #tpu.memory_space<vmem>>
      %dma_start3A_655 = tpu.memref_squeeze %dma_start3A_654 : memref<1x128x64xf32, #tpu.memory_space<vmem>> -> memref<128x64xf32, #tpu.memory_space<vmem>>
      %dma_start3A_656 = arith.constant 0 : i32
      %dma_start3A_657 = tpu.memref_slice %arg10[%scan3A_603, %dma_start3A_656] : memref<50x128xi32, #tpu.memory_space<vmem>> -> memref<1x128xi32, #tpu.memory_space<vmem>>
      %dma_start3A_658 = tpu.memref_squeeze %dma_start3A_657 : memref<1x128xi32, #tpu.memory_space<vmem>> -> memref<128xi32, #tpu.memory_space<vmem>>
      %dma_start3A_659 = arith.constant 0 : i32
      %dma_start3A_660 = arith.constant 0 : i32
      %dma_start3A_661 = tpu.memref_slice %arg13[%dma_start3A_659, %dma_start3A_660] : memref<2048x64xf32, #tpu.memory_space<vmem_shared>> -> memref<2048x64xf32, #tpu.memory_space<vmem_shared>>
      %dma_start3A_662 = tpu.memref_slice %arg15[%select_n3A_619] : memref<4x!tpu.dma_semaphore, #tpu.memory_space<semaphore_mem>> -> memref<1x!tpu.dma_semaphore, #tpu.memory_space<semaphore_mem>>
      %dma_start3A_663 = tpu.memref_squeeze %dma_start3A_662 : memref<1x!tpu.dma_semaphore, #tpu.memory_space<semaphore_mem>> -> memref<!tpu.dma_semaphore, #tpu.memory_space<semaphore_mem>>
      tpu.enqueue_indirect_dma source(%dma_start3A_655 : memref<128x64xf32, #tpu.memory_space<vmem>>) target(%dma_start3A_661 : memref<2048x64xf32, #tpu.memory_space<vmem_shared>>) offsets(%dma_start3A_658 : memref<128xi32, #tpu.memory_space<vmem>>) semaphore(%dma_start3A_663 : memref<!tpu.dma_semaphore, #tpu.memory_space<semaphore_mem>>) {add = true}
      %dma_wait3A_664 = arith.constant 0 : i32
      %dma_wait3A_665 = arith.constant 0 : i32
      %dma_wait3A_666 = arith.constant 0 : i32
      %dma_wait3A_667 = tpu.memref_slice %arg11[%select_n3A_637, %dma_wait3A_665, %dma_wait3A_666] : memref<4x128x64xf32, #tpu.memory_space<vmem>> -> memref<1x128x64xf32, #tpu.memory_space<vmem>>
      %dma_wait3A_668 = tpu.memref_squeeze %dma_wait3A_667 : memref<1x128x64xf32, #tpu.memory_space<vmem>> -> memref<128x64xf32, #tpu.memory_space<vmem>>
      %dma_wait3A_669 = arith.constant 0 : i32
      %dma_wait3A_670 = tpu.memref_slice %arg10[%dma_wait3A_664, %dma_wait3A_669] : memref<50x128xi32, #tpu.memory_space<vmem>> -> memref<1x128xi32, #tpu.memory_space<vmem>>
      %dma_wait3A_671 = tpu.memref_squeeze %dma_wait3A_670 : memref<1x128xi32, #tpu.memory_space<vmem>> -> memref<128xi32, #tpu.memory_space<vmem>>
      %dma_wait3A_672 = arith.constant 0 : i32
      %dma_wait3A_673 = arith.constant 0 : i32
      %dma_wait3A_674 = tpu.memref_slice %arg13[%dma_wait3A_672, %dma_wait3A_673] : memref<2048x64xf32, #tpu.memory_space<vmem_shared>> -> memref<2048x64xf32, #tpu.memory_space<vmem_shared>>
      %dma_wait3A_675 = tpu.memref_slice %arg15[%select_n3A_637] : memref<4x!tpu.dma_semaphore, #tpu.memory_space<semaphore_mem>> -> memref<1x!tpu.dma_semaphore, #tpu.memory_space<semaphore_mem>>
      %dma_wait3A_676 = tpu.memref_squeeze %dma_wait3A_675 : memref<1x!tpu.dma_semaphore, #tpu.memory_space<semaphore_mem>> -> memref<!tpu.dma_semaphore, #tpu.memory_space<semaphore_mem>>
      tpu.wait_indirect_dma semaphore(%dma_wait3A_676 : memref<!tpu.dma_semaphore, #tpu.memory_space<semaphore_mem>>) src(%dma_wait3A_668 : memref<128x64xf32, #tpu.memory_space<vmem>>) dst(%dma_wait3A_674 : memref<2048x64xf32, #tpu.memory_space<vmem_shared>>)
      %sub3A_677 = arith.constant 1 : i32
      %sub3A_678 = arith.subi %scan3A_603, %sub3A_677 : i32
      %add3A_679 = arith.constant 4 : i32
      %add3A_680 = arith.addi %sub3A_678, %add3A_679 : i32
      %dma_start3A_681 = arith.constant 1 : i32
      %dma_start3A_682 = arith.constant 0 : i32
      %dma_start3A_683 = arith.constant 0 : i32
      %dma_start3A_684 = tpu.memref_slice %arg11[%select_n3A_637, %dma_start3A_682, %dma_start3A_683] : memref<4x128x64xf32, #tpu.memory_space<vmem>> -> memref<1x128x64xf32, #tpu.memory_space<vmem>>
      %dma_start3A_685 = tpu.memref_squeeze %dma_start3A_684 : memref<1x128x64xf32, #tpu.memory_space<vmem>> -> memref<128x64xf32, #tpu.memory_space<vmem>>
      %dma_start3A_686 = arith.constant 0 : i32
      %dma_start3A_687 = tpu.memref_slice %arg9[%dma_start3A_681, %add3A_680, %dma_start3A_686] : memref<2x50x128xi32, #tpu.memory_space<vmem>> -> memref<1x1x128xi32, #tpu.memory_space<vmem>>
      %dma_start3A_688 = tpu.memref_squeeze %dma_start3A_687 : memref<1x1x128xi32, #tpu.memory_space<vmem>> -> memref<128xi32, #tpu.memory_space<vmem>>
      %dma_start3A_689 = arith.constant 0 : i32
      %dma_start3A_690 = arith.constant 0 : i32
      %dma_start3A_691 = tpu.memref_slice %arg7[%dma_start3A_689, %dma_start3A_690] : memref<100000x64xf32, #tpu.memory_space<hbm>> -> memref<100000x64xf32, #tpu.memory_space<hbm>>
      %dma_start3A_692 = tpu.memref_slice %arg14[%select_n3A_637] : memref<4x!tpu.dma_semaphore, #tpu.memory_space<semaphore_mem>> -> memref<1x!tpu.dma_semaphore, #tpu.memory_space<semaphore_mem>>
      %dma_start3A_693 = tpu.memref_squeeze %dma_start3A_692 : memref<1x!tpu.dma_semaphore, #tpu.memory_space<semaphore_mem>> -> memref<!tpu.dma_semaphore, #tpu.memory_space<semaphore_mem>>
      tpu.enqueue_indirect_dma source(%dma_start3A_691 : memref<100000x64xf32, #tpu.memory_space<hbm>>) target(%dma_start3A_685 : memref<128x64xf32, #tpu.memory_space<vmem>>) offsets(%dma_start3A_688 : memref<128xi32, #tpu.memory_space<vmem>>) semaphore(%dma_start3A_693 : memref<!tpu.dma_semaphore, #tpu.memory_space<semaphore_mem>>)
    }
    %scan3A_365 = arith.constant 46 : i32
    %dma_wait3A_366 = arith.constant 1 : i32
    %dma_wait3A_367 = arith.constant 0 : i32
    %dma_wait3A_368 = arith.constant 3 : i32
    %dma_wait3A_369 = arith.constant 3 : i32
    %dma_wait3A_370 = arith.constant 0 : i32
    %dma_wait3A_371 = arith.constant 0 : i32
    %dma_wait3A_372 = tpu.memref_slice %arg11[%dma_wait3A_368, %dma_wait3A_370, %dma_wait3A_371] : memref<4x128x64xf32, #tpu.memory_space<vmem>> -> memref<1x128x64xf32, #tpu.memory_space<vmem>>
    %dma_wait3A_373 = tpu.memref_squeeze %dma_wait3A_372 : memref<1x128x64xf32, #tpu.memory_space<vmem>> -> memref<128x64xf32, #tpu.memory_space<vmem>>
    %dma_wait3A_374 = arith.constant 0 : i32
    %dma_wait3A_375 = tpu.memref_slice %arg9[%dma_wait3A_366, %dma_wait3A_367, %dma_wait3A_374] : memref<2x50x128xi32, #tpu.memory_space<vmem>> -> memref<1x1x128xi32, #tpu.memory_space<vmem>>
    %dma_wait3A_376 = tpu.memref_squeeze %dma_wait3A_375 : memref<1x1x128xi32, #tpu.memory_space<vmem>> -> memref<128xi32, #tpu.memory_space<vmem>>
    %dma_wait3A_377 = arith.constant 0 : i32
    %dma_wait3A_378 = arith.constant 0 : i32
    %dma_wait3A_379 = tpu.memref_slice %arg7[%dma_wait3A_377, %dma_wait3A_378] : memref<100000x64xf32, #tpu.memory_space<hbm>> -> memref<100000x64xf32, #tpu.memory_space<hbm>>
    %dma_wait3A_380 = tpu.memref_slice %arg14[%dma_wait3A_369] : memref<4x!tpu.dma_semaphore, #tpu.memory_space<semaphore_mem>> -> memref<1x!tpu.dma_semaphore, #tpu.memory_space<semaphore_mem>>
    %dma_wait3A_381 = tpu.memref_squeeze %dma_wait3A_380 : memref<1x!tpu.dma_semaphore, #tpu.memory_space<semaphore_mem>> -> memref<!tpu.dma_semaphore, #tpu.memory_space<semaphore_mem>>
    tpu.wait_indirect_dma semaphore(%dma_wait3A_381 : memref<!tpu.dma_semaphore, #tpu.memory_space<semaphore_mem>>) src(%dma_wait3A_379 : memref<100000x64xf32, #tpu.memory_space<hbm>>) dst(%dma_wait3A_373 : memref<128x64xf32, #tpu.memory_space<vmem>>)
    %dma_start3A_382 = arith.constant 3 : i32
    %dma_start3A_383 = arith.constant 47 : i32
    %dma_start3A_384 = arith.constant 3 : i32
    %dma_start3A_385 = arith.constant 0 : i32
    %dma_start3A_386 = arith.constant 0 : i32
    %dma_start3A_387 = tpu.memref_slice %arg11[%dma_start3A_382, %dma_start3A_385, %dma_start3A_386] : memref<4x128x64xf32, #tpu.memory_space<vmem>> -> memref<1x128x64xf32, #tpu.memory_space<vmem>>
    %dma_start3A_388 = tpu.memref_squeeze %dma_start3A_387 : memref<1x128x64xf32, #tpu.memory_space<vmem>> -> memref<128x64xf32, #tpu.memory_space<vmem>>
    %dma_start3A_389 = arith.constant 0 : i32
    %dma_start3A_390 = tpu.memref_slice %arg10[%dma_start3A_383, %dma_start3A_389] : memref<50x128xi32, #tpu.memory_space<vmem>> -> memref<1x128xi32, #tpu.memory_space<vmem>>
    %dma_start3A_391 = tpu.memref_squeeze %dma_start3A_390 : memref<1x128xi32, #tpu.memory_space<vmem>> -> memref<128xi32, #tpu.memory_space<vmem>>
    %dma_start3A_392 = arith.constant 0 : i32
    %dma_start3A_393 = arith.constant 0 : i32
    %dma_start3A_394 = tpu.memref_slice %arg13[%dma_start3A_392, %dma_start3A_393] : memref<2048x64xf32, #tpu.memory_space<vmem_shared>> -> memref<2048x64xf32, #tpu.memory_space<vmem_shared>>
    %dma_start3A_395 = tpu.memref_slice %arg15[%dma_start3A_384] : memref<4x!tpu.dma_semaphore, #tpu.memory_space<semaphore_mem>> -> memref<1x!tpu.dma_semaphore, #tpu.memory_space<semaphore_mem>>
    %dma_start3A_396 = tpu.memref_squeeze %dma_start3A_395 : memref<1x!tpu.dma_semaphore, #tpu.memory_space<semaphore_mem>> -> memref<!tpu.dma_semaphore, #tpu.memory_space<semaphore_mem>>
    tpu.enqueue_indirect_dma source(%dma_start3A_388 : memref<128x64xf32, #tpu.memory_space<vmem>>) target(%dma_start3A_394 : memref<2048x64xf32, #tpu.memory_space<vmem_shared>>) offsets(%dma_start3A_391 : memref<128xi32, #tpu.memory_space<vmem>>) semaphore(%dma_start3A_396 : memref<!tpu.dma_semaphore, #tpu.memory_space<semaphore_mem>>) {add = true}
    %dma_wait3A_397 = arith.constant 1 : i32
    %dma_wait3A_398 = arith.constant 0 : i32
    %dma_wait3A_399 = arith.constant 0 : i32
    %dma_wait3A_400 = arith.constant 0 : i32
    %dma_wait3A_401 = arith.constant 0 : i32
    %dma_wait3A_402 = arith.constant 0 : i32
    %dma_wait3A_403 = tpu.memref_slice %arg11[%dma_wait3A_399, %dma_wait3A_401, %dma_wait3A_402] : memref<4x128x64xf32, #tpu.memory_space<vmem>> -> memref<1x128x64xf32, #tpu.memory_space<vmem>>
    %dma_wait3A_404 = tpu.memref_squeeze %dma_wait3A_403 : memref<1x128x64xf32, #tpu.memory_space<vmem>> -> memref<128x64xf32, #tpu.memory_space<vmem>>
    %dma_wait3A_405 = arith.constant 0 : i32
    %dma_wait3A_406 = tpu.memref_slice %arg9[%dma_wait3A_397, %dma_wait3A_398, %dma_wait3A_405] : memref<2x50x128xi32, #tpu.memory_space<vmem>> -> memref<1x1x128xi32, #tpu.memory_space<vmem>>
    %dma_wait3A_407 = tpu.memref_squeeze %dma_wait3A_406 : memref<1x1x128xi32, #tpu.memory_space<vmem>> -> memref<128xi32, #tpu.memory_space<vmem>>
    %dma_wait3A_408 = arith.constant 0 : i32
    %dma_wait3A_409 = arith.constant 0 : i32
    %dma_wait3A_410 = tpu.memref_slice %arg7[%dma_wait3A_408, %dma_wait3A_409] : memref<100000x64xf32, #tpu.memory_space<hbm>> -> memref<100000x64xf32, #tpu.memory_space<hbm>>
    %dma_wait3A_411 = tpu.memref_slice %arg14[%dma_wait3A_400] : memref<4x!tpu.dma_semaphore, #tpu.memory_space<semaphore_mem>> -> memref<1x!tpu.dma_semaphore, #tpu.memory_space<semaphore_mem>>
    %dma_wait3A_412 = tpu.memref_squeeze %dma_wait3A_411 : memref<1x!tpu.dma_semaphore, #tpu.memory_space<semaphore_mem>> -> memref<!tpu.dma_semaphore, #tpu.memory_space<semaphore_mem>>
    tpu.wait_indirect_dma semaphore(%dma_wait3A_412 : memref<!tpu.dma_semaphore, #tpu.memory_space<semaphore_mem>>) src(%dma_wait3A_410 : memref<100000x64xf32, #tpu.memory_space<hbm>>) dst(%dma_wait3A_404 : memref<128x64xf32, #tpu.memory_space<vmem>>)
    %dma_start3A_413 = arith.constant 0 : i32
    %dma_start3A_414 = arith.constant 48 : i32
    %dma_start3A_415 = arith.constant 0 : i32
    %dma_start3A_416 = arith.constant 0 : i32
    %dma_start3A_417 = arith.constant 0 : i32
    %dma_start3A_418 = tpu.memref_slice %arg11[%dma_start3A_413, %dma_start3A_416, %dma_start3A_417] : memref<4x128x64xf32, #tpu.memory_space<vmem>> -> memref<1x128x64xf32, #tpu.memory_space<vmem>>
    %dma_start3A_419 = tpu.memref_squeeze %dma_start3A_418 : memref<1x128x64xf32, #tpu.memory_space<vmem>> -> memref<128x64xf32, #tpu.memory_space<vmem>>
    %dma_start3A_420 = arith.constant 0 : i32
    %dma_start3A_421 = tpu.memref_slice %arg10[%dma_start3A_414, %dma_start3A_420] : memref<50x128xi32, #tpu.memory_space<vmem>> -> memref<1x128xi32, #tpu.memory_space<vmem>>
    %dma_start3A_422 = tpu.memref_squeeze %dma_start3A_421 : memref<1x128xi32, #tpu.memory_space<vmem>> -> memref<128xi32, #tpu.memory_space<vmem>>
    %dma_start3A_423 = arith.constant 0 : i32
    %dma_start3A_424 = arith.constant 0 : i32
    %dma_start3A_425 = tpu.memref_slice %arg13[%dma_start3A_423, %dma_start3A_424] : memref<2048x64xf32, #tpu.memory_space<vmem_shared>> -> memref<2048x64xf32, #tpu.memory_space<vmem_shared>>
    %dma_start3A_426 = tpu.memref_slice %arg15[%dma_start3A_415] : memref<4x!tpu.dma_semaphore, #tpu.memory_space<semaphore_mem>> -> memref<1x!tpu.dma_semaphore, #tpu.memory_space<semaphore_mem>>
    %dma_start3A_427 = tpu.memref_squeeze %dma_start3A_426 : memref<1x!tpu.dma_semaphore, #tpu.memory_space<semaphore_mem>> -> memref<!tpu.dma_semaphore, #tpu.memory_space<semaphore_mem>>
    tpu.enqueue_indirect_dma source(%dma_start3A_419 : memref<128x64xf32, #tpu.memory_space<vmem>>) target(%dma_start3A_425 : memref<2048x64xf32, #tpu.memory_space<vmem_shared>>) offsets(%dma_start3A_422 : memref<128xi32, #tpu.memory_space<vmem>>) semaphore(%dma_start3A_427 : memref<!tpu.dma_semaphore, #tpu.memory_space<semaphore_mem>>) {add = true}
    %dma_wait3A_428 = arith.constant 1 : i32
    %dma_wait3A_429 = arith.constant 0 : i32
    %dma_wait3A_430 = arith.constant 1 : i32
    %dma_wait3A_431 = arith.constant 1 : i32
    %dma_wait3A_432 = arith.constant 0 : i32
    %dma_wait3A_433 = arith.constant 0 : i32
    %dma_wait3A_434 = tpu.memref_slice %arg11[%dma_wait3A_430, %dma_wait3A_432, %dma_wait3A_433] : memref<4x128x64xf32, #tpu.memory_space<vmem>> -> memref<1x128x64xf32, #tpu.memory_space<vmem>>
    %dma_wait3A_435 = tpu.memref_squeeze %dma_wait3A_434 : memref<1x128x64xf32, #tpu.memory_space<vmem>> -> memref<128x64xf32, #tpu.memory_space<vmem>>
    %dma_wait3A_436 = arith.constant 0 : i32
    %dma_wait3A_437 = tpu.memref_slice %arg9[%dma_wait3A_428, %dma_wait3A_429, %dma_wait3A_436] : memref<2x50x128xi32, #tpu.memory_space<vmem>> -> memref<1x1x128xi32, #tpu.memory_space<vmem>>
    %dma_wait3A_438 = tpu.memref_squeeze %dma_wait3A_437 : memref<1x1x128xi32, #tpu.memory_space<vmem>> -> memref<128xi32, #tpu.memory_space<vmem>>
    %dma_wait3A_439 = arith.constant 0 : i32
    %dma_wait3A_440 = arith.constant 0 : i32
    %dma_wait3A_441 = tpu.memref_slice %arg7[%dma_wait3A_439, %dma_wait3A_440] : memref<100000x64xf32, #tpu.memory_space<hbm>> -> memref<100000x64xf32, #tpu.memory_space<hbm>>
    %dma_wait3A_442 = tpu.memref_slice %arg14[%dma_wait3A_431] : memref<4x!tpu.dma_semaphore, #tpu.memory_space<semaphore_mem>> -> memref<1x!tpu.dma_semaphore, #tpu.memory_space<semaphore_mem>>
    %dma_wait3A_443 = tpu.memref_squeeze %dma_wait3A_442 : memref<1x!tpu.dma_semaphore, #tpu.memory_space<semaphore_mem>> -> memref<!tpu.dma_semaphore, #tpu.memory_space<semaphore_mem>>
    tpu.wait_indirect_dma semaphore(%dma_wait3A_443 : memref<!tpu.dma_semaphore, #tpu.memory_space<semaphore_mem>>) src(%dma_wait3A_441 : memref<100000x64xf32, #tpu.memory_space<hbm>>) dst(%dma_wait3A_435 : memref<128x64xf32, #tpu.memory_space<vmem>>)
    %dma_start3A_444 = arith.constant 1 : i32
    %dma_start3A_445 = arith.constant 49 : i32
    %dma_start3A_446 = arith.constant 1 : i32
    %dma_start3A_447 = arith.constant 0 : i32
    %dma_start3A_448 = arith.constant 0 : i32
    %dma_start3A_449 = tpu.memref_slice %arg11[%dma_start3A_444, %dma_start3A_447, %dma_start3A_448] : memref<4x128x64xf32, #tpu.memory_space<vmem>> -> memref<1x128x64xf32, #tpu.memory_space<vmem>>
    %dma_start3A_450 = tpu.memref_squeeze %dma_start3A_449 : memref<1x128x64xf32, #tpu.memory_space<vmem>> -> memref<128x64xf32, #tpu.memory_space<vmem>>
    %dma_start3A_451 = arith.constant 0 : i32
    %dma_start3A_452 = tpu.memref_slice %arg10[%dma_start3A_445, %dma_start3A_451] : memref<50x128xi32, #tpu.memory_space<vmem>> -> memref<1x128xi32, #tpu.memory_space<vmem>>
    %dma_start3A_453 = tpu.memref_squeeze %dma_start3A_452 : memref<1x128xi32, #tpu.memory_space<vmem>> -> memref<128xi32, #tpu.memory_space<vmem>>
    %dma_start3A_454 = arith.constant 0 : i32
    %dma_start3A_455 = arith.constant 0 : i32
    %dma_start3A_456 = tpu.memref_slice %arg13[%dma_start3A_454, %dma_start3A_455] : memref<2048x64xf32, #tpu.memory_space<vmem_shared>> -> memref<2048x64xf32, #tpu.memory_space<vmem_shared>>
    %dma_start3A_457 = tpu.memref_slice %arg15[%dma_start3A_446] : memref<4x!tpu.dma_semaphore, #tpu.memory_space<semaphore_mem>> -> memref<1x!tpu.dma_semaphore, #tpu.memory_space<semaphore_mem>>
    %dma_start3A_458 = tpu.memref_squeeze %dma_start3A_457 : memref<1x!tpu.dma_semaphore, #tpu.memory_space<semaphore_mem>> -> memref<!tpu.dma_semaphore, #tpu.memory_space<semaphore_mem>>
    tpu.enqueue_indirect_dma source(%dma_start3A_450 : memref<128x64xf32, #tpu.memory_space<vmem>>) target(%dma_start3A_456 : memref<2048x64xf32, #tpu.memory_space<vmem_shared>>) offsets(%dma_start3A_453 : memref<128xi32, #tpu.memory_space<vmem>>) semaphore(%dma_start3A_458 : memref<!tpu.dma_semaphore, #tpu.memory_space<semaphore_mem>>) {add = true}
    %dma_wait3A_459 = arith.constant 0 : i32
    %dma_wait3A_460 = arith.constant 0 : i32
    %dma_wait3A_461 = arith.constant 0 : i32
    %dma_wait3A_462 = arith.constant 0 : i32
    %dma_wait3A_463 = arith.constant 0 : i32
    %dma_wait3A_464 = tpu.memref_slice %arg11[%dma_wait3A_459, %dma_wait3A_462, %dma_wait3A_463] : memref<4x128x64xf32, #tpu.memory_space<vmem>> -> memref<1x128x64xf32, #tpu.memory_space<vmem>>
    %dma_wait3A_465 = tpu.memref_squeeze %dma_wait3A_464 : memref<1x128x64xf32, #tpu.memory_space<vmem>> -> memref<128x64xf32, #tpu.memory_space<vmem>>
    %dma_wait3A_466 = arith.constant 0 : i32
    %dma_wait3A_467 = tpu.memref_slice %arg10[%dma_wait3A_460, %dma_wait3A_466] : memref<50x128xi32, #tpu.memory_space<vmem>> -> memref<1x128xi32, #tpu.memory_space<vmem>>
    %dma_wait3A_468 = tpu.memref_squeeze %dma_wait3A_467 : memref<1x128xi32, #tpu.memory_space<vmem>> -> memref<128xi32, #tpu.memory_space<vmem>>
    %dma_wait3A_469 = arith.constant 0 : i32
    %dma_wait3A_470 = arith.constant 0 : i32
    %dma_wait3A_471 = tpu.memref_slice %arg13[%dma_wait3A_469, %dma_wait3A_470] : memref<2048x64xf32, #tpu.memory_space<vmem_shared>> -> memref<2048x64xf32, #tpu.memory_space<vmem_shared>>
    %dma_wait3A_472 = tpu.memref_slice %arg15[%dma_wait3A_461] : memref<4x!tpu.dma_semaphore, #tpu.memory_space<semaphore_mem>> -> memref<1x!tpu.dma_semaphore, #tpu.memory_space<semaphore_mem>>
    %dma_wait3A_473 = tpu.memref_squeeze %dma_wait3A_472 : memref<1x!tpu.dma_semaphore, #tpu.memory_space<semaphore_mem>> -> memref<!tpu.dma_semaphore, #tpu.memory_space<semaphore_mem>>
    tpu.wait_indirect_dma semaphore(%dma_wait3A_473 : memref<!tpu.dma_semaphore, #tpu.memory_space<semaphore_mem>>) src(%dma_wait3A_465 : memref<128x64xf32, #tpu.memory_space<vmem>>) dst(%dma_wait3A_471 : memref<2048x64xf32, #tpu.memory_space<vmem_shared>>)
    %dma_wait3A_474 = arith.constant 1 : i32
    %dma_wait3A_475 = arith.constant 0 : i32
    %dma_wait3A_476 = arith.constant 1 : i32
    %dma_wait3A_477 = arith.constant 0 : i32
    %dma_wait3A_478 = arith.constant 0 : i32
    %dma_wait3A_479 = tpu.memref_slice %arg11[%dma_wait3A_474, %dma_wait3A_477, %dma_wait3A_478] : memref<4x128x64xf32, #tpu.memory_space<vmem>> -> memref<1x128x64xf32, #tpu.memory_space<vmem>>
    %dma_wait3A_480 = tpu.memref_squeeze %dma_wait3A_479 : memref<1x128x64xf32, #tpu.memory_space<vmem>> -> memref<128x64xf32, #tpu.memory_space<vmem>>
    %dma_wait3A_481 = arith.constant 0 : i32
    %dma_wait3A_482 = tpu.memref_slice %arg10[%dma_wait3A_475, %dma_wait3A_481] : memref<50x128xi32, #tpu.memory_space<vmem>> -> memref<1x128xi32, #tpu.memory_space<vmem>>
    %dma_wait3A_483 = tpu.memref_squeeze %dma_wait3A_482 : memref<1x128xi32, #tpu.memory_space<vmem>> -> memref<128xi32, #tpu.memory_space<vmem>>
    %dma_wait3A_484 = arith.constant 0 : i32
    %dma_wait3A_485 = arith.constant 0 : i32
    %dma_wait3A_486 = tpu.memref_slice %arg13[%dma_wait3A_484, %dma_wait3A_485] : memref<2048x64xf32, #tpu.memory_space<vmem_shared>> -> memref<2048x64xf32, #tpu.memory_space<vmem_shared>>
    %dma_wait3A_487 = tpu.memref_slice %arg15[%dma_wait3A_476] : memref<4x!tpu.dma_semaphore, #tpu.memory_space<semaphore_mem>> -> memref<1x!tpu.dma_semaphore, #tpu.memory_space<semaphore_mem>>
    %dma_wait3A_488 = tpu.memref_squeeze %dma_wait3A_487 : memref<1x!tpu.dma_semaphore, #tpu.memory_space<semaphore_mem>> -> memref<!tpu.dma_semaphore, #tpu.memory_space<semaphore_mem>>
    tpu.wait_indirect_dma semaphore(%dma_wait3A_488 : memref<!tpu.dma_semaphore, #tpu.memory_space<semaphore_mem>>) src(%dma_wait3A_480 : memref<128x64xf32, #tpu.memory_space<vmem>>) dst(%dma_wait3A_486 : memref<2048x64xf32, #tpu.memory_space<vmem_shared>>)
    %dma_wait3A_489 = arith.constant 2 : i32
    %dma_wait3A_490 = arith.constant 0 : i32
    %dma_wait3A_491 = arith.constant 2 : i32
    %dma_wait3A_492 = arith.constant 0 : i32
    %dma_wait3A_493 = arith.constant 0 : i32
    %dma_wait3A_494 = tpu.memref_slice %arg11[%dma_wait3A_489, %dma_wait3A_492, %dma_wait3A_493] : memref<4x128x64xf32, #tpu.memory_space<vmem>> -> memref<1x128x64xf32, #tpu.memory_space<vmem>>
    %dma_wait3A_495 = tpu.memref_squeeze %dma_wait3A_494 : memref<1x128x64xf32, #tpu.memory_space<vmem>> -> memref<128x64xf32, #tpu.memory_space<vmem>>
    %dma_wait3A_496 = arith.constant 0 : i32
    %dma_wait3A_497 = tpu.memref_slice %arg10[%dma_wait3A_490, %dma_wait3A_496] : memref<50x128xi32, #tpu.memory_space<vmem>> -> memref<1x128xi32, #tpu.memory_space<vmem>>
    %dma_wait3A_498 = tpu.memref_squeeze %dma_wait3A_497 : memref<1x128xi32, #tpu.memory_space<vmem>> -> memref<128xi32, #tpu.memory_space<vmem>>
    %dma_wait3A_499 = arith.constant 0 : i32
    %dma_wait3A_500 = arith.constant 0 : i32
    %dma_wait3A_501 = tpu.memref_slice %arg13[%dma_wait3A_499, %dma_wait3A_500] : memref<2048x64xf32, #tpu.memory_space<vmem_shared>> -> memref<2048x64xf32, #tpu.memory_space<vmem_shared>>
    %dma_wait3A_502 = tpu.memref_slice %arg15[%dma_wait3A_491] : memref<4x!tpu.dma_semaphore, #tpu.memory_space<semaphore_mem>> -> memref<1x!tpu.dma_semaphore, #tpu.memory_space<semaphore_mem>>
    %dma_wait3A_503 = tpu.memref_squeeze %dma_wait3A_502 : memref<1x!tpu.dma_semaphore, #tpu.memory_space<semaphore_mem>> -> memref<!tpu.dma_semaphore, #tpu.memory_space<semaphore_mem>>
    tpu.wait_indirect_dma semaphore(%dma_wait3A_503 : memref<!tpu.dma_semaphore, #tpu.memory_space<semaphore_mem>>) src(%dma_wait3A_495 : memref<128x64xf32, #tpu.memory_space<vmem>>) dst(%dma_wait3A_501 : memref<2048x64xf32, #tpu.memory_space<vmem_shared>>)
    %dma_wait3A_504 = arith.constant 3 : i32
    %dma_wait3A_505 = arith.constant 0 : i32
    %dma_wait3A_506 = arith.constant 3 : i32
    %dma_wait3A_507 = arith.constant 0 : i32
    %dma_wait3A_508 = arith.constant 0 : i32
    %dma_wait3A_509 = tpu.memref_slice %arg11[%dma_wait3A_504, %dma_wait3A_507, %dma_wait3A_508] : memref<4x128x64xf32, #tpu.memory_space<vmem>> -> memref<1x128x64xf32, #tpu.memory_space<vmem>>
    %dma_wait3A_510 = tpu.memref_squeeze %dma_wait3A_509 : memref<1x128x64xf32, #tpu.memory_space<vmem>> -> memref<128x64xf32, #tpu.memory_space<vmem>>
    %dma_wait3A_511 = arith.constant 0 : i32
    %dma_wait3A_512 = tpu.memref_slice %arg10[%dma_wait3A_505, %dma_wait3A_511] : memref<50x128xi32, #tpu.memory_space<vmem>> -> memref<1x128xi32, #tpu.memory_space<vmem>>
    %dma_wait3A_513 = tpu.memref_squeeze %dma_wait3A_512 : memref<1x128xi32, #tpu.memory_space<vmem>> -> memref<128xi32, #tpu.memory_space<vmem>>
    %dma_wait3A_514 = arith.constant 0 : i32
    %dma_wait3A_515 = arith.constant 0 : i32
    %dma_wait3A_516 = tpu.memref_slice %arg13[%dma_wait3A_514, %dma_wait3A_515] : memref<2048x64xf32, #tpu.memory_space<vmem_shared>> -> memref<2048x64xf32, #tpu.memory_space<vmem_shared>>
    %dma_wait3A_517 = tpu.memref_slice %arg15[%dma_wait3A_506] : memref<4x!tpu.dma_semaphore, #tpu.memory_space<semaphore_mem>> -> memref<1x!tpu.dma_semaphore, #tpu.memory_space<semaphore_mem>>
    %dma_wait3A_518 = tpu.memref_squeeze %dma_wait3A_517 : memref<1x!tpu.dma_semaphore, #tpu.memory_space<semaphore_mem>> -> memref<!tpu.dma_semaphore, #tpu.memory_space<semaphore_mem>>
    tpu.wait_indirect_dma semaphore(%dma_wait3A_518 : memref<!tpu.dma_semaphore, #tpu.memory_space<semaphore_mem>>) src(%dma_wait3A_510 : memref<128x64xf32, #tpu.memory_space<vmem>>) dst(%dma_wait3A_516 : memref<2048x64xf32, #tpu.memory_space<vmem_shared>>)
    "tpu.region"() ({
      %run_scoped3A_519 = tpu.sem_alloc : memref<!tpu.dma_semaphore, #tpu.memory_space<semaphore_mem>>
      %dma_start3A_520 = arith.constant 0 : i32
      %dma_start3A_521 = tpu.memref_slice %arg8[%mul3A_2, %dma_start3A_520] : memref<4096x128xf32, #tpu.memory_space<hbm>> -> memref<128x64xf32, #tpu.memory_space<hbm>>
      %dma_start3A_522 = arith.constant 0 : i32
      %dma_start3A_523 = tpu.memref_slice %arg12[%mul3A_5, %dma_start3A_522] : memref<2048x64xf32, #tpu.memory_space<vmem_shared>> -> memref<128x64xf32, #tpu.memory_space<vmem_shared>>
      tpu.enqueue_dma source(%dma_start3A_523 : memref<128x64xf32, #tpu.memory_space<vmem_shared>>) target(%dma_start3A_521 : memref<128x64xf32, #tpu.memory_space<hbm>>) target_semaphore(%run_scoped3A_519 : memref<!tpu.dma_semaphore, #tpu.memory_space<semaphore_mem>>)
      %dma_wait3A_524 = arith.constant 0 : i32
      %dma_wait3A_525 = tpu.memref_slice %arg8[%mul3A_2, %dma_wait3A_524] : memref<4096x128xf32, #tpu.memory_space<hbm>> -> memref<128x64xf32, #tpu.memory_space<hbm>>
      %dma_wait3A_526 = arith.constant 0 : i32
      %dma_wait3A_527 = tpu.memref_slice %arg12[%mul3A_5, %dma_wait3A_526] : memref<2048x64xf32, #tpu.memory_space<vmem_shared>> -> memref<128x64xf32, #tpu.memory_space<vmem_shared>>
      tpu.wait_dma2 semaphore(%run_scoped3A_519 : memref<!tpu.dma_semaphore, #tpu.memory_space<semaphore_mem>>) src(%dma_wait3A_527 : memref<128x64xf32, #tpu.memory_space<vmem_shared>>) dst(%dma_wait3A_525 : memref<128x64xf32, #tpu.memory_space<hbm>>)
      tpu.yield
    }) : () -> ()
    "tpu.region"() ({
      %run_scoped3A_519 = tpu.sem_alloc : memref<!tpu.dma_semaphore, #tpu.memory_space<semaphore_mem>>
      %dma_start3A_520 = arith.constant 64 : i32
      %dma_start3A_521 = tpu.memref_slice %arg8[%mul3A_2, %dma_start3A_520] : memref<4096x128xf32, #tpu.memory_space<hbm>> -> memref<128x64xf32, #tpu.memory_space<hbm>>
      %dma_start3A_522 = arith.constant 0 : i32
      %dma_start3A_523 = tpu.memref_slice %arg13[%mul3A_5, %dma_start3A_522] : memref<2048x64xf32, #tpu.memory_space<vmem_shared>> -> memref<128x64xf32, #tpu.memory_space<vmem_shared>>
      tpu.enqueue_dma source(%dma_start3A_523 : memref<128x64xf32, #tpu.memory_space<vmem_shared>>) target(%dma_start3A_521 : memref<128x64xf32, #tpu.memory_space<hbm>>) target_semaphore(%run_scoped3A_519 : memref<!tpu.dma_semaphore, #tpu.memory_space<semaphore_mem>>)
      %dma_wait3A_524 = arith.constant 64 : i32
      %dma_wait3A_525 = tpu.memref_slice %arg8[%mul3A_2, %dma_wait3A_524] : memref<4096x128xf32, #tpu.memory_space<hbm>> -> memref<128x64xf32, #tpu.memory_space<hbm>>
      %dma_wait3A_526 = arith.constant 0 : i32
      %dma_wait3A_527 = tpu.memref_slice %arg13[%mul3A_5, %dma_wait3A_526] : memref<2048x64xf32, #tpu.memory_space<vmem_shared>> -> memref<128x64xf32, #tpu.memory_space<vmem_shared>>
      tpu.wait_dma2 semaphore(%run_scoped3A_519 : memref<!tpu.dma_semaphore, #tpu.memory_space<semaphore_mem>>) src(%dma_wait3A_527 : memref<128x64xf32, #tpu.memory_space<vmem_shared>>) dst(%dma_wait3A_525 : memref<128x64xf32, #tpu.memory_space<hbm>>)
      tpu.yield
    }) : () -> ()
    return
  }
}

#map = affine_map<(d0, d1) -> (0, 0, 0)>
#map1 = affine_map<(d0, d1) -> (0, 0)>
module attributes {stable_mosaic.version = 14 : i64} {
  func.func @_body(%arg0: i32, %arg1: i32, %arg2: memref<32x50x128xi32, #tpu.memory_space<hbm>>, %arg3: memref<32x50x128xi32, #tpu.memory_space<hbm>>, %arg4: memref<16x50x128xi32, #tpu.memory_space<hbm>>, %arg5: memref<128x64xf32, #tpu.memory_space<hbm>>, %arg6: memref<8000x64xf32, #tpu.memory_space<hbm>>, %arg7: memref<8000x64xf32, #tpu.memory_space<hbm>>, %arg8: memref<4096x128xf32, #tpu.memory_space<hbm>>, %arg9: memref<2x50x128xi32, #tpu.memory_space<vmem>>, %arg10: memref<50x128xi32, #tpu.memory_space<vmem>>, %arg11: memref<4x128x64xf32, #tpu.memory_space<vmem>>, %arg12: memref<2048x64xf32, #tpu.memory_space<vmem_shared>>, %arg13: memref<2048x64xf32, #tpu.memory_space<vmem_shared>>, %arg14: memref<4x!tpu.dma_semaphore, #tpu.memory_space<semaphore_mem>>, %arg15: memref<4x!tpu.dma_semaphore, #tpu.memory_space<semaphore_mem>>, %arg16: memref<!tpu.dma_semaphore, #tpu.memory_space<semaphore_mem>>) attributes {dimension_semantics = [#tpu.dimension_semantics<core_parallel>, #tpu.dimension_semantics<subcore_parallel>], iteration_bounds = array<i64: 2, 16>, scalar_prefetch = 0 : i64, scratch_operands = 8 : i64, tpu.core_type = #tpu.core_type<sc_vector_subcore>, window_params = [{transform_indices = #map}, {transform_indices = #map}, {transform_indices = #map}, {transform_indices = #map1}, {transform_indices = #map1}, {transform_indices = #map1}, {transform_indices = #map1}]} {
    %mul3A = arith.constant 2 : i32
    %mul3A_0 = arith.muli %arg1, %mul3A : i32
    %add3A = arith.addi %mul3A_0, %arg0 : i32
    %mul3A_1 = arith.constant 128 : i32
    %mul3A_2 = arith.muli %add3A, %mul3A_1 : i32
    %run_scoped3A = arith.constant 0 : i32
    "tpu.region"() ({
      %run_scoped3A_519 = tpu.sem_alloc : memref<!tpu.dma_semaphore, #tpu.memory_space<semaphore_mem>>
      %dma_start3A_520 = arith.constant 0 : i32
      %dma_start3A_521 = arith.constant 0 : i32
      %dma_start3A_522 = tpu.memref_slice %arg9[%run_scoped3A, %dma_start3A_520, %dma_start3A_521] : memref<2x50x128xi32, #tpu.memory_space<vmem>> -> memref<1x50x128xi32, #tpu.memory_space<vmem>>
      %dma_start3A_523 = tpu.memref_squeeze %dma_start3A_522 : memref<1x50x128xi32, #tpu.memory_space<vmem>> -> memref<50x128xi32, #tpu.memory_space<vmem>>
      %dma_start3A_524 = arith.constant 0 : i32
      %dma_start3A_525 = arith.constant 0 : i32
      %dma_start3A_526 = tpu.memref_slice %arg2[%add3A, %dma_start3A_524, %dma_start3A_525] : memref<32x50x128xi32, #tpu.memory_space<hbm>> -> memref<1x50x128xi32, #tpu.memory_space<hbm>>
      %dma_start3A_527 = tpu.memref_squeeze %dma_start3A_526 : memref<1x50x128xi32, #tpu.memory_space<hbm>> -> memref<50x128xi32, #tpu.memory_space<hbm>>
      %dma_start3A_528 = arith.constant 0 : i32
      %dma_start3A_529 = arith.constant 0 : i32
      %dma_start3A_530 = tpu.memref_slice %arg9[%run_scoped3A, %dma_start3A_528, %dma_start3A_529] : memref<2x50x128xi32, #tpu.memory_space<vmem>> -> memref<1x50x128xi32, #tpu.memory_space<vmem>>
      %dma_start3A_531 = tpu.memref_squeeze %dma_start3A_530 : memref<1x50x128xi32, #tpu.memory_space<vmem>> -> memref<50x128xi32, #tpu.memory_space<vmem>>
      %dma_start3A_532 = arith.constant 0 : i32
      %dma_start3A_533 = arith.constant 0 : i32
      %dma_start3A_534 = tpu.memref_slice %arg2[%add3A, %dma_start3A_532, %dma_start3A_533] : memref<32x50x128xi32, #tpu.memory_space<hbm>> -> memref<1x50x128xi32, #tpu.memory_space<hbm>>
      %dma_start3A_535 = tpu.memref_squeeze %dma_start3A_534 : memref<1x50x128xi32, #tpu.memory_space<hbm>> -> memref<50x128xi32, #tpu.memory_space<hbm>>
      tpu.enqueue_dma source(%dma_start3A_535 : memref<50x128xi32, #tpu.memory_space<hbm>>) target(%dma_start3A_531 : memref<50x128xi32, #tpu.memory_space<vmem>>) target_semaphore(%run_scoped3A_519 : memref<!tpu.dma_semaphore, #tpu.memory_space<semaphore_mem>>)
      %dma_wait3A_536 = arith.constant 0 : i32
      %dma_wait3A_537 = arith.constant 0 : i32
      %dma_wait3A_538 = tpu.memref_slice %arg9[%run_scoped3A, %dma_wait3A_536, %dma_wait3A_537] : memref<2x50x128xi32, #tpu.memory_space<vmem>> -> memref<1x50x128xi32, #tpu.memory_space<vmem>>
      %dma_wait3A_539 = tpu.memref_squeeze %dma_wait3A_538 : memref<1x50x128xi32, #tpu.memory_space<vmem>> -> memref<50x128xi32, #tpu.memory_space<vmem>>
      %dma_wait3A_540 = arith.constant 0 : i32
      %dma_wait3A_541 = arith.constant 0 : i32
      %dma_wait3A_542 = tpu.memref_slice %arg2[%add3A, %dma_wait3A_540, %dma_wait3A_541] : memref<32x50x128xi32, #tpu.memory_space<hbm>> -> memref<1x50x128xi32, #tpu.memory_space<hbm>>
      %dma_wait3A_543 = tpu.memref_squeeze %dma_wait3A_542 : memref<1x50x128xi32, #tpu.memory_space<hbm>> -> memref<50x128xi32, #tpu.memory_space<hbm>>
      %dma_wait3A_544 = arith.constant 0 : i32
      %dma_wait3A_545 = arith.constant 0 : i32
      %dma_wait3A_546 = tpu.memref_slice %arg9[%run_scoped3A, %dma_wait3A_544, %dma_wait3A_545] : memref<2x50x128xi32, #tpu.memory_space<vmem>> -> memref<1x50x128xi32, #tpu.memory_space<vmem>>
      %dma_wait3A_547 = tpu.memref_squeeze %dma_wait3A_546 : memref<1x50x128xi32, #tpu.memory_space<vmem>> -> memref<50x128xi32, #tpu.memory_space<vmem>>
      %dma_wait3A_548 = arith.constant 0 : i32
      %dma_wait3A_549 = arith.constant 0 : i32
      %dma_wait3A_550 = tpu.memref_slice %arg2[%add3A, %dma_wait3A_548, %dma_wait3A_549] : memref<32x50x128xi32, #tpu.memory_space<hbm>> -> memref<1x50x128xi32, #tpu.memory_space<hbm>>
      %dma_wait3A_551 = tpu.memref_squeeze %dma_wait3A_550 : memref<1x50x128xi32, #tpu.memory_space<hbm>> -> memref<50x128xi32, #tpu.memory_space<hbm>>
      tpu.wait_dma2 semaphore(%run_scoped3A_519 : memref<!tpu.dma_semaphore, #tpu.memory_space<semaphore_mem>>) src(%dma_wait3A_551 : memref<50x128xi32, #tpu.memory_space<hbm>>) dst(%dma_wait3A_547 : memref<50x128xi32, #tpu.memory_space<vmem>>)
      tpu.yield
    }) : () -> ()
    %run_scoped3A_3 = arith.constant 1 : i32
    "tpu.region"() ({
      %run_scoped3A_519 = tpu.sem_alloc : memref<!tpu.dma_semaphore, #tpu.memory_space<semaphore_mem>>
      %dma_start3A_520 = arith.constant 0 : i32
      %dma_start3A_521 = arith.constant 0 : i32
      %dma_start3A_522 = tpu.memref_slice %arg9[%run_scoped3A_3, %dma_start3A_520, %dma_start3A_521] : memref<2x50x128xi32, #tpu.memory_space<vmem>> -> memref<1x50x128xi32, #tpu.memory_space<vmem>>
      %dma_start3A_523 = tpu.memref_squeeze %dma_start3A_522 : memref<1x50x128xi32, #tpu.memory_space<vmem>> -> memref<50x128xi32, #tpu.memory_space<vmem>>
      %dma_start3A_524 = arith.constant 0 : i32
      %dma_start3A_525 = arith.constant 0 : i32
      %dma_start3A_526 = tpu.memref_slice %arg3[%add3A, %dma_start3A_524, %dma_start3A_525] : memref<32x50x128xi32, #tpu.memory_space<hbm>> -> memref<1x50x128xi32, #tpu.memory_space<hbm>>
      %dma_start3A_527 = tpu.memref_squeeze %dma_start3A_526 : memref<1x50x128xi32, #tpu.memory_space<hbm>> -> memref<50x128xi32, #tpu.memory_space<hbm>>
      %dma_start3A_528 = arith.constant 0 : i32
      %dma_start3A_529 = arith.constant 0 : i32
      %dma_start3A_530 = tpu.memref_slice %arg9[%run_scoped3A_3, %dma_start3A_528, %dma_start3A_529] : memref<2x50x128xi32, #tpu.memory_space<vmem>> -> memref<1x50x128xi32, #tpu.memory_space<vmem>>
      %dma_start3A_531 = tpu.memref_squeeze %dma_start3A_530 : memref<1x50x128xi32, #tpu.memory_space<vmem>> -> memref<50x128xi32, #tpu.memory_space<vmem>>
      %dma_start3A_532 = arith.constant 0 : i32
      %dma_start3A_533 = arith.constant 0 : i32
      %dma_start3A_534 = tpu.memref_slice %arg3[%add3A, %dma_start3A_532, %dma_start3A_533] : memref<32x50x128xi32, #tpu.memory_space<hbm>> -> memref<1x50x128xi32, #tpu.memory_space<hbm>>
      %dma_start3A_535 = tpu.memref_squeeze %dma_start3A_534 : memref<1x50x128xi32, #tpu.memory_space<hbm>> -> memref<50x128xi32, #tpu.memory_space<hbm>>
      tpu.enqueue_dma source(%dma_start3A_535 : memref<50x128xi32, #tpu.memory_space<hbm>>) target(%dma_start3A_531 : memref<50x128xi32, #tpu.memory_space<vmem>>) target_semaphore(%run_scoped3A_519 : memref<!tpu.dma_semaphore, #tpu.memory_space<semaphore_mem>>)
      %dma_wait3A_536 = arith.constant 0 : i32
      %dma_wait3A_537 = arith.constant 0 : i32
      %dma_wait3A_538 = tpu.memref_slice %arg9[%run_scoped3A_3, %dma_wait3A_536, %dma_wait3A_537] : memref<2x50x128xi32, #tpu.memory_space<vmem>> -> memref<1x50x128xi32, #tpu.memory_space<vmem>>
      %dma_wait3A_539 = tpu.memref_squeeze %dma_wait3A_538 : memref<1x50x128xi32, #tpu.memory_space<vmem>> -> memref<50x128xi32, #tpu.memory_space<vmem>>
      %dma_wait3A_540 = arith.constant 0 : i32
      %dma_wait3A_541 = arith.constant 0 : i32
      %dma_wait3A_542 = tpu.memref_slice %arg3[%add3A, %dma_wait3A_540, %dma_wait3A_541] : memref<32x50x128xi32, #tpu.memory_space<hbm>> -> memref<1x50x128xi32, #tpu.memory_space<hbm>>
      %dma_wait3A_543 = tpu.memref_squeeze %dma_wait3A_542 : memref<1x50x128xi32, #tpu.memory_space<hbm>> -> memref<50x128xi32, #tpu.memory_space<hbm>>
      %dma_wait3A_544 = arith.constant 0 : i32
      %dma_wait3A_545 = arith.constant 0 : i32
      %dma_wait3A_546 = tpu.memref_slice %arg9[%run_scoped3A_3, %dma_wait3A_544, %dma_wait3A_545] : memref<2x50x128xi32, #tpu.memory_space<vmem>> -> memref<1x50x128xi32, #tpu.memory_space<vmem>>
      %dma_wait3A_547 = tpu.memref_squeeze %dma_wait3A_546 : memref<1x50x128xi32, #tpu.memory_space<vmem>> -> memref<50x128xi32, #tpu.memory_space<vmem>>
      %dma_wait3A_548 = arith.constant 0 : i32
      %dma_wait3A_549 = arith.constant 0 : i32
      %dma_wait3A_550 = tpu.memref_slice %arg3[%add3A, %dma_wait3A_548, %dma_wait3A_549] : memref<32x50x128xi32, #tpu.memory_space<hbm>> -> memref<1x50x128xi32, #tpu.memory_space<hbm>>
      %dma_wait3A_551 = tpu.memref_squeeze %dma_wait3A_550 : memref<1x50x128xi32, #tpu.memory_space<hbm>> -> memref<50x128xi32, #tpu.memory_space<hbm>>
      tpu.wait_dma2 semaphore(%run_scoped3A_519 : memref<!tpu.dma_semaphore, #tpu.memory_space<semaphore_mem>>) src(%dma_wait3A_551 : memref<50x128xi32, #tpu.memory_space<hbm>>) dst(%dma_wait3A_547 : memref<50x128xi32, #tpu.memory_space<vmem>>)
      tpu.yield
    }) : () -> ()
    "tpu.region"() ({
      %run_scoped3A_519 = tpu.sem_alloc : memref<!tpu.dma_semaphore, #tpu.memory_space<semaphore_mem>>
      %dma_start3A_520 = arith.constant 0 : i32
      %dma_start3A_521 = arith.constant 0 : i32
      %dma_start3A_522 = tpu.memref_slice %arg4[%arg1, %dma_start3A_520, %dma_start3A_521] : memref<16x50x128xi32, #tpu.memory_space<hbm>> -> memref<1x50x128xi32, #tpu.memory_space<hbm>>
      %dma_start3A_523 = tpu.memref_squeeze %dma_start3A_522 : memref<1x50x128xi32, #tpu.memory_space<hbm>> -> memref<50x128xi32, #tpu.memory_space<hbm>>
      %dma_start3A_524 = arith.constant 0 : i32
      %dma_start3A_525 = arith.constant 0 : i32
      %dma_start3A_526 = tpu.memref_slice %arg4[%arg1, %dma_start3A_524, %dma_start3A_525] : memref<16x50x128xi32, #tpu.memory_space<hbm>> -> memref<1x50x128xi32, #tpu.memory_space<hbm>>
      %dma_start3A_527 = tpu.memref_squeeze %dma_start3A_526 : memref<1x50x128xi32, #tpu.memory_space<hbm>> -> memref<50x128xi32, #tpu.memory_space<hbm>>
      tpu.enqueue_dma source(%dma_start3A_527 : memref<50x128xi32, #tpu.memory_space<hbm>>) target(%arg10 : memref<50x128xi32, #tpu.memory_space<vmem>>) target_semaphore(%run_scoped3A_519 : memref<!tpu.dma_semaphore, #tpu.memory_space<semaphore_mem>>)
      %dma_wait3A_528 = arith.constant 0 : i32
      %dma_wait3A_529 = arith.constant 0 : i32
      %dma_wait3A_530 = tpu.memref_slice %arg4[%arg1, %dma_wait3A_528, %dma_wait3A_529] : memref<16x50x128xi32, #tpu.memory_space<hbm>> -> memref<1x50x128xi32, #tpu.memory_space<hbm>>
      %dma_wait3A_531 = tpu.memref_squeeze %dma_wait3A_530 : memref<1x50x128xi32, #tpu.memory_space<hbm>> -> memref<50x128xi32, #tpu.memory_space<hbm>>
      %dma_wait3A_532 = arith.constant 0 : i32
      %dma_wait3A_533 = arith.constant 0 : i32
      %dma_wait3A_534 = tpu.memref_slice %arg4[%arg1, %dma_wait3A_532, %dma_wait3A_533] : memref<16x50x128xi32, #tpu.memory_space<hbm>> -> memref<1x50x128xi32, #tpu.memory_space<hbm>>
      %dma_wait3A_535 = tpu.memref_squeeze %dma_wait3A_534 : memref<1x50x128xi32, #tpu.memory_space<hbm>> -> memref<50x128xi32, #tpu.memory_space<hbm>>
      tpu.wait_dma2 semaphore(%run_scoped3A_519 : memref<!tpu.dma_semaphore, #tpu.memory_space<semaphore_mem>>) src(%dma_wait3A_535 : memref<50x128xi32, #tpu.memory_space<hbm>>) dst(%arg10 : memref<50x128xi32, #tpu.memory_space<vmem>>)
      tpu.yield
    }) : () -> ()
    %mul3A_4 = arith.constant 128 : i32
    %mul3A_5 = arith.muli %arg1, %mul3A_4 : i32
    %dma_start3A = arith.constant 0 : i32
    %dma_start3A_6 = tpu.memref_slice %arg12[%mul3A_5, %dma_start3A] : memref<2048x64xf32, #tpu.memory_space<vmem_shared>> -> memref<128x64xf32, #tpu.memory_space<vmem_shared>>
    tpu.enqueue_dma source(%arg5 : memref<128x64xf32, #tpu.memory_space<hbm>>) target(%dma_start3A_6 : memref<128x64xf32, #tpu.memory_space<vmem_shared>>) target_semaphore(%arg16 : memref<!tpu.dma_semaphore, #tpu.memory_space<semaphore_mem>>)
    %dma_start3A_7 = arith.constant 0 : i32
    %dma_start3A_8 = tpu.memref_slice %arg13[%mul3A_5, %dma_start3A_7] : memref<2048x64xf32, #tpu.memory_space<vmem_shared>> -> memref<128x64xf32, #tpu.memory_space<vmem_shared>>
    tpu.enqueue_dma source(%arg5 : memref<128x64xf32, #tpu.memory_space<hbm>>) target(%dma_start3A_8 : memref<128x64xf32, #tpu.memory_space<vmem_shared>>) target_semaphore(%arg16 : memref<!tpu.dma_semaphore, #tpu.memory_space<semaphore_mem>>)
    %dma_wait3A = arith.constant 0 : i32
    %dma_wait3A_9 = tpu.memref_slice %arg12[%mul3A_5, %dma_wait3A] : memref<2048x64xf32, #tpu.memory_space<vmem_shared>> -> memref<128x64xf32, #tpu.memory_space<vmem_shared>>
    tpu.wait_dma2 semaphore(%arg16 : memref<!tpu.dma_semaphore, #tpu.memory_space<semaphore_mem>>) src(%arg5 : memref<128x64xf32, #tpu.memory_space<hbm>>) dst(%dma_wait3A_9 : memref<128x64xf32, #tpu.memory_space<vmem_shared>>)
    %dma_wait3A_10 = arith.constant 0 : i32
    %dma_wait3A_11 = tpu.memref_slice %arg13[%mul3A_5, %dma_wait3A_10] : memref<2048x64xf32, #tpu.memory_space<vmem_shared>> -> memref<128x64xf32, #tpu.memory_space<vmem_shared>>
    tpu.wait_dma2 semaphore(%arg16 : memref<!tpu.dma_semaphore, #tpu.memory_space<semaphore_mem>>) src(%arg5 : memref<128x64xf32, #tpu.memory_space<hbm>>) dst(%dma_wait3A_11 : memref<128x64xf32, #tpu.memory_space<vmem_shared>>)
    %dma_start3A_12 = arith.constant 0 : i32
    %dma_start3A_13 = arith.constant 0 : i32
    %dma_start3A_14 = arith.constant 0 : i32
    %dma_start3A_15 = arith.constant 0 : i32
    %dma_start3A_16 = arith.constant 0 : i32
    %dma_start3A_17 = arith.constant 0 : i32
    %dma_start3A_18 = tpu.memref_slice %arg11[%dma_start3A_14, %dma_start3A_16, %dma_start3A_17] : memref<4x128x64xf32, #tpu.memory_space<vmem>> -> memref<1x128x64xf32, #tpu.memory_space<vmem>>
    %dma_start3A_19 = tpu.memref_squeeze %dma_start3A_18 : memref<1x128x64xf32, #tpu.memory_space<vmem>> -> memref<128x64xf32, #tpu.memory_space<vmem>>
    %dma_start3A_20 = arith.constant 0 : i32
    %dma_start3A_21 = tpu.memref_slice %arg9[%dma_start3A_12, %dma_start3A_13, %dma_start3A_20] : memref<2x50x128xi32, #tpu.memory_space<vmem>> -> memref<1x1x128xi32, #tpu.memory_space<vmem>>
    %dma_start3A_22 = tpu.memref_squeeze %dma_start3A_21 : memref<1x1x128xi32, #tpu.memory_space<vmem>> -> memref<128xi32, #tpu.memory_space<vmem>>
    %dma_start3A_23 = arith.constant 0 : i32
    %dma_start3A_24 = arith.constant 0 : i32
    %dma_start3A_25 = tpu.memref_slice %arg6[%dma_start3A_23, %dma_start3A_24] : memref<8000x64xf32, #tpu.memory_space<hbm>> -> memref<8000x64xf32, #tpu.memory_space<hbm>>
    %dma_start3A_26 = tpu.memref_slice %arg14[%dma_start3A_15] : memref<4x!tpu.dma_semaphore, #tpu.memory_space<semaphore_mem>> -> memref<1x!tpu.dma_semaphore, #tpu.memory_space<semaphore_mem>>
    %dma_start3A_27 = tpu.memref_squeeze %dma_start3A_26 : memref<1x!tpu.dma_semaphore, #tpu.memory_space<semaphore_mem>> -> memref<!tpu.dma_semaphore, #tpu.memory_space<semaphore_mem>>
    tpu.enqueue_indirect_dma source(%dma_start3A_25 : memref<8000x64xf32, #tpu.memory_space<hbm>>) target(%dma_start3A_19 : memref<128x64xf32, #tpu.memory_space<vmem>>) offsets(%dma_start3A_22 : memref<128xi32, #tpu.memory_space<vmem>>) semaphore(%dma_start3A_27 : memref<!tpu.dma_semaphore, #tpu.memory_space<semaphore_mem>>)
    %dma_start3A_28 = arith.constant 0 : i32
    %dma_start3A_29 = arith.constant 1 : i32
    %dma_start3A_30 = arith.constant 1 : i32
    %dma_start3A_31 = arith.constant 1 : i32
    %dma_start3A_32 = arith.constant 0 : i32
    %dma_start3A_33 = arith.constant 0 : i32
    %dma_start3A_34 = tpu.memref_slice %arg11[%dma_start3A_30, %dma_start3A_32, %dma_start3A_33] : memref<4x128x64xf32, #tpu.memory_space<vmem>> -> memref<1x128x64xf32, #tpu.memory_space<vmem>>
    %dma_start3A_35 = tpu.memref_squeeze %dma_start3A_34 : memref<1x128x64xf32, #tpu.memory_space<vmem>> -> memref<128x64xf32, #tpu.memory_space<vmem>>
    %dma_start3A_36 = arith.constant 0 : i32
    %dma_start3A_37 = tpu.memref_slice %arg9[%dma_start3A_28, %dma_start3A_29, %dma_start3A_36] : memref<2x50x128xi32, #tpu.memory_space<vmem>> -> memref<1x1x128xi32, #tpu.memory_space<vmem>>
    %dma_start3A_38 = tpu.memref_squeeze %dma_start3A_37 : memref<1x1x128xi32, #tpu.memory_space<vmem>> -> memref<128xi32, #tpu.memory_space<vmem>>
    %dma_start3A_39 = arith.constant 0 : i32
    %dma_start3A_40 = arith.constant 0 : i32
    %dma_start3A_41 = tpu.memref_slice %arg6[%dma_start3A_39, %dma_start3A_40] : memref<8000x64xf32, #tpu.memory_space<hbm>> -> memref<8000x64xf32, #tpu.memory_space<hbm>>
    %dma_start3A_42 = tpu.memref_slice %arg14[%dma_start3A_31] : memref<4x!tpu.dma_semaphore, #tpu.memory_space<semaphore_mem>> -> memref<1x!tpu.dma_semaphore, #tpu.memory_space<semaphore_mem>>
    %dma_start3A_43 = tpu.memref_squeeze %dma_start3A_42 : memref<1x!tpu.dma_semaphore, #tpu.memory_space<semaphore_mem>> -> memref<!tpu.dma_semaphore, #tpu.memory_space<semaphore_mem>>
    tpu.enqueue_indirect_dma source(%dma_start3A_41 : memref<8000x64xf32, #tpu.memory_space<hbm>>) target(%dma_start3A_35 : memref<128x64xf32, #tpu.memory_space<vmem>>) offsets(%dma_start3A_38 : memref<128xi32, #tpu.memory_space<vmem>>) semaphore(%dma_start3A_43 : memref<!tpu.dma_semaphore, #tpu.memory_space<semaphore_mem>>)
    %dma_start3A_44 = arith.constant 0 : i32
    %dma_start3A_45 = arith.constant 2 : i32
    %dma_start3A_46 = arith.constant 2 : i32
    %dma_start3A_47 = arith.constant 2 : i32
    %dma_start3A_48 = arith.constant 0 : i32
    %dma_start3A_49 = arith.constant 0 : i32
    %dma_start3A_50 = tpu.memref_slice %arg11[%dma_start3A_46, %dma_start3A_48, %dma_start3A_49] : memref<4x128x64xf32, #tpu.memory_space<vmem>> -> memref<1x128x64xf32, #tpu.memory_space<vmem>>
    %dma_start3A_51 = tpu.memref_squeeze %dma_start3A_50 : memref<1x128x64xf32, #tpu.memory_space<vmem>> -> memref<128x64xf32, #tpu.memory_space<vmem>>
    %dma_start3A_52 = arith.constant 0 : i32
    %dma_start3A_53 = tpu.memref_slice %arg9[%dma_start3A_44, %dma_start3A_45, %dma_start3A_52] : memref<2x50x128xi32, #tpu.memory_space<vmem>> -> memref<1x1x128xi32, #tpu.memory_space<vmem>>
    %dma_start3A_54 = tpu.memref_squeeze %dma_start3A_53 : memref<1x1x128xi32, #tpu.memory_space<vmem>> -> memref<128xi32, #tpu.memory_space<vmem>>
    %dma_start3A_55 = arith.constant 0 : i32
    %dma_start3A_56 = arith.constant 0 : i32
    %dma_start3A_57 = tpu.memref_slice %arg6[%dma_start3A_55, %dma_start3A_56] : memref<8000x64xf32, #tpu.memory_space<hbm>> -> memref<8000x64xf32, #tpu.memory_space<hbm>>
    %dma_start3A_58 = tpu.memref_slice %arg14[%dma_start3A_47] : memref<4x!tpu.dma_semaphore, #tpu.memory_space<semaphore_mem>> -> memref<1x!tpu.dma_semaphore, #tpu.memory_space<semaphore_mem>>
    %dma_start3A_59 = tpu.memref_squeeze %dma_start3A_58 : memref<1x!tpu.dma_semaphore, #tpu.memory_space<semaphore_mem>> -> memref<!tpu.dma_semaphore, #tpu.memory_space<semaphore_mem>>
    tpu.enqueue_indirect_dma source(%dma_start3A_57 : memref<8000x64xf32, #tpu.memory_space<hbm>>) target(%dma_start3A_51 : memref<128x64xf32, #tpu.memory_space<vmem>>) offsets(%dma_start3A_54 : memref<128xi32, #tpu.memory_space<vmem>>) semaphore(%dma_start3A_59 : memref<!tpu.dma_semaphore, #tpu.memory_space<semaphore_mem>>)
    %dma_start3A_60 = arith.constant 0 : i32
    %dma_start3A_61 = arith.constant 3 : i32
    %dma_start3A_62 = arith.constant 3 : i32
    %dma_start3A_63 = arith.constant 3 : i32
    %dma_start3A_64 = arith.constant 0 : i32
    %dma_start3A_65 = arith.constant 0 : i32
    %dma_start3A_66 = tpu.memref_slice %arg11[%dma_start3A_62, %dma_start3A_64, %dma_start3A_65] : memref<4x128x64xf32, #tpu.memory_space<vmem>> -> memref<1x128x64xf32, #tpu.memory_space<vmem>>
    %dma_start3A_67 = tpu.memref_squeeze %dma_start3A_66 : memref<1x128x64xf32, #tpu.memory_space<vmem>> -> memref<128x64xf32, #tpu.memory_space<vmem>>
    %dma_start3A_68 = arith.constant 0 : i32
    %dma_start3A_69 = tpu.memref_slice %arg9[%dma_start3A_60, %dma_start3A_61, %dma_start3A_68] : memref<2x50x128xi32, #tpu.memory_space<vmem>> -> memref<1x1x128xi32, #tpu.memory_space<vmem>>
    %dma_start3A_70 = tpu.memref_squeeze %dma_start3A_69 : memref<1x1x128xi32, #tpu.memory_space<vmem>> -> memref<128xi32, #tpu.memory_space<vmem>>
    %dma_start3A_71 = arith.constant 0 : i32
    %dma_start3A_72 = arith.constant 0 : i32
    %dma_start3A_73 = tpu.memref_slice %arg6[%dma_start3A_71, %dma_start3A_72] : memref<8000x64xf32, #tpu.memory_space<hbm>> -> memref<8000x64xf32, #tpu.memory_space<hbm>>
    %dma_start3A_74 = tpu.memref_slice %arg14[%dma_start3A_63] : memref<4x!tpu.dma_semaphore, #tpu.memory_space<semaphore_mem>> -> memref<1x!tpu.dma_semaphore, #tpu.memory_space<semaphore_mem>>
    %dma_start3A_75 = tpu.memref_squeeze %dma_start3A_74 : memref<1x!tpu.dma_semaphore, #tpu.memory_space<semaphore_mem>> -> memref<!tpu.dma_semaphore, #tpu.memory_space<semaphore_mem>>
    tpu.enqueue_indirect_dma source(%dma_start3A_73 : memref<8000x64xf32, #tpu.memory_space<hbm>>) target(%dma_start3A_67 : memref<128x64xf32, #tpu.memory_space<vmem>>) offsets(%dma_start3A_70 : memref<128xi32, #tpu.memory_space<vmem>>) semaphore(%dma_start3A_75 : memref<!tpu.dma_semaphore, #tpu.memory_space<semaphore_mem>>)
    %dma_wait3A_76 = arith.constant 0 : i32
    %dma_wait3A_77 = arith.constant 0 : i32
    %dma_wait3A_78 = arith.constant 0 : i32
    %dma_wait3A_79 = arith.constant 0 : i32
    %dma_wait3A_80 = arith.constant 0 : i32
    %dma_wait3A_81 = arith.constant 0 : i32
    %dma_wait3A_82 = tpu.memref_slice %arg11[%dma_wait3A_78, %dma_wait3A_80, %dma_wait3A_81] : memref<4x128x64xf32, #tpu.memory_space<vmem>> -> memref<1x128x64xf32, #tpu.memory_space<vmem>>
    %dma_wait3A_83 = tpu.memref_squeeze %dma_wait3A_82 : memref<1x128x64xf32, #tpu.memory_space<vmem>> -> memref<128x64xf32, #tpu.memory_space<vmem>>
    %dma_wait3A_84 = arith.constant 0 : i32
    %dma_wait3A_85 = tpu.memref_slice %arg9[%dma_wait3A_76, %dma_wait3A_77, %dma_wait3A_84] : memref<2x50x128xi32, #tpu.memory_space<vmem>> -> memref<1x1x128xi32, #tpu.memory_space<vmem>>
    %dma_wait3A_86 = tpu.memref_squeeze %dma_wait3A_85 : memref<1x1x128xi32, #tpu.memory_space<vmem>> -> memref<128xi32, #tpu.memory_space<vmem>>
    %dma_wait3A_87 = arith.constant 0 : i32
    %dma_wait3A_88 = arith.constant 0 : i32
    %dma_wait3A_89 = tpu.memref_slice %arg6[%dma_wait3A_87, %dma_wait3A_88] : memref<8000x64xf32, #tpu.memory_space<hbm>> -> memref<8000x64xf32, #tpu.memory_space<hbm>>
    %dma_wait3A_90 = tpu.memref_slice %arg14[%dma_wait3A_79] : memref<4x!tpu.dma_semaphore, #tpu.memory_space<semaphore_mem>> -> memref<1x!tpu.dma_semaphore, #tpu.memory_space<semaphore_mem>>
    %dma_wait3A_91 = tpu.memref_squeeze %dma_wait3A_90 : memref<1x!tpu.dma_semaphore, #tpu.memory_space<semaphore_mem>> -> memref<!tpu.dma_semaphore, #tpu.memory_space<semaphore_mem>>
    tpu.wait_indirect_dma semaphore(%dma_wait3A_91 : memref<!tpu.dma_semaphore, #tpu.memory_space<semaphore_mem>>) src(%dma_wait3A_89 : memref<8000x64xf32, #tpu.memory_space<hbm>>) dst(%dma_wait3A_83 : memref<128x64xf32, #tpu.memory_space<vmem>>)
    %dma_start3A_92 = arith.constant 0 : i32
    %dma_start3A_93 = arith.constant 0 : i32
    %dma_start3A_94 = arith.constant 0 : i32
    %dma_start3A_95 = arith.constant 0 : i32
    %dma_start3A_96 = arith.constant 0 : i32
    %dma_start3A_97 = tpu.memref_slice %arg11[%dma_start3A_92, %dma_start3A_95, %dma_start3A_96] : memref<4x128x64xf32, #tpu.memory_space<vmem>> -> memref<1x128x64xf32, #tpu.memory_space<vmem>>
    %dma_start3A_98 = tpu.memref_squeeze %dma_start3A_97 : memref<1x128x64xf32, #tpu.memory_space<vmem>> -> memref<128x64xf32, #tpu.memory_space<vmem>>
    %dma_start3A_99 = arith.constant 0 : i32
    %dma_start3A_100 = tpu.memref_slice %arg10[%dma_start3A_93, %dma_start3A_99] : memref<50x128xi32, #tpu.memory_space<vmem>> -> memref<1x128xi32, #tpu.memory_space<vmem>>
    %dma_start3A_101 = tpu.memref_squeeze %dma_start3A_100 : memref<1x128xi32, #tpu.memory_space<vmem>> -> memref<128xi32, #tpu.memory_space<vmem>>
    %dma_start3A_102 = arith.constant 0 : i32
    %dma_start3A_103 = arith.constant 0 : i32
    %dma_start3A_104 = tpu.memref_slice %arg12[%dma_start3A_102, %dma_start3A_103] : memref<2048x64xf32, #tpu.memory_space<vmem_shared>> -> memref<2048x64xf32, #tpu.memory_space<vmem_shared>>
    %dma_start3A_105 = tpu.memref_slice %arg15[%dma_start3A_94] : memref<4x!tpu.dma_semaphore, #tpu.memory_space<semaphore_mem>> -> memref<1x!tpu.dma_semaphore, #tpu.memory_space<semaphore_mem>>
    %dma_start3A_106 = tpu.memref_squeeze %dma_start3A_105 : memref<1x!tpu.dma_semaphore, #tpu.memory_space<semaphore_mem>> -> memref<!tpu.dma_semaphore, #tpu.memory_space<semaphore_mem>>
    tpu.enqueue_indirect_dma source(%dma_start3A_98 : memref<128x64xf32, #tpu.memory_space<vmem>>) target(%dma_start3A_104 : memref<2048x64xf32, #tpu.memory_space<vmem_shared>>) offsets(%dma_start3A_101 : memref<128xi32, #tpu.memory_space<vmem>>) semaphore(%dma_start3A_106 : memref<!tpu.dma_semaphore, #tpu.memory_space<semaphore_mem>>) {add = true}
    %scan3A = arith.constant 0 : i32
    %scan3A_107 = arith.constant 1 : i32
    %scan3A_108 = arith.constant 46 : i32
    %scan3A_109 = arith.addi %scan3A_107, %scan3A_108 : i32
    %scan3A_110 = arith.constant 2 : i32
    scf.for %scan3A_519 = %scan3A_107 to %scan3A_109 step %scan3A_110  : i32 {
      %jit3A = arith.constant 4 : i32
      %eq3A = arith.constant 0 : i32
      %eq3A_520 = arith.cmpi eq, %jit3A, %eq3A : i32
      %jit3A_521 = arith.constant 1 : i32
      %select_n3A = arith.select %eq3A_520, %jit3A_521, %jit3A : i32
      %rem3A = arith.remsi %scan3A_519, %select_n3A : i32
      %ne3A = arith.constant 0 : i32
      %ne3A_522 = arith.cmpi ne, %rem3A, %ne3A : i32
      %lt3A = arith.constant 0 : i32
      %lt3A_523 = arith.cmpi slt, %rem3A, %lt3A : i32
      %lt3A_524 = arith.constant 0 : i32
      %lt3A_525 = arith.cmpi slt, %select_n3A, %lt3A_524 : i32
      %ne3A_526 = arith.xori %lt3A_523, %lt3A_525 : i1
      %and3A = arith.andi %ne3A_526, %ne3A_522 : i1
      %add3A_527 = arith.addi %rem3A, %select_n3A : i32
      %select_n3A_528 = arith.select %and3A, %add3A_527, %rem3A : i32
      %sub3A = arith.constant 1 : i32
      %sub3A_529 = arith.subi %scan3A_519, %sub3A : i32
      %jit3A_530 = arith.constant 4 : i32
      %eq3A_531 = arith.constant 0 : i32
      %eq3A_532 = arith.cmpi eq, %jit3A_530, %eq3A_531 : i32
      %jit3A_533 = arith.constant 1 : i32
      %select_n3A_534 = arith.select %eq3A_532, %jit3A_533, %jit3A_530 : i32
      %rem3A_535 = arith.remsi %sub3A_529, %select_n3A_534 : i32
      %ne3A_536 = arith.constant 0 : i32
      %ne3A_537 = arith.cmpi ne, %rem3A_535, %ne3A_536 : i32
      %lt3A_538 = arith.constant 0 : i32
      %lt3A_539 = arith.cmpi slt, %rem3A_535, %lt3A_538 : i32
      %lt3A_540 = arith.constant 0 : i32
      %lt3A_541 = arith.cmpi slt, %select_n3A_534, %lt3A_540 : i32
      %ne3A_542 = arith.xori %lt3A_539, %lt3A_541 : i1
      %and3A_543 = arith.andi %ne3A_542, %ne3A_537 : i1
      %add3A_544 = arith.addi %rem3A_535, %select_n3A_534 : i32
      %select_n3A_545 = arith.select %and3A_543, %add3A_544, %rem3A_535 : i32
      %dma_wait3A_546 = arith.constant 0 : i32
      %dma_wait3A_547 = arith.constant 0 : i32
      %dma_wait3A_548 = arith.constant 0 : i32
      %dma_wait3A_549 = arith.constant 0 : i32
      %dma_wait3A_550 = tpu.memref_slice %arg11[%select_n3A_528, %dma_wait3A_548, %dma_wait3A_549] : memref<4x128x64xf32, #tpu.memory_space<vmem>> -> memref<1x128x64xf32, #tpu.memory_space<vmem>>
      %dma_wait3A_551 = tpu.memref_squeeze %dma_wait3A_550 : memref<1x128x64xf32, #tpu.memory_space<vmem>> -> memref<128x64xf32, #tpu.memory_space<vmem>>
      %dma_wait3A_552 = arith.constant 0 : i32
      %dma_wait3A_553 = tpu.memref_slice %arg9[%dma_wait3A_546, %dma_wait3A_547, %dma_wait3A_552] : memref<2x50x128xi32, #tpu.memory_space<vmem>> -> memref<1x1x128xi32, #tpu.memory_space<vmem>>
      %dma_wait3A_554 = tpu.memref_squeeze %dma_wait3A_553 : memref<1x1x128xi32, #tpu.memory_space<vmem>> -> memref<128xi32, #tpu.memory_space<vmem>>
      %dma_wait3A_555 = arith.constant 0 : i32
      %dma_wait3A_556 = arith.constant 0 : i32
      %dma_wait3A_557 = tpu.memref_slice %arg6[%dma_wait3A_555, %dma_wait3A_556] : memref<8000x64xf32, #tpu.memory_space<hbm>> -> memref<8000x64xf32, #tpu.memory_space<hbm>>
      %dma_wait3A_558 = tpu.memref_slice %arg14[%select_n3A_528] : memref<4x!tpu.dma_semaphore, #tpu.memory_space<semaphore_mem>> -> memref<1x!tpu.dma_semaphore, #tpu.memory_space<semaphore_mem>>
      %dma_wait3A_559 = tpu.memref_squeeze %dma_wait3A_558 : memref<1x!tpu.dma_semaphore, #tpu.memory_space<semaphore_mem>> -> memref<!tpu.dma_semaphore, #tpu.memory_space<semaphore_mem>>
      tpu.wait_indirect_dma semaphore(%dma_wait3A_559 : memref<!tpu.dma_semaphore, #tpu.memory_space<semaphore_mem>>) src(%dma_wait3A_557 : memref<8000x64xf32, #tpu.memory_space<hbm>>) dst(%dma_wait3A_551 : memref<128x64xf32, #tpu.memory_space<vmem>>)
      %dma_start3A_560 = arith.constant 0 : i32
      %dma_start3A_561 = arith.constant 0 : i32
      %dma_start3A_562 = tpu.memref_slice %arg11[%select_n3A_528, %dma_start3A_560, %dma_start3A_561] : memref<4x128x64xf32, #tpu.memory_space<vmem>> -> memref<1x128x64xf32, #tpu.memory_space<vmem>>
      %dma_start3A_563 = tpu.memref_squeeze %dma_start3A_562 : memref<1x128x64xf32, #tpu.memory_space<vmem>> -> memref<128x64xf32, #tpu.memory_space<vmem>>
      %dma_start3A_564 = arith.constant 0 : i32
      %dma_start3A_565 = tpu.memref_slice %arg10[%scan3A_519, %dma_start3A_564] : memref<50x128xi32, #tpu.memory_space<vmem>> -> memref<1x128xi32, #tpu.memory_space<vmem>>
      %dma_start3A_566 = tpu.memref_squeeze %dma_start3A_565 : memref<1x128xi32, #tpu.memory_space<vmem>> -> memref<128xi32, #tpu.memory_space<vmem>>
      %dma_start3A_567 = arith.constant 0 : i32
      %dma_start3A_568 = arith.constant 0 : i32
      %dma_start3A_569 = tpu.memref_slice %arg12[%dma_start3A_567, %dma_start3A_568] : memref<2048x64xf32, #tpu.memory_space<vmem_shared>> -> memref<2048x64xf32, #tpu.memory_space<vmem_shared>>
      %dma_start3A_570 = tpu.memref_slice %arg15[%select_n3A_528] : memref<4x!tpu.dma_semaphore, #tpu.memory_space<semaphore_mem>> -> memref<1x!tpu.dma_semaphore, #tpu.memory_space<semaphore_mem>>
      %dma_start3A_571 = tpu.memref_squeeze %dma_start3A_570 : memref<1x!tpu.dma_semaphore, #tpu.memory_space<semaphore_mem>> -> memref<!tpu.dma_semaphore, #tpu.memory_space<semaphore_mem>>
      tpu.enqueue_indirect_dma source(%dma_start3A_563 : memref<128x64xf32, #tpu.memory_space<vmem>>) target(%dma_start3A_569 : memref<2048x64xf32, #tpu.memory_space<vmem_shared>>) offsets(%dma_start3A_566 : memref<128xi32, #tpu.memory_space<vmem>>) semaphore(%dma_start3A_571 : memref<!tpu.dma_semaphore, #tpu.memory_space<semaphore_mem>>) {add = true}
      %dma_wait3A_572 = arith.constant 0 : i32
      %dma_wait3A_573 = arith.constant 0 : i32
      %dma_wait3A_574 = arith.constant 0 : i32
      %dma_wait3A_575 = tpu.memref_slice %arg11[%select_n3A_545, %dma_wait3A_573, %dma_wait3A_574] : memref<4x128x64xf32, #tpu.memory_space<vmem>> -> memref<1x128x64xf32, #tpu.memory_space<vmem>>
      %dma_wait3A_576 = tpu.memref_squeeze %dma_wait3A_575 : memref<1x128x64xf32, #tpu.memory_space<vmem>> -> memref<128x64xf32, #tpu.memory_space<vmem>>
      %dma_wait3A_577 = arith.constant 0 : i32
      %dma_wait3A_578 = tpu.memref_slice %arg10[%dma_wait3A_572, %dma_wait3A_577] : memref<50x128xi32, #tpu.memory_space<vmem>> -> memref<1x128xi32, #tpu.memory_space<vmem>>
      %dma_wait3A_579 = tpu.memref_squeeze %dma_wait3A_578 : memref<1x128xi32, #tpu.memory_space<vmem>> -> memref<128xi32, #tpu.memory_space<vmem>>
      %dma_wait3A_580 = arith.constant 0 : i32
      %dma_wait3A_581 = arith.constant 0 : i32
      %dma_wait3A_582 = tpu.memref_slice %arg12[%dma_wait3A_580, %dma_wait3A_581] : memref<2048x64xf32, #tpu.memory_space<vmem_shared>> -> memref<2048x64xf32, #tpu.memory_space<vmem_shared>>
      %dma_wait3A_583 = tpu.memref_slice %arg15[%select_n3A_545] : memref<4x!tpu.dma_semaphore, #tpu.memory_space<semaphore_mem>> -> memref<1x!tpu.dma_semaphore, #tpu.memory_space<semaphore_mem>>
      %dma_wait3A_584 = tpu.memref_squeeze %dma_wait3A_583 : memref<1x!tpu.dma_semaphore, #tpu.memory_space<semaphore_mem>> -> memref<!tpu.dma_semaphore, #tpu.memory_space<semaphore_mem>>
      tpu.wait_indirect_dma semaphore(%dma_wait3A_584 : memref<!tpu.dma_semaphore, #tpu.memory_space<semaphore_mem>>) src(%dma_wait3A_576 : memref<128x64xf32, #tpu.memory_space<vmem>>) dst(%dma_wait3A_582 : memref<2048x64xf32, #tpu.memory_space<vmem_shared>>)
      %sub3A_585 = arith.constant 1 : i32
      %sub3A_586 = arith.subi %scan3A_519, %sub3A_585 : i32
      %add3A_587 = arith.constant 4 : i32
      %add3A_588 = arith.addi %sub3A_586, %add3A_587 : i32
      %dma_start3A_589 = arith.constant 0 : i32
      %dma_start3A_590 = arith.constant 0 : i32
      %dma_start3A_591 = arith.constant 0 : i32
      %dma_start3A_592 = tpu.memref_slice %arg11[%select_n3A_545, %dma_start3A_590, %dma_start3A_591] : memref<4x128x64xf32, #tpu.memory_space<vmem>> -> memref<1x128x64xf32, #tpu.memory_space<vmem>>
      %dma_start3A_593 = tpu.memref_squeeze %dma_start3A_592 : memref<1x128x64xf32, #tpu.memory_space<vmem>> -> memref<128x64xf32, #tpu.memory_space<vmem>>
      %dma_start3A_594 = arith.constant 0 : i32
      %dma_start3A_595 = tpu.memref_slice %arg9[%dma_start3A_589, %add3A_588, %dma_start3A_594] : memref<2x50x128xi32, #tpu.memory_space<vmem>> -> memref<1x1x128xi32, #tpu.memory_space<vmem>>
      %dma_start3A_596 = tpu.memref_squeeze %dma_start3A_595 : memref<1x1x128xi32, #tpu.memory_space<vmem>> -> memref<128xi32, #tpu.memory_space<vmem>>
      %dma_start3A_597 = arith.constant 0 : i32
      %dma_start3A_598 = arith.constant 0 : i32
      %dma_start3A_599 = tpu.memref_slice %arg6[%dma_start3A_597, %dma_start3A_598] : memref<8000x64xf32, #tpu.memory_space<hbm>> -> memref<8000x64xf32, #tpu.memory_space<hbm>>
      %dma_start3A_600 = tpu.memref_slice %arg14[%select_n3A_545] : memref<4x!tpu.dma_semaphore, #tpu.memory_space<semaphore_mem>> -> memref<1x!tpu.dma_semaphore, #tpu.memory_space<semaphore_mem>>
      %dma_start3A_601 = tpu.memref_squeeze %dma_start3A_600 : memref<1x!tpu.dma_semaphore, #tpu.memory_space<semaphore_mem>> -> memref<!tpu.dma_semaphore, #tpu.memory_space<semaphore_mem>>
      tpu.enqueue_indirect_dma source(%dma_start3A_599 : memref<8000x64xf32, #tpu.memory_space<hbm>>) target(%dma_start3A_593 : memref<128x64xf32, #tpu.memory_space<vmem>>) offsets(%dma_start3A_596 : memref<128xi32, #tpu.memory_space<vmem>>) semaphore(%dma_start3A_601 : memref<!tpu.dma_semaphore, #tpu.memory_space<semaphore_mem>>)
      %scan3A_602 = arith.constant 1 : i32
      %scan3A_603 = arith.addi %scan3A_519, %scan3A_602 : i32
      %jit3A_604 = arith.constant 4 : i32
      %eq3A_605 = arith.constant 0 : i32
      %eq3A_606 = arith.cmpi eq, %jit3A_604, %eq3A_605 : i32
      %jit3A_607 = arith.constant 1 : i32
      %select_n3A_608 = arith.select %eq3A_606, %jit3A_607, %jit3A_604 : i32
      %rem3A_609 = arith.remsi %scan3A_603, %select_n3A_608 : i32
      %ne3A_610 = arith.constant 0 : i32
      %ne3A_611 = arith.cmpi ne, %rem3A_609, %ne3A_610 : i32
      %lt3A_612 = arith.constant 0 : i32
      %lt3A_613 = arith.cmpi slt, %rem3A_609, %lt3A_612 : i32
      %lt3A_614 = arith.constant 0 : i32
      %lt3A_615 = arith.cmpi slt, %select_n3A_608, %lt3A_614 : i32
      %ne3A_616 = arith.xori %lt3A_613, %lt3A_615 : i1
      %and3A_617 = arith.andi %ne3A_616, %ne3A_611 : i1
      %add3A_618 = arith.addi %rem3A_609, %select_n3A_608 : i32
      %select_n3A_619 = arith.select %and3A_617, %add3A_618, %rem3A_609 : i32
      %sub3A_620 = arith.constant 1 : i32
      %sub3A_621 = arith.subi %scan3A_603, %sub3A_620 : i32
      %jit3A_622 = arith.constant 4 : i32
      %eq3A_623 = arith.constant 0 : i32
      %eq3A_624 = arith.cmpi eq, %jit3A_622, %eq3A_623 : i32
      %jit3A_625 = arith.constant 1 : i32
      %select_n3A_626 = arith.select %eq3A_624, %jit3A_625, %jit3A_622 : i32
      %rem3A_627 = arith.remsi %sub3A_621, %select_n3A_626 : i32
      %ne3A_628 = arith.constant 0 : i32
      %ne3A_629 = arith.cmpi ne, %rem3A_627, %ne3A_628 : i32
      %lt3A_630 = arith.constant 0 : i32
      %lt3A_631 = arith.cmpi slt, %rem3A_627, %lt3A_630 : i32
      %lt3A_632 = arith.constant 0 : i32
      %lt3A_633 = arith.cmpi slt, %select_n3A_626, %lt3A_632 : i32
      %ne3A_634 = arith.xori %lt3A_631, %lt3A_633 : i1
      %and3A_635 = arith.andi %ne3A_634, %ne3A_629 : i1
      %add3A_636 = arith.addi %rem3A_627, %select_n3A_626 : i32
      %select_n3A_637 = arith.select %and3A_635, %add3A_636, %rem3A_627 : i32
      %dma_wait3A_638 = arith.constant 0 : i32
      %dma_wait3A_639 = arith.constant 0 : i32
      %dma_wait3A_640 = arith.constant 0 : i32
      %dma_wait3A_641 = arith.constant 0 : i32
      %dma_wait3A_642 = tpu.memref_slice %arg11[%select_n3A_619, %dma_wait3A_640, %dma_wait3A_641] : memref<4x128x64xf32, #tpu.memory_space<vmem>> -> memref<1x128x64xf32, #tpu.memory_space<vmem>>
      %dma_wait3A_643 = tpu.memref_squeeze %dma_wait3A_642 : memref<1x128x64xf32, #tpu.memory_space<vmem>> -> memref<128x64xf32, #tpu.memory_space<vmem>>
      %dma_wait3A_644 = arith.constant 0 : i32
      %dma_wait3A_645 = tpu.memref_slice %arg9[%dma_wait3A_638, %dma_wait3A_639, %dma_wait3A_644] : memref<2x50x128xi32, #tpu.memory_space<vmem>> -> memref<1x1x128xi32, #tpu.memory_space<vmem>>
      %dma_wait3A_646 = tpu.memref_squeeze %dma_wait3A_645 : memref<1x1x128xi32, #tpu.memory_space<vmem>> -> memref<128xi32, #tpu.memory_space<vmem>>
      %dma_wait3A_647 = arith.constant 0 : i32
      %dma_wait3A_648 = arith.constant 0 : i32
      %dma_wait3A_649 = tpu.memref_slice %arg6[%dma_wait3A_647, %dma_wait3A_648] : memref<8000x64xf32, #tpu.memory_space<hbm>> -> memref<8000x64xf32, #tpu.memory_space<hbm>>
      %dma_wait3A_650 = tpu.memref_slice %arg14[%select_n3A_619] : memref<4x!tpu.dma_semaphore, #tpu.memory_space<semaphore_mem>> -> memref<1x!tpu.dma_semaphore, #tpu.memory_space<semaphore_mem>>
      %dma_wait3A_651 = tpu.memref_squeeze %dma_wait3A_650 : memref<1x!tpu.dma_semaphore, #tpu.memory_space<semaphore_mem>> -> memref<!tpu.dma_semaphore, #tpu.memory_space<semaphore_mem>>
      tpu.wait_indirect_dma semaphore(%dma_wait3A_651 : memref<!tpu.dma_semaphore, #tpu.memory_space<semaphore_mem>>) src(%dma_wait3A_649 : memref<8000x64xf32, #tpu.memory_space<hbm>>) dst(%dma_wait3A_643 : memref<128x64xf32, #tpu.memory_space<vmem>>)
      %dma_start3A_652 = arith.constant 0 : i32
      %dma_start3A_653 = arith.constant 0 : i32
      %dma_start3A_654 = tpu.memref_slice %arg11[%select_n3A_619, %dma_start3A_652, %dma_start3A_653] : memref<4x128x64xf32, #tpu.memory_space<vmem>> -> memref<1x128x64xf32, #tpu.memory_space<vmem>>
      %dma_start3A_655 = tpu.memref_squeeze %dma_start3A_654 : memref<1x128x64xf32, #tpu.memory_space<vmem>> -> memref<128x64xf32, #tpu.memory_space<vmem>>
      %dma_start3A_656 = arith.constant 0 : i32
      %dma_start3A_657 = tpu.memref_slice %arg10[%scan3A_603, %dma_start3A_656] : memref<50x128xi32, #tpu.memory_space<vmem>> -> memref<1x128xi32, #tpu.memory_space<vmem>>
      %dma_start3A_658 = tpu.memref_squeeze %dma_start3A_657 : memref<1x128xi32, #tpu.memory_space<vmem>> -> memref<128xi32, #tpu.memory_space<vmem>>
      %dma_start3A_659 = arith.constant 0 : i32
      %dma_start3A_660 = arith.constant 0 : i32
      %dma_start3A_661 = tpu.memref_slice %arg12[%dma_start3A_659, %dma_start3A_660] : memref<2048x64xf32, #tpu.memory_space<vmem_shared>> -> memref<2048x64xf32, #tpu.memory_space<vmem_shared>>
      %dma_start3A_662 = tpu.memref_slice %arg15[%select_n3A_619] : memref<4x!tpu.dma_semaphore, #tpu.memory_space<semaphore_mem>> -> memref<1x!tpu.dma_semaphore, #tpu.memory_space<semaphore_mem>>
      %dma_start3A_663 = tpu.memref_squeeze %dma_start3A_662 : memref<1x!tpu.dma_semaphore, #tpu.memory_space<semaphore_mem>> -> memref<!tpu.dma_semaphore, #tpu.memory_space<semaphore_mem>>
      tpu.enqueue_indirect_dma source(%dma_start3A_655 : memref<128x64xf32, #tpu.memory_space<vmem>>) target(%dma_start3A_661 : memref<2048x64xf32, #tpu.memory_space<vmem_shared>>) offsets(%dma_start3A_658 : memref<128xi32, #tpu.memory_space<vmem>>) semaphore(%dma_start3A_663 : memref<!tpu.dma_semaphore, #tpu.memory_space<semaphore_mem>>) {add = true}
      %dma_wait3A_664 = arith.constant 0 : i32
      %dma_wait3A_665 = arith.constant 0 : i32
      %dma_wait3A_666 = arith.constant 0 : i32
      %dma_wait3A_667 = tpu.memref_slice %arg11[%select_n3A_637, %dma_wait3A_665, %dma_wait3A_666] : memref<4x128x64xf32, #tpu.memory_space<vmem>> -> memref<1x128x64xf32, #tpu.memory_space<vmem>>
      %dma_wait3A_668 = tpu.memref_squeeze %dma_wait3A_667 : memref<1x128x64xf32, #tpu.memory_space<vmem>> -> memref<128x64xf32, #tpu.memory_space<vmem>>
      %dma_wait3A_669 = arith.constant 0 : i32
      %dma_wait3A_670 = tpu.memref_slice %arg10[%dma_wait3A_664, %dma_wait3A_669] : memref<50x128xi32, #tpu.memory_space<vmem>> -> memref<1x128xi32, #tpu.memory_space<vmem>>
      %dma_wait3A_671 = tpu.memref_squeeze %dma_wait3A_670 : memref<1x128xi32, #tpu.memory_space<vmem>> -> memref<128xi32, #tpu.memory_space<vmem>>
      %dma_wait3A_672 = arith.constant 0 : i32
      %dma_wait3A_673 = arith.constant 0 : i32
      %dma_wait3A_674 = tpu.memref_slice %arg12[%dma_wait3A_672, %dma_wait3A_673] : memref<2048x64xf32, #tpu.memory_space<vmem_shared>> -> memref<2048x64xf32, #tpu.memory_space<vmem_shared>>
      %dma_wait3A_675 = tpu.memref_slice %arg15[%select_n3A_637] : memref<4x!tpu.dma_semaphore, #tpu.memory_space<semaphore_mem>> -> memref<1x!tpu.dma_semaphore, #tpu.memory_space<semaphore_mem>>
      %dma_wait3A_676 = tpu.memref_squeeze %dma_wait3A_675 : memref<1x!tpu.dma_semaphore, #tpu.memory_space<semaphore_mem>> -> memref<!tpu.dma_semaphore, #tpu.memory_space<semaphore_mem>>
      tpu.wait_indirect_dma semaphore(%dma_wait3A_676 : memref<!tpu.dma_semaphore, #tpu.memory_space<semaphore_mem>>) src(%dma_wait3A_668 : memref<128x64xf32, #tpu.memory_space<vmem>>) dst(%dma_wait3A_674 : memref<2048x64xf32, #tpu.memory_space<vmem_shared>>)
      %sub3A_677 = arith.constant 1 : i32
      %sub3A_678 = arith.subi %scan3A_603, %sub3A_677 : i32
      %add3A_679 = arith.constant 4 : i32
      %add3A_680 = arith.addi %sub3A_678, %add3A_679 : i32
      %dma_start3A_681 = arith.constant 0 : i32
      %dma_start3A_682 = arith.constant 0 : i32
      %dma_start3A_683 = arith.constant 0 : i32
      %dma_start3A_684 = tpu.memref_slice %arg11[%select_n3A_637, %dma_start3A_682, %dma_start3A_683] : memref<4x128x64xf32, #tpu.memory_space<vmem>> -> memref<1x128x64xf32, #tpu.memory_space<vmem>>
      %dma_start3A_685 = tpu.memref_squeeze %dma_start3A_684 : memref<1x128x64xf32, #tpu.memory_space<vmem>> -> memref<128x64xf32, #tpu.memory_space<vmem>>
      %dma_start3A_686 = arith.constant 0 : i32
      %dma_start3A_687 = tpu.memref_slice %arg9[%dma_start3A_681, %add3A_680, %dma_start3A_686] : memref<2x50x128xi32, #tpu.memory_space<vmem>> -> memref<1x1x128xi32, #tpu.memory_space<vmem>>
      %dma_start3A_688 = tpu.memref_squeeze %dma_start3A_687 : memref<1x1x128xi32, #tpu.memory_space<vmem>> -> memref<128xi32, #tpu.memory_space<vmem>>
      %dma_start3A_689 = arith.constant 0 : i32
      %dma_start3A_690 = arith.constant 0 : i32
      %dma_start3A_691 = tpu.memref_slice %arg6[%dma_start3A_689, %dma_start3A_690] : memref<8000x64xf32, #tpu.memory_space<hbm>> -> memref<8000x64xf32, #tpu.memory_space<hbm>>
      %dma_start3A_692 = tpu.memref_slice %arg14[%select_n3A_637] : memref<4x!tpu.dma_semaphore, #tpu.memory_space<semaphore_mem>> -> memref<1x!tpu.dma_semaphore, #tpu.memory_space<semaphore_mem>>
      %dma_start3A_693 = tpu.memref_squeeze %dma_start3A_692 : memref<1x!tpu.dma_semaphore, #tpu.memory_space<semaphore_mem>> -> memref<!tpu.dma_semaphore, #tpu.memory_space<semaphore_mem>>
      tpu.enqueue_indirect_dma source(%dma_start3A_691 : memref<8000x64xf32, #tpu.memory_space<hbm>>) target(%dma_start3A_685 : memref<128x64xf32, #tpu.memory_space<vmem>>) offsets(%dma_start3A_688 : memref<128xi32, #tpu.memory_space<vmem>>) semaphore(%dma_start3A_693 : memref<!tpu.dma_semaphore, #tpu.memory_space<semaphore_mem>>)
    }
    %scan3A_111 = arith.constant 46 : i32
    %dma_wait3A_112 = arith.constant 0 : i32
    %dma_wait3A_113 = arith.constant 0 : i32
    %dma_wait3A_114 = arith.constant 3 : i32
    %dma_wait3A_115 = arith.constant 3 : i32
    %dma_wait3A_116 = arith.constant 0 : i32
    %dma_wait3A_117 = arith.constant 0 : i32
    %dma_wait3A_118 = tpu.memref_slice %arg11[%dma_wait3A_114, %dma_wait3A_116, %dma_wait3A_117] : memref<4x128x64xf32, #tpu.memory_space<vmem>> -> memref<1x128x64xf32, #tpu.memory_space<vmem>>
    %dma_wait3A_119 = tpu.memref_squeeze %dma_wait3A_118 : memref<1x128x64xf32, #tpu.memory_space<vmem>> -> memref<128x64xf32, #tpu.memory_space<vmem>>
    %dma_wait3A_120 = arith.constant 0 : i32
    %dma_wait3A_121 = tpu.memref_slice %arg9[%dma_wait3A_112, %dma_wait3A_113, %dma_wait3A_120] : memref<2x50x128xi32, #tpu.memory_space<vmem>> -> memref<1x1x128xi32, #tpu.memory_space<vmem>>
    %dma_wait3A_122 = tpu.memref_squeeze %dma_wait3A_121 : memref<1x1x128xi32, #tpu.memory_space<vmem>> -> memref<128xi32, #tpu.memory_space<vmem>>
    %dma_wait3A_123 = arith.constant 0 : i32
    %dma_wait3A_124 = arith.constant 0 : i32
    %dma_wait3A_125 = tpu.memref_slice %arg6[%dma_wait3A_123, %dma_wait3A_124] : memref<8000x64xf32, #tpu.memory_space<hbm>> -> memref<8000x64xf32, #tpu.memory_space<hbm>>
    %dma_wait3A_126 = tpu.memref_slice %arg14[%dma_wait3A_115] : memref<4x!tpu.dma_semaphore, #tpu.memory_space<semaphore_mem>> -> memref<1x!tpu.dma_semaphore, #tpu.memory_space<semaphore_mem>>
    %dma_wait3A_127 = tpu.memref_squeeze %dma_wait3A_126 : memref<1x!tpu.dma_semaphore, #tpu.memory_space<semaphore_mem>> -> memref<!tpu.dma_semaphore, #tpu.memory_space<semaphore_mem>>
    tpu.wait_indirect_dma semaphore(%dma_wait3A_127 : memref<!tpu.dma_semaphore, #tpu.memory_space<semaphore_mem>>) src(%dma_wait3A_125 : memref<8000x64xf32, #tpu.memory_space<hbm>>) dst(%dma_wait3A_119 : memref<128x64xf32, #tpu.memory_space<vmem>>)
    %dma_start3A_128 = arith.constant 3 : i32
    %dma_start3A_129 = arith.constant 47 : i32
    %dma_start3A_130 = arith.constant 3 : i32
    %dma_start3A_131 = arith.constant 0 : i32
    %dma_start3A_132 = arith.constant 0 : i32
    %dma_start3A_133 = tpu.memref_slice %arg11[%dma_start3A_128, %dma_start3A_131, %dma_start3A_132] : memref<4x128x64xf32, #tpu.memory_space<vmem>> -> memref<1x128x64xf32, #tpu.memory_space<vmem>>
    %dma_start3A_134 = tpu.memref_squeeze %dma_start3A_133 : memref<1x128x64xf32, #tpu.memory_space<vmem>> -> memref<128x64xf32, #tpu.memory_space<vmem>>
    %dma_start3A_135 = arith.constant 0 : i32
    %dma_start3A_136 = tpu.memref_slice %arg10[%dma_start3A_129, %dma_start3A_135] : memref<50x128xi32, #tpu.memory_space<vmem>> -> memref<1x128xi32, #tpu.memory_space<vmem>>
    %dma_start3A_137 = tpu.memref_squeeze %dma_start3A_136 : memref<1x128xi32, #tpu.memory_space<vmem>> -> memref<128xi32, #tpu.memory_space<vmem>>
    %dma_start3A_138 = arith.constant 0 : i32
    %dma_start3A_139 = arith.constant 0 : i32
    %dma_start3A_140 = tpu.memref_slice %arg12[%dma_start3A_138, %dma_start3A_139] : memref<2048x64xf32, #tpu.memory_space<vmem_shared>> -> memref<2048x64xf32, #tpu.memory_space<vmem_shared>>
    %dma_start3A_141 = tpu.memref_slice %arg15[%dma_start3A_130] : memref<4x!tpu.dma_semaphore, #tpu.memory_space<semaphore_mem>> -> memref<1x!tpu.dma_semaphore, #tpu.memory_space<semaphore_mem>>
    %dma_start3A_142 = tpu.memref_squeeze %dma_start3A_141 : memref<1x!tpu.dma_semaphore, #tpu.memory_space<semaphore_mem>> -> memref<!tpu.dma_semaphore, #tpu.memory_space<semaphore_mem>>
    tpu.enqueue_indirect_dma source(%dma_start3A_134 : memref<128x64xf32, #tpu.memory_space<vmem>>) target(%dma_start3A_140 : memref<2048x64xf32, #tpu.memory_space<vmem_shared>>) offsets(%dma_start3A_137 : memref<128xi32, #tpu.memory_space<vmem>>) semaphore(%dma_start3A_142 : memref<!tpu.dma_semaphore, #tpu.memory_space<semaphore_mem>>) {add = true}
    %dma_wait3A_143 = arith.constant 0 : i32
    %dma_wait3A_144 = arith.constant 0 : i32
    %dma_wait3A_145 = arith.constant 0 : i32
    %dma_wait3A_146 = arith.constant 0 : i32
    %dma_wait3A_147 = arith.constant 0 : i32
    %dma_wait3A_148 = arith.constant 0 : i32
    %dma_wait3A_149 = tpu.memref_slice %arg11[%dma_wait3A_145, %dma_wait3A_147, %dma_wait3A_148] : memref<4x128x64xf32, #tpu.memory_space<vmem>> -> memref<1x128x64xf32, #tpu.memory_space<vmem>>
    %dma_wait3A_150 = tpu.memref_squeeze %dma_wait3A_149 : memref<1x128x64xf32, #tpu.memory_space<vmem>> -> memref<128x64xf32, #tpu.memory_space<vmem>>
    %dma_wait3A_151 = arith.constant 0 : i32
    %dma_wait3A_152 = tpu.memref_slice %arg9[%dma_wait3A_143, %dma_wait3A_144, %dma_wait3A_151] : memref<2x50x128xi32, #tpu.memory_space<vmem>> -> memref<1x1x128xi32, #tpu.memory_space<vmem>>
    %dma_wait3A_153 = tpu.memref_squeeze %dma_wait3A_152 : memref<1x1x128xi32, #tpu.memory_space<vmem>> -> memref<128xi32, #tpu.memory_space<vmem>>
    %dma_wait3A_154 = arith.constant 0 : i32
    %dma_wait3A_155 = arith.constant 0 : i32
    %dma_wait3A_156 = tpu.memref_slice %arg6[%dma_wait3A_154, %dma_wait3A_155] : memref<8000x64xf32, #tpu.memory_space<hbm>> -> memref<8000x64xf32, #tpu.memory_space<hbm>>
    %dma_wait3A_157 = tpu.memref_slice %arg14[%dma_wait3A_146] : memref<4x!tpu.dma_semaphore, #tpu.memory_space<semaphore_mem>> -> memref<1x!tpu.dma_semaphore, #tpu.memory_space<semaphore_mem>>
    %dma_wait3A_158 = tpu.memref_squeeze %dma_wait3A_157 : memref<1x!tpu.dma_semaphore, #tpu.memory_space<semaphore_mem>> -> memref<!tpu.dma_semaphore, #tpu.memory_space<semaphore_mem>>
    tpu.wait_indirect_dma semaphore(%dma_wait3A_158 : memref<!tpu.dma_semaphore, #tpu.memory_space<semaphore_mem>>) src(%dma_wait3A_156 : memref<8000x64xf32, #tpu.memory_space<hbm>>) dst(%dma_wait3A_150 : memref<128x64xf32, #tpu.memory_space<vmem>>)
    %dma_start3A_159 = arith.constant 0 : i32
    %dma_start3A_160 = arith.constant 48 : i32
    %dma_start3A_161 = arith.constant 0 : i32
    %dma_start3A_162 = arith.constant 0 : i32
    %dma_start3A_163 = arith.constant 0 : i32
    %dma_start3A_164 = tpu.memref_slice %arg11[%dma_start3A_159, %dma_start3A_162, %dma_start3A_163] : memref<4x128x64xf32, #tpu.memory_space<vmem>> -> memref<1x128x64xf32, #tpu.memory_space<vmem>>
    %dma_start3A_165 = tpu.memref_squeeze %dma_start3A_164 : memref<1x128x64xf32, #tpu.memory_space<vmem>> -> memref<128x64xf32, #tpu.memory_space<vmem>>
    %dma_start3A_166 = arith.constant 0 : i32
    %dma_start3A_167 = tpu.memref_slice %arg10[%dma_start3A_160, %dma_start3A_166] : memref<50x128xi32, #tpu.memory_space<vmem>> -> memref<1x128xi32, #tpu.memory_space<vmem>>
    %dma_start3A_168 = tpu.memref_squeeze %dma_start3A_167 : memref<1x128xi32, #tpu.memory_space<vmem>> -> memref<128xi32, #tpu.memory_space<vmem>>
    %dma_start3A_169 = arith.constant 0 : i32
    %dma_start3A_170 = arith.constant 0 : i32
    %dma_start3A_171 = tpu.memref_slice %arg12[%dma_start3A_169, %dma_start3A_170] : memref<2048x64xf32, #tpu.memory_space<vmem_shared>> -> memref<2048x64xf32, #tpu.memory_space<vmem_shared>>
    %dma_start3A_172 = tpu.memref_slice %arg15[%dma_start3A_161] : memref<4x!tpu.dma_semaphore, #tpu.memory_space<semaphore_mem>> -> memref<1x!tpu.dma_semaphore, #tpu.memory_space<semaphore_mem>>
    %dma_start3A_173 = tpu.memref_squeeze %dma_start3A_172 : memref<1x!tpu.dma_semaphore, #tpu.memory_space<semaphore_mem>> -> memref<!tpu.dma_semaphore, #tpu.memory_space<semaphore_mem>>
    tpu.enqueue_indirect_dma source(%dma_start3A_165 : memref<128x64xf32, #tpu.memory_space<vmem>>) target(%dma_start3A_171 : memref<2048x64xf32, #tpu.memory_space<vmem_shared>>) offsets(%dma_start3A_168 : memref<128xi32, #tpu.memory_space<vmem>>) semaphore(%dma_start3A_173 : memref<!tpu.dma_semaphore, #tpu.memory_space<semaphore_mem>>) {add = true}
    %dma_wait3A_174 = arith.constant 0 : i32
    %dma_wait3A_175 = arith.constant 0 : i32
    %dma_wait3A_176 = arith.constant 1 : i32
    %dma_wait3A_177 = arith.constant 1 : i32
    %dma_wait3A_178 = arith.constant 0 : i32
    %dma_wait3A_179 = arith.constant 0 : i32
    %dma_wait3A_180 = tpu.memref_slice %arg11[%dma_wait3A_176, %dma_wait3A_178, %dma_wait3A_179] : memref<4x128x64xf32, #tpu.memory_space<vmem>> -> memref<1x128x64xf32, #tpu.memory_space<vmem>>
    %dma_wait3A_181 = tpu.memref_squeeze %dma_wait3A_180 : memref<1x128x64xf32, #tpu.memory_space<vmem>> -> memref<128x64xf32, #tpu.memory_space<vmem>>
    %dma_wait3A_182 = arith.constant 0 : i32
    %dma_wait3A_183 = tpu.memref_slice %arg9[%dma_wait3A_174, %dma_wait3A_175, %dma_wait3A_182] : memref<2x50x128xi32, #tpu.memory_space<vmem>> -> memref<1x1x128xi32, #tpu.memory_space<vmem>>
    %dma_wait3A_184 = tpu.memref_squeeze %dma_wait3A_183 : memref<1x1x128xi32, #tpu.memory_space<vmem>> -> memref<128xi32, #tpu.memory_space<vmem>>
    %dma_wait3A_185 = arith.constant 0 : i32
    %dma_wait3A_186 = arith.constant 0 : i32
    %dma_wait3A_187 = tpu.memref_slice %arg6[%dma_wait3A_185, %dma_wait3A_186] : memref<8000x64xf32, #tpu.memory_space<hbm>> -> memref<8000x64xf32, #tpu.memory_space<hbm>>
    %dma_wait3A_188 = tpu.memref_slice %arg14[%dma_wait3A_177] : memref<4x!tpu.dma_semaphore, #tpu.memory_space<semaphore_mem>> -> memref<1x!tpu.dma_semaphore, #tpu.memory_space<semaphore_mem>>
    %dma_wait3A_189 = tpu.memref_squeeze %dma_wait3A_188 : memref<1x!tpu.dma_semaphore, #tpu.memory_space<semaphore_mem>> -> memref<!tpu.dma_semaphore, #tpu.memory_space<semaphore_mem>>
    tpu.wait_indirect_dma semaphore(%dma_wait3A_189 : memref<!tpu.dma_semaphore, #tpu.memory_space<semaphore_mem>>) src(%dma_wait3A_187 : memref<8000x64xf32, #tpu.memory_space<hbm>>) dst(%dma_wait3A_181 : memref<128x64xf32, #tpu.memory_space<vmem>>)
    %dma_start3A_190 = arith.constant 1 : i32
    %dma_start3A_191 = arith.constant 49 : i32
    %dma_start3A_192 = arith.constant 1 : i32
    %dma_start3A_193 = arith.constant 0 : i32
    %dma_start3A_194 = arith.constant 0 : i32
    %dma_start3A_195 = tpu.memref_slice %arg11[%dma_start3A_190, %dma_start3A_193, %dma_start3A_194] : memref<4x128x64xf32, #tpu.memory_space<vmem>> -> memref<1x128x64xf32, #tpu.memory_space<vmem>>
    %dma_start3A_196 = tpu.memref_squeeze %dma_start3A_195 : memref<1x128x64xf32, #tpu.memory_space<vmem>> -> memref<128x64xf32, #tpu.memory_space<vmem>>
    %dma_start3A_197 = arith.constant 0 : i32
    %dma_start3A_198 = tpu.memref_slice %arg10[%dma_start3A_191, %dma_start3A_197] : memref<50x128xi32, #tpu.memory_space<vmem>> -> memref<1x128xi32, #tpu.memory_space<vmem>>
    %dma_start3A_199 = tpu.memref_squeeze %dma_start3A_198 : memref<1x128xi32, #tpu.memory_space<vmem>> -> memref<128xi32, #tpu.memory_space<vmem>>
    %dma_start3A_200 = arith.constant 0 : i32
    %dma_start3A_201 = arith.constant 0 : i32
    %dma_start3A_202 = tpu.memref_slice %arg12[%dma_start3A_200, %dma_start3A_201] : memref<2048x64xf32, #tpu.memory_space<vmem_shared>> -> memref<2048x64xf32, #tpu.memory_space<vmem_shared>>
    %dma_start3A_203 = tpu.memref_slice %arg15[%dma_start3A_192] : memref<4x!tpu.dma_semaphore, #tpu.memory_space<semaphore_mem>> -> memref<1x!tpu.dma_semaphore, #tpu.memory_space<semaphore_mem>>
    %dma_start3A_204 = tpu.memref_squeeze %dma_start3A_203 : memref<1x!tpu.dma_semaphore, #tpu.memory_space<semaphore_mem>> -> memref<!tpu.dma_semaphore, #tpu.memory_space<semaphore_mem>>
    tpu.enqueue_indirect_dma source(%dma_start3A_196 : memref<128x64xf32, #tpu.memory_space<vmem>>) target(%dma_start3A_202 : memref<2048x64xf32, #tpu.memory_space<vmem_shared>>) offsets(%dma_start3A_199 : memref<128xi32, #tpu.memory_space<vmem>>) semaphore(%dma_start3A_204 : memref<!tpu.dma_semaphore, #tpu.memory_space<semaphore_mem>>) {add = true}
    %dma_wait3A_205 = arith.constant 0 : i32
    %dma_wait3A_206 = arith.constant 0 : i32
    %dma_wait3A_207 = arith.constant 0 : i32
    %dma_wait3A_208 = arith.constant 0 : i32
    %dma_wait3A_209 = arith.constant 0 : i32
    %dma_wait3A_210 = tpu.memref_slice %arg11[%dma_wait3A_205, %dma_wait3A_208, %dma_wait3A_209] : memref<4x128x64xf32, #tpu.memory_space<vmem>> -> memref<1x128x64xf32, #tpu.memory_space<vmem>>
    %dma_wait3A_211 = tpu.memref_squeeze %dma_wait3A_210 : memref<1x128x64xf32, #tpu.memory_space<vmem>> -> memref<128x64xf32, #tpu.memory_space<vmem>>
    %dma_wait3A_212 = arith.constant 0 : i32
    %dma_wait3A_213 = tpu.memref_slice %arg10[%dma_wait3A_206, %dma_wait3A_212] : memref<50x128xi32, #tpu.memory_space<vmem>> -> memref<1x128xi32, #tpu.memory_space<vmem>>
    %dma_wait3A_214 = tpu.memref_squeeze %dma_wait3A_213 : memref<1x128xi32, #tpu.memory_space<vmem>> -> memref<128xi32, #tpu.memory_space<vmem>>
    %dma_wait3A_215 = arith.constant 0 : i32
    %dma_wait3A_216 = arith.constant 0 : i32
    %dma_wait3A_217 = tpu.memref_slice %arg12[%dma_wait3A_215, %dma_wait3A_216] : memref<2048x64xf32, #tpu.memory_space<vmem_shared>> -> memref<2048x64xf32, #tpu.memory_space<vmem_shared>>
    %dma_wait3A_218 = tpu.memref_slice %arg15[%dma_wait3A_207] : memref<4x!tpu.dma_semaphore, #tpu.memory_space<semaphore_mem>> -> memref<1x!tpu.dma_semaphore, #tpu.memory_space<semaphore_mem>>
    %dma_wait3A_219 = tpu.memref_squeeze %dma_wait3A_218 : memref<1x!tpu.dma_semaphore, #tpu.memory_space<semaphore_mem>> -> memref<!tpu.dma_semaphore, #tpu.memory_space<semaphore_mem>>
    tpu.wait_indirect_dma semaphore(%dma_wait3A_219 : memref<!tpu.dma_semaphore, #tpu.memory_space<semaphore_mem>>) src(%dma_wait3A_211 : memref<128x64xf32, #tpu.memory_space<vmem>>) dst(%dma_wait3A_217 : memref<2048x64xf32, #tpu.memory_space<vmem_shared>>)
    %dma_start3A_220 = arith.constant 1 : i32
    %dma_start3A_221 = arith.constant 0 : i32
    %dma_start3A_222 = arith.constant 0 : i32
    %dma_start3A_223 = arith.constant 0 : i32
    %dma_start3A_224 = arith.constant 0 : i32
    %dma_start3A_225 = arith.constant 0 : i32
    %dma_start3A_226 = tpu.memref_slice %arg11[%dma_start3A_222, %dma_start3A_224, %dma_start3A_225] : memref<4x128x64xf32, #tpu.memory_space<vmem>> -> memref<1x128x64xf32, #tpu.memory_space<vmem>>
    %dma_start3A_227 = tpu.memref_squeeze %dma_start3A_226 : memref<1x128x64xf32, #tpu.memory_space<vmem>> -> memref<128x64xf32, #tpu.memory_space<vmem>>
    %dma_start3A_228 = arith.constant 0 : i32
    %dma_start3A_229 = tpu.memref_slice %arg9[%dma_start3A_220, %dma_start3A_221, %dma_start3A_228] : memref<2x50x128xi32, #tpu.memory_space<vmem>> -> memref<1x1x128xi32, #tpu.memory_space<vmem>>
    %dma_start3A_230 = tpu.memref_squeeze %dma_start3A_229 : memref<1x1x128xi32, #tpu.memory_space<vmem>> -> memref<128xi32, #tpu.memory_space<vmem>>
    %dma_start3A_231 = arith.constant 0 : i32
    %dma_start3A_232 = arith.constant 0 : i32
    %dma_start3A_233 = tpu.memref_slice %arg7[%dma_start3A_231, %dma_start3A_232] : memref<8000x64xf32, #tpu.memory_space<hbm>> -> memref<8000x64xf32, #tpu.memory_space<hbm>>
    %dma_start3A_234 = tpu.memref_slice %arg14[%dma_start3A_223] : memref<4x!tpu.dma_semaphore, #tpu.memory_space<semaphore_mem>> -> memref<1x!tpu.dma_semaphore, #tpu.memory_space<semaphore_mem>>
    %dma_start3A_235 = tpu.memref_squeeze %dma_start3A_234 : memref<1x!tpu.dma_semaphore, #tpu.memory_space<semaphore_mem>> -> memref<!tpu.dma_semaphore, #tpu.memory_space<semaphore_mem>>
    tpu.enqueue_indirect_dma source(%dma_start3A_233 : memref<8000x64xf32, #tpu.memory_space<hbm>>) target(%dma_start3A_227 : memref<128x64xf32, #tpu.memory_space<vmem>>) offsets(%dma_start3A_230 : memref<128xi32, #tpu.memory_space<vmem>>) semaphore(%dma_start3A_235 : memref<!tpu.dma_semaphore, #tpu.memory_space<semaphore_mem>>)
    %dma_wait3A_236 = arith.constant 1 : i32
    %dma_wait3A_237 = arith.constant 0 : i32
    %dma_wait3A_238 = arith.constant 1 : i32
    %dma_wait3A_239 = arith.constant 0 : i32
    %dma_wait3A_240 = arith.constant 0 : i32
    %dma_wait3A_241 = tpu.memref_slice %arg11[%dma_wait3A_236, %dma_wait3A_239, %dma_wait3A_240] : memref<4x128x64xf32, #tpu.memory_space<vmem>> -> memref<1x128x64xf32, #tpu.memory_space<vmem>>
    %dma_wait3A_242 = tpu.memref_squeeze %dma_wait3A_241 : memref<1x128x64xf32, #tpu.memory_space<vmem>> -> memref<128x64xf32, #tpu.memory_space<vmem>>
    %dma_wait3A_243 = arith.constant 0 : i32
    %dma_wait3A_244 = tpu.memref_slice %arg10[%dma_wait3A_237, %dma_wait3A_243] : memref<50x128xi32, #tpu.memory_space<vmem>> -> memref<1x128xi32, #tpu.memory_space<vmem>>
    %dma_wait3A_245 = tpu.memref_squeeze %dma_wait3A_244 : memref<1x128xi32, #tpu.memory_space<vmem>> -> memref<128xi32, #tpu.memory_space<vmem>>
    %dma_wait3A_246 = arith.constant 0 : i32
    %dma_wait3A_247 = arith.constant 0 : i32
    %dma_wait3A_248 = tpu.memref_slice %arg12[%dma_wait3A_246, %dma_wait3A_247] : memref<2048x64xf32, #tpu.memory_space<vmem_shared>> -> memref<2048x64xf32, #tpu.memory_space<vmem_shared>>
    %dma_wait3A_249 = tpu.memref_slice %arg15[%dma_wait3A_238] : memref<4x!tpu.dma_semaphore, #tpu.memory_space<semaphore_mem>> -> memref<1x!tpu.dma_semaphore, #tpu.memory_space<semaphore_mem>>
    %dma_wait3A_250 = tpu.memref_squeeze %dma_wait3A_249 : memref<1x!tpu.dma_semaphore, #tpu.memory_space<semaphore_mem>> -> memref<!tpu.dma_semaphore, #tpu.memory_space<semaphore_mem>>
    tpu.wait_indirect_dma semaphore(%dma_wait3A_250 : memref<!tpu.dma_semaphore, #tpu.memory_space<semaphore_mem>>) src(%dma_wait3A_242 : memref<128x64xf32, #tpu.memory_space<vmem>>) dst(%dma_wait3A_248 : memref<2048x64xf32, #tpu.memory_space<vmem_shared>>)
    %dma_start3A_251 = arith.constant 1 : i32
    %dma_start3A_252 = arith.constant 1 : i32
    %dma_start3A_253 = arith.constant 1 : i32
    %dma_start3A_254 = arith.constant 1 : i32
    %dma_start3A_255 = arith.constant 0 : i32
    %dma_start3A_256 = arith.constant 0 : i32
    %dma_start3A_257 = tpu.memref_slice %arg11[%dma_start3A_253, %dma_start3A_255, %dma_start3A_256] : memref<4x128x64xf32, #tpu.memory_space<vmem>> -> memref<1x128x64xf32, #tpu.memory_space<vmem>>
    %dma_start3A_258 = tpu.memref_squeeze %dma_start3A_257 : memref<1x128x64xf32, #tpu.memory_space<vmem>> -> memref<128x64xf32, #tpu.memory_space<vmem>>
    %dma_start3A_259 = arith.constant 0 : i32
    %dma_start3A_260 = tpu.memref_slice %arg9[%dma_start3A_251, %dma_start3A_252, %dma_start3A_259] : memref<2x50x128xi32, #tpu.memory_space<vmem>> -> memref<1x1x128xi32, #tpu.memory_space<vmem>>
    %dma_start3A_261 = tpu.memref_squeeze %dma_start3A_260 : memref<1x1x128xi32, #tpu.memory_space<vmem>> -> memref<128xi32, #tpu.memory_space<vmem>>
    %dma_start3A_262 = arith.constant 0 : i32
    %dma_start3A_263 = arith.constant 0 : i32
    %dma_start3A_264 = tpu.memref_slice %arg7[%dma_start3A_262, %dma_start3A_263] : memref<8000x64xf32, #tpu.memory_space<hbm>> -> memref<8000x64xf32, #tpu.memory_space<hbm>>
    %dma_start3A_265 = tpu.memref_slice %arg14[%dma_start3A_254] : memref<4x!tpu.dma_semaphore, #tpu.memory_space<semaphore_mem>> -> memref<1x!tpu.dma_semaphore, #tpu.memory_space<semaphore_mem>>
    %dma_start3A_266 = tpu.memref_squeeze %dma_start3A_265 : memref<1x!tpu.dma_semaphore, #tpu.memory_space<semaphore_mem>> -> memref<!tpu.dma_semaphore, #tpu.memory_space<semaphore_mem>>
    tpu.enqueue_indirect_dma source(%dma_start3A_264 : memref<8000x64xf32, #tpu.memory_space<hbm>>) target(%dma_start3A_258 : memref<128x64xf32, #tpu.memory_space<vmem>>) offsets(%dma_start3A_261 : memref<128xi32, #tpu.memory_space<vmem>>) semaphore(%dma_start3A_266 : memref<!tpu.dma_semaphore, #tpu.memory_space<semaphore_mem>>)
    %dma_wait3A_267 = arith.constant 2 : i32
    %dma_wait3A_268 = arith.constant 0 : i32
    %dma_wait3A_269 = arith.constant 2 : i32
    %dma_wait3A_270 = arith.constant 0 : i32
    %dma_wait3A_271 = arith.constant 0 : i32
    %dma_wait3A_272 = tpu.memref_slice %arg11[%dma_wait3A_267, %dma_wait3A_270, %dma_wait3A_271] : memref<4x128x64xf32, #tpu.memory_space<vmem>> -> memref<1x128x64xf32, #tpu.memory_space<vmem>>
    %dma_wait3A_273 = tpu.memref_squeeze %dma_wait3A_272 : memref<1x128x64xf32, #tpu.memory_space<vmem>> -> memref<128x64xf32, #tpu.memory_space<vmem>>
    %dma_wait3A_274 = arith.constant 0 : i32
    %dma_wait3A_275 = tpu.memref_slice %arg10[%dma_wait3A_268, %dma_wait3A_274] : memref<50x128xi32, #tpu.memory_space<vmem>> -> memref<1x128xi32, #tpu.memory_space<vmem>>
    %dma_wait3A_276 = tpu.memref_squeeze %dma_wait3A_275 : memref<1x128xi32, #tpu.memory_space<vmem>> -> memref<128xi32, #tpu.memory_space<vmem>>
    %dma_wait3A_277 = arith.constant 0 : i32
    %dma_wait3A_278 = arith.constant 0 : i32
    %dma_wait3A_279 = tpu.memref_slice %arg12[%dma_wait3A_277, %dma_wait3A_278] : memref<2048x64xf32, #tpu.memory_space<vmem_shared>> -> memref<2048x64xf32, #tpu.memory_space<vmem_shared>>
    %dma_wait3A_280 = tpu.memref_slice %arg15[%dma_wait3A_269] : memref<4x!tpu.dma_semaphore, #tpu.memory_space<semaphore_mem>> -> memref<1x!tpu.dma_semaphore, #tpu.memory_space<semaphore_mem>>
    %dma_wait3A_281 = tpu.memref_squeeze %dma_wait3A_280 : memref<1x!tpu.dma_semaphore, #tpu.memory_space<semaphore_mem>> -> memref<!tpu.dma_semaphore, #tpu.memory_space<semaphore_mem>>
    tpu.wait_indirect_dma semaphore(%dma_wait3A_281 : memref<!tpu.dma_semaphore, #tpu.memory_space<semaphore_mem>>) src(%dma_wait3A_273 : memref<128x64xf32, #tpu.memory_space<vmem>>) dst(%dma_wait3A_279 : memref<2048x64xf32, #tpu.memory_space<vmem_shared>>)
    %dma_start3A_282 = arith.constant 1 : i32
    %dma_start3A_283 = arith.constant 2 : i32
    %dma_start3A_284 = arith.constant 2 : i32
    %dma_start3A_285 = arith.constant 2 : i32
    %dma_start3A_286 = arith.constant 0 : i32
    %dma_start3A_287 = arith.constant 0 : i32
    %dma_start3A_288 = tpu.memref_slice %arg11[%dma_start3A_284, %dma_start3A_286, %dma_start3A_287] : memref<4x128x64xf32, #tpu.memory_space<vmem>> -> memref<1x128x64xf32, #tpu.memory_space<vmem>>
    %dma_start3A_289 = tpu.memref_squeeze %dma_start3A_288 : memref<1x128x64xf32, #tpu.memory_space<vmem>> -> memref<128x64xf32, #tpu.memory_space<vmem>>
    %dma_start3A_290 = arith.constant 0 : i32
    %dma_start3A_291 = tpu.memref_slice %arg9[%dma_start3A_282, %dma_start3A_283, %dma_start3A_290] : memref<2x50x128xi32, #tpu.memory_space<vmem>> -> memref<1x1x128xi32, #tpu.memory_space<vmem>>
    %dma_start3A_292 = tpu.memref_squeeze %dma_start3A_291 : memref<1x1x128xi32, #tpu.memory_space<vmem>> -> memref<128xi32, #tpu.memory_space<vmem>>
    %dma_start3A_293 = arith.constant 0 : i32
    %dma_start3A_294 = arith.constant 0 : i32
    %dma_start3A_295 = tpu.memref_slice %arg7[%dma_start3A_293, %dma_start3A_294] : memref<8000x64xf32, #tpu.memory_space<hbm>> -> memref<8000x64xf32, #tpu.memory_space<hbm>>
    %dma_start3A_296 = tpu.memref_slice %arg14[%dma_start3A_285] : memref<4x!tpu.dma_semaphore, #tpu.memory_space<semaphore_mem>> -> memref<1x!tpu.dma_semaphore, #tpu.memory_space<semaphore_mem>>
    %dma_start3A_297 = tpu.memref_squeeze %dma_start3A_296 : memref<1x!tpu.dma_semaphore, #tpu.memory_space<semaphore_mem>> -> memref<!tpu.dma_semaphore, #tpu.memory_space<semaphore_mem>>
    tpu.enqueue_indirect_dma source(%dma_start3A_295 : memref<8000x64xf32, #tpu.memory_space<hbm>>) target(%dma_start3A_289 : memref<128x64xf32, #tpu.memory_space<vmem>>) offsets(%dma_start3A_292 : memref<128xi32, #tpu.memory_space<vmem>>) semaphore(%dma_start3A_297 : memref<!tpu.dma_semaphore, #tpu.memory_space<semaphore_mem>>)
    %dma_wait3A_298 = arith.constant 3 : i32
    %dma_wait3A_299 = arith.constant 0 : i32
    %dma_wait3A_300 = arith.constant 3 : i32
    %dma_wait3A_301 = arith.constant 0 : i32
    %dma_wait3A_302 = arith.constant 0 : i32
    %dma_wait3A_303 = tpu.memref_slice %arg11[%dma_wait3A_298, %dma_wait3A_301, %dma_wait3A_302] : memref<4x128x64xf32, #tpu.memory_space<vmem>> -> memref<1x128x64xf32, #tpu.memory_space<vmem>>
    %dma_wait3A_304 = tpu.memref_squeeze %dma_wait3A_303 : memref<1x128x64xf32, #tpu.memory_space<vmem>> -> memref<128x64xf32, #tpu.memory_space<vmem>>
    %dma_wait3A_305 = arith.constant 0 : i32
    %dma_wait3A_306 = tpu.memref_slice %arg10[%dma_wait3A_299, %dma_wait3A_305] : memref<50x128xi32, #tpu.memory_space<vmem>> -> memref<1x128xi32, #tpu.memory_space<vmem>>
    %dma_wait3A_307 = tpu.memref_squeeze %dma_wait3A_306 : memref<1x128xi32, #tpu.memory_space<vmem>> -> memref<128xi32, #tpu.memory_space<vmem>>
    %dma_wait3A_308 = arith.constant 0 : i32
    %dma_wait3A_309 = arith.constant 0 : i32
    %dma_wait3A_310 = tpu.memref_slice %arg12[%dma_wait3A_308, %dma_wait3A_309] : memref<2048x64xf32, #tpu.memory_space<vmem_shared>> -> memref<2048x64xf32, #tpu.memory_space<vmem_shared>>
    %dma_wait3A_311 = tpu.memref_slice %arg15[%dma_wait3A_300] : memref<4x!tpu.dma_semaphore, #tpu.memory_space<semaphore_mem>> -> memref<1x!tpu.dma_semaphore, #tpu.memory_space<semaphore_mem>>
    %dma_wait3A_312 = tpu.memref_squeeze %dma_wait3A_311 : memref<1x!tpu.dma_semaphore, #tpu.memory_space<semaphore_mem>> -> memref<!tpu.dma_semaphore, #tpu.memory_space<semaphore_mem>>
    tpu.wait_indirect_dma semaphore(%dma_wait3A_312 : memref<!tpu.dma_semaphore, #tpu.memory_space<semaphore_mem>>) src(%dma_wait3A_304 : memref<128x64xf32, #tpu.memory_space<vmem>>) dst(%dma_wait3A_310 : memref<2048x64xf32, #tpu.memory_space<vmem_shared>>)
    %dma_start3A_313 = arith.constant 1 : i32
    %dma_start3A_314 = arith.constant 3 : i32
    %dma_start3A_315 = arith.constant 3 : i32
    %dma_start3A_316 = arith.constant 3 : i32
    %dma_start3A_317 = arith.constant 0 : i32
    %dma_start3A_318 = arith.constant 0 : i32
    %dma_start3A_319 = tpu.memref_slice %arg11[%dma_start3A_315, %dma_start3A_317, %dma_start3A_318] : memref<4x128x64xf32, #tpu.memory_space<vmem>> -> memref<1x128x64xf32, #tpu.memory_space<vmem>>
    %dma_start3A_320 = tpu.memref_squeeze %dma_start3A_319 : memref<1x128x64xf32, #tpu.memory_space<vmem>> -> memref<128x64xf32, #tpu.memory_space<vmem>>
    %dma_start3A_321 = arith.constant 0 : i32
    %dma_start3A_322 = tpu.memref_slice %arg9[%dma_start3A_313, %dma_start3A_314, %dma_start3A_321] : memref<2x50x128xi32, #tpu.memory_space<vmem>> -> memref<1x1x128xi32, #tpu.memory_space<vmem>>
    %dma_start3A_323 = tpu.memref_squeeze %dma_start3A_322 : memref<1x1x128xi32, #tpu.memory_space<vmem>> -> memref<128xi32, #tpu.memory_space<vmem>>
    %dma_start3A_324 = arith.constant 0 : i32
    %dma_start3A_325 = arith.constant 0 : i32
    %dma_start3A_326 = tpu.memref_slice %arg7[%dma_start3A_324, %dma_start3A_325] : memref<8000x64xf32, #tpu.memory_space<hbm>> -> memref<8000x64xf32, #tpu.memory_space<hbm>>
    %dma_start3A_327 = tpu.memref_slice %arg14[%dma_start3A_316] : memref<4x!tpu.dma_semaphore, #tpu.memory_space<semaphore_mem>> -> memref<1x!tpu.dma_semaphore, #tpu.memory_space<semaphore_mem>>
    %dma_start3A_328 = tpu.memref_squeeze %dma_start3A_327 : memref<1x!tpu.dma_semaphore, #tpu.memory_space<semaphore_mem>> -> memref<!tpu.dma_semaphore, #tpu.memory_space<semaphore_mem>>
    tpu.enqueue_indirect_dma source(%dma_start3A_326 : memref<8000x64xf32, #tpu.memory_space<hbm>>) target(%dma_start3A_320 : memref<128x64xf32, #tpu.memory_space<vmem>>) offsets(%dma_start3A_323 : memref<128xi32, #tpu.memory_space<vmem>>) semaphore(%dma_start3A_328 : memref<!tpu.dma_semaphore, #tpu.memory_space<semaphore_mem>>)
    %dma_wait3A_329 = arith.constant 1 : i32
    %dma_wait3A_330 = arith.constant 0 : i32
    %dma_wait3A_331 = arith.constant 0 : i32
    %dma_wait3A_332 = arith.constant 0 : i32
    %dma_wait3A_333 = arith.constant 0 : i32
    %dma_wait3A_334 = arith.constant 0 : i32
    %dma_wait3A_335 = tpu.memref_slice %arg11[%dma_wait3A_331, %dma_wait3A_333, %dma_wait3A_334] : memref<4x128x64xf32, #tpu.memory_space<vmem>> -> memref<1x128x64xf32, #tpu.memory_space<vmem>>
    %dma_wait3A_336 = tpu.memref_squeeze %dma_wait3A_335 : memref<1x128x64xf32, #tpu.memory_space<vmem>> -> memref<128x64xf32, #tpu.memory_space<vmem>>
    %dma_wait3A_337 = arith.constant 0 : i32
    %dma_wait3A_338 = tpu.memref_slice %arg9[%dma_wait3A_329, %dma_wait3A_330, %dma_wait3A_337] : memref<2x50x128xi32, #tpu.memory_space<vmem>> -> memref<1x1x128xi32, #tpu.memory_space<vmem>>
    %dma_wait3A_339 = tpu.memref_squeeze %dma_wait3A_338 : memref<1x1x128xi32, #tpu.memory_space<vmem>> -> memref<128xi32, #tpu.memory_space<vmem>>
    %dma_wait3A_340 = arith.constant 0 : i32
    %dma_wait3A_341 = arith.constant 0 : i32
    %dma_wait3A_342 = tpu.memref_slice %arg7[%dma_wait3A_340, %dma_wait3A_341] : memref<8000x64xf32, #tpu.memory_space<hbm>> -> memref<8000x64xf32, #tpu.memory_space<hbm>>
    %dma_wait3A_343 = tpu.memref_slice %arg14[%dma_wait3A_332] : memref<4x!tpu.dma_semaphore, #tpu.memory_space<semaphore_mem>> -> memref<1x!tpu.dma_semaphore, #tpu.memory_space<semaphore_mem>>
    %dma_wait3A_344 = tpu.memref_squeeze %dma_wait3A_343 : memref<1x!tpu.dma_semaphore, #tpu.memory_space<semaphore_mem>> -> memref<!tpu.dma_semaphore, #tpu.memory_space<semaphore_mem>>
    tpu.wait_indirect_dma semaphore(%dma_wait3A_344 : memref<!tpu.dma_semaphore, #tpu.memory_space<semaphore_mem>>) src(%dma_wait3A_342 : memref<8000x64xf32, #tpu.memory_space<hbm>>) dst(%dma_wait3A_336 : memref<128x64xf32, #tpu.memory_space<vmem>>)
    %dma_start3A_345 = arith.constant 0 : i32
    %dma_start3A_346 = arith.constant 0 : i32
    %dma_start3A_347 = arith.constant 0 : i32
    %dma_start3A_348 = arith.constant 0 : i32
    %dma_start3A_349 = arith.constant 0 : i32
    %dma_start3A_350 = tpu.memref_slice %arg11[%dma_start3A_345, %dma_start3A_348, %dma_start3A_349] : memref<4x128x64xf32, #tpu.memory_space<vmem>> -> memref<1x128x64xf32, #tpu.memory_space<vmem>>
    %dma_start3A_351 = tpu.memref_squeeze %dma_start3A_350 : memref<1x128x64xf32, #tpu.memory_space<vmem>> -> memref<128x64xf32, #tpu.memory_space<vmem>>
    %dma_start3A_352 = arith.constant 0 : i32
    %dma_start3A_353 = tpu.memref_slice %arg10[%dma_start3A_346, %dma_start3A_352] : memref<50x128xi32, #tpu.memory_space<vmem>> -> memref<1x128xi32, #tpu.memory_space<vmem>>
    %dma_start3A_354 = tpu.memref_squeeze %dma_start3A_353 : memref<1x128xi32, #tpu.memory_space<vmem>> -> memref<128xi32, #tpu.memory_space<vmem>>
    %dma_start3A_355 = arith.constant 0 : i32
    %dma_start3A_356 = arith.constant 0 : i32
    %dma_start3A_357 = tpu.memref_slice %arg13[%dma_start3A_355, %dma_start3A_356] : memref<2048x64xf32, #tpu.memory_space<vmem_shared>> -> memref<2048x64xf32, #tpu.memory_space<vmem_shared>>
    %dma_start3A_358 = tpu.memref_slice %arg15[%dma_start3A_347] : memref<4x!tpu.dma_semaphore, #tpu.memory_space<semaphore_mem>> -> memref<1x!tpu.dma_semaphore, #tpu.memory_space<semaphore_mem>>
    %dma_start3A_359 = tpu.memref_squeeze %dma_start3A_358 : memref<1x!tpu.dma_semaphore, #tpu.memory_space<semaphore_mem>> -> memref<!tpu.dma_semaphore, #tpu.memory_space<semaphore_mem>>
    tpu.enqueue_indirect_dma source(%dma_start3A_351 : memref<128x64xf32, #tpu.memory_space<vmem>>) target(%dma_start3A_357 : memref<2048x64xf32, #tpu.memory_space<vmem_shared>>) offsets(%dma_start3A_354 : memref<128xi32, #tpu.memory_space<vmem>>) semaphore(%dma_start3A_359 : memref<!tpu.dma_semaphore, #tpu.memory_space<semaphore_mem>>) {add = true}
    %scan3A_360 = arith.constant 0 : i32
    %scan3A_361 = arith.constant 1 : i32
    %scan3A_362 = arith.constant 46 : i32
    %scan3A_363 = arith.addi %scan3A_361, %scan3A_362 : i32
    %scan3A_364 = arith.constant 2 : i32
    scf.for %scan3A_519 = %scan3A_361 to %scan3A_363 step %scan3A_364  : i32 {
      %jit3A = arith.constant 4 : i32
      %eq3A = arith.constant 0 : i32
      %eq3A_520 = arith.cmpi eq, %jit3A, %eq3A : i32
      %jit3A_521 = arith.constant 1 : i32
      %select_n3A = arith.select %eq3A_520, %jit3A_521, %jit3A : i32
      %rem3A = arith.remsi %scan3A_519, %select_n3A : i32
      %ne3A = arith.constant 0 : i32
      %ne3A_522 = arith.cmpi ne, %rem3A, %ne3A : i32
      %lt3A = arith.constant 0 : i32
      %lt3A_523 = arith.cmpi slt, %rem3A, %lt3A : i32
      %lt3A_524 = arith.constant 0 : i32
      %lt3A_525 = arith.cmpi slt, %select_n3A, %lt3A_524 : i32
      %ne3A_526 = arith.xori %lt3A_523, %lt3A_525 : i1
      %and3A = arith.andi %ne3A_526, %ne3A_522 : i1
      %add3A_527 = arith.addi %rem3A, %select_n3A : i32
      %select_n3A_528 = arith.select %and3A, %add3A_527, %rem3A : i32
      %sub3A = arith.constant 1 : i32
      %sub3A_529 = arith.subi %scan3A_519, %sub3A : i32
      %jit3A_530 = arith.constant 4 : i32
      %eq3A_531 = arith.constant 0 : i32
      %eq3A_532 = arith.cmpi eq, %jit3A_530, %eq3A_531 : i32
      %jit3A_533 = arith.constant 1 : i32
      %select_n3A_534 = arith.select %eq3A_532, %jit3A_533, %jit3A_530 : i32
      %rem3A_535 = arith.remsi %sub3A_529, %select_n3A_534 : i32
      %ne3A_536 = arith.constant 0 : i32
      %ne3A_537 = arith.cmpi ne, %rem3A_535, %ne3A_536 : i32
      %lt3A_538 = arith.constant 0 : i32
      %lt3A_539 = arith.cmpi slt, %rem3A_535, %lt3A_538 : i32
      %lt3A_540 = arith.constant 0 : i32
      %lt3A_541 = arith.cmpi slt, %select_n3A_534, %lt3A_540 : i32
      %ne3A_542 = arith.xori %lt3A_539, %lt3A_541 : i1
      %and3A_543 = arith.andi %ne3A_542, %ne3A_537 : i1
      %add3A_544 = arith.addi %rem3A_535, %select_n3A_534 : i32
      %select_n3A_545 = arith.select %and3A_543, %add3A_544, %rem3A_535 : i32
      %dma_wait3A_546 = arith.constant 1 : i32
      %dma_wait3A_547 = arith.constant 0 : i32
      %dma_wait3A_548 = arith.constant 0 : i32
      %dma_wait3A_549 = arith.constant 0 : i32
      %dma_wait3A_550 = tpu.memref_slice %arg11[%select_n3A_528, %dma_wait3A_548, %dma_wait3A_549] : memref<4x128x64xf32, #tpu.memory_space<vmem>> -> memref<1x128x64xf32, #tpu.memory_space<vmem>>
      %dma_wait3A_551 = tpu.memref_squeeze %dma_wait3A_550 : memref<1x128x64xf32, #tpu.memory_space<vmem>> -> memref<128x64xf32, #tpu.memory_space<vmem>>
      %dma_wait3A_552 = arith.constant 0 : i32
      %dma_wait3A_553 = tpu.memref_slice %arg9[%dma_wait3A_546, %dma_wait3A_547, %dma_wait3A_552] : memref<2x50x128xi32, #tpu.memory_space<vmem>> -> memref<1x1x128xi32, #tpu.memory_space<vmem>>
      %dma_wait3A_554 = tpu.memref_squeeze %dma_wait3A_553 : memref<1x1x128xi32, #tpu.memory_space<vmem>> -> memref<128xi32, #tpu.memory_space<vmem>>
      %dma_wait3A_555 = arith.constant 0 : i32
      %dma_wait3A_556 = arith.constant 0 : i32
      %dma_wait3A_557 = tpu.memref_slice %arg7[%dma_wait3A_555, %dma_wait3A_556] : memref<8000x64xf32, #tpu.memory_space<hbm>> -> memref<8000x64xf32, #tpu.memory_space<hbm>>
      %dma_wait3A_558 = tpu.memref_slice %arg14[%select_n3A_528] : memref<4x!tpu.dma_semaphore, #tpu.memory_space<semaphore_mem>> -> memref<1x!tpu.dma_semaphore, #tpu.memory_space<semaphore_mem>>
      %dma_wait3A_559 = tpu.memref_squeeze %dma_wait3A_558 : memref<1x!tpu.dma_semaphore, #tpu.memory_space<semaphore_mem>> -> memref<!tpu.dma_semaphore, #tpu.memory_space<semaphore_mem>>
      tpu.wait_indirect_dma semaphore(%dma_wait3A_559 : memref<!tpu.dma_semaphore, #tpu.memory_space<semaphore_mem>>) src(%dma_wait3A_557 : memref<8000x64xf32, #tpu.memory_space<hbm>>) dst(%dma_wait3A_551 : memref<128x64xf32, #tpu.memory_space<vmem>>)
      %dma_start3A_560 = arith.constant 0 : i32
      %dma_start3A_561 = arith.constant 0 : i32
      %dma_start3A_562 = tpu.memref_slice %arg11[%select_n3A_528, %dma_start3A_560, %dma_start3A_561] : memref<4x128x64xf32, #tpu.memory_space<vmem>> -> memref<1x128x64xf32, #tpu.memory_space<vmem>>
      %dma_start3A_563 = tpu.memref_squeeze %dma_start3A_562 : memref<1x128x64xf32, #tpu.memory_space<vmem>> -> memref<128x64xf32, #tpu.memory_space<vmem>>
      %dma_start3A_564 = arith.constant 0 : i32
      %dma_start3A_565 = tpu.memref_slice %arg10[%scan3A_519, %dma_start3A_564] : memref<50x128xi32, #tpu.memory_space<vmem>> -> memref<1x128xi32, #tpu.memory_space<vmem>>
      %dma_start3A_566 = tpu.memref_squeeze %dma_start3A_565 : memref<1x128xi32, #tpu.memory_space<vmem>> -> memref<128xi32, #tpu.memory_space<vmem>>
      %dma_start3A_567 = arith.constant 0 : i32
      %dma_start3A_568 = arith.constant 0 : i32
      %dma_start3A_569 = tpu.memref_slice %arg13[%dma_start3A_567, %dma_start3A_568] : memref<2048x64xf32, #tpu.memory_space<vmem_shared>> -> memref<2048x64xf32, #tpu.memory_space<vmem_shared>>
      %dma_start3A_570 = tpu.memref_slice %arg15[%select_n3A_528] : memref<4x!tpu.dma_semaphore, #tpu.memory_space<semaphore_mem>> -> memref<1x!tpu.dma_semaphore, #tpu.memory_space<semaphore_mem>>
      %dma_start3A_571 = tpu.memref_squeeze %dma_start3A_570 : memref<1x!tpu.dma_semaphore, #tpu.memory_space<semaphore_mem>> -> memref<!tpu.dma_semaphore, #tpu.memory_space<semaphore_mem>>
      tpu.enqueue_indirect_dma source(%dma_start3A_563 : memref<128x64xf32, #tpu.memory_space<vmem>>) target(%dma_start3A_569 : memref<2048x64xf32, #tpu.memory_space<vmem_shared>>) offsets(%dma_start3A_566 : memref<128xi32, #tpu.memory_space<vmem>>) semaphore(%dma_start3A_571 : memref<!tpu.dma_semaphore, #tpu.memory_space<semaphore_mem>>) {add = true}
      %dma_wait3A_572 = arith.constant 0 : i32
      %dma_wait3A_573 = arith.constant 0 : i32
      %dma_wait3A_574 = arith.constant 0 : i32
      %dma_wait3A_575 = tpu.memref_slice %arg11[%select_n3A_545, %dma_wait3A_573, %dma_wait3A_574] : memref<4x128x64xf32, #tpu.memory_space<vmem>> -> memref<1x128x64xf32, #tpu.memory_space<vmem>>
      %dma_wait3A_576 = tpu.memref_squeeze %dma_wait3A_575 : memref<1x128x64xf32, #tpu.memory_space<vmem>> -> memref<128x64xf32, #tpu.memory_space<vmem>>
      %dma_wait3A_577 = arith.constant 0 : i32
      %dma_wait3A_578 = tpu.memref_slice %arg10[%dma_wait3A_572, %dma_wait3A_577] : memref<50x128xi32, #tpu.memory_space<vmem>> -> memref<1x128xi32, #tpu.memory_space<vmem>>
      %dma_wait3A_579 = tpu.memref_squeeze %dma_wait3A_578 : memref<1x128xi32, #tpu.memory_space<vmem>> -> memref<128xi32, #tpu.memory_space<vmem>>
      %dma_wait3A_580 = arith.constant 0 : i32
      %dma_wait3A_581 = arith.constant 0 : i32
      %dma_wait3A_582 = tpu.memref_slice %arg13[%dma_wait3A_580, %dma_wait3A_581] : memref<2048x64xf32, #tpu.memory_space<vmem_shared>> -> memref<2048x64xf32, #tpu.memory_space<vmem_shared>>
      %dma_wait3A_583 = tpu.memref_slice %arg15[%select_n3A_545] : memref<4x!tpu.dma_semaphore, #tpu.memory_space<semaphore_mem>> -> memref<1x!tpu.dma_semaphore, #tpu.memory_space<semaphore_mem>>
      %dma_wait3A_584 = tpu.memref_squeeze %dma_wait3A_583 : memref<1x!tpu.dma_semaphore, #tpu.memory_space<semaphore_mem>> -> memref<!tpu.dma_semaphore, #tpu.memory_space<semaphore_mem>>
      tpu.wait_indirect_dma semaphore(%dma_wait3A_584 : memref<!tpu.dma_semaphore, #tpu.memory_space<semaphore_mem>>) src(%dma_wait3A_576 : memref<128x64xf32, #tpu.memory_space<vmem>>) dst(%dma_wait3A_582 : memref<2048x64xf32, #tpu.memory_space<vmem_shared>>)
      %sub3A_585 = arith.constant 1 : i32
      %sub3A_586 = arith.subi %scan3A_519, %sub3A_585 : i32
      %add3A_587 = arith.constant 4 : i32
      %add3A_588 = arith.addi %sub3A_586, %add3A_587 : i32
      %dma_start3A_589 = arith.constant 1 : i32
      %dma_start3A_590 = arith.constant 0 : i32
      %dma_start3A_591 = arith.constant 0 : i32
      %dma_start3A_592 = tpu.memref_slice %arg11[%select_n3A_545, %dma_start3A_590, %dma_start3A_591] : memref<4x128x64xf32, #tpu.memory_space<vmem>> -> memref<1x128x64xf32, #tpu.memory_space<vmem>>
      %dma_start3A_593 = tpu.memref_squeeze %dma_start3A_592 : memref<1x128x64xf32, #tpu.memory_space<vmem>> -> memref<128x64xf32, #tpu.memory_space<vmem>>
      %dma_start3A_594 = arith.constant 0 : i32
      %dma_start3A_595 = tpu.memref_slice %arg9[%dma_start3A_589, %add3A_588, %dma_start3A_594] : memref<2x50x128xi32, #tpu.memory_space<vmem>> -> memref<1x1x128xi32, #tpu.memory_space<vmem>>
      %dma_start3A_596 = tpu.memref_squeeze %dma_start3A_595 : memref<1x1x128xi32, #tpu.memory_space<vmem>> -> memref<128xi32, #tpu.memory_space<vmem>>
      %dma_start3A_597 = arith.constant 0 : i32
      %dma_start3A_598 = arith.constant 0 : i32
      %dma_start3A_599 = tpu.memref_slice %arg7[%dma_start3A_597, %dma_start3A_598] : memref<8000x64xf32, #tpu.memory_space<hbm>> -> memref<8000x64xf32, #tpu.memory_space<hbm>>
      %dma_start3A_600 = tpu.memref_slice %arg14[%select_n3A_545] : memref<4x!tpu.dma_semaphore, #tpu.memory_space<semaphore_mem>> -> memref<1x!tpu.dma_semaphore, #tpu.memory_space<semaphore_mem>>
      %dma_start3A_601 = tpu.memref_squeeze %dma_start3A_600 : memref<1x!tpu.dma_semaphore, #tpu.memory_space<semaphore_mem>> -> memref<!tpu.dma_semaphore, #tpu.memory_space<semaphore_mem>>
      tpu.enqueue_indirect_dma source(%dma_start3A_599 : memref<8000x64xf32, #tpu.memory_space<hbm>>) target(%dma_start3A_593 : memref<128x64xf32, #tpu.memory_space<vmem>>) offsets(%dma_start3A_596 : memref<128xi32, #tpu.memory_space<vmem>>) semaphore(%dma_start3A_601 : memref<!tpu.dma_semaphore, #tpu.memory_space<semaphore_mem>>)
      %scan3A_602 = arith.constant 1 : i32
      %scan3A_603 = arith.addi %scan3A_519, %scan3A_602 : i32
      %jit3A_604 = arith.constant 4 : i32
      %eq3A_605 = arith.constant 0 : i32
      %eq3A_606 = arith.cmpi eq, %jit3A_604, %eq3A_605 : i32
      %jit3A_607 = arith.constant 1 : i32
      %select_n3A_608 = arith.select %eq3A_606, %jit3A_607, %jit3A_604 : i32
      %rem3A_609 = arith.remsi %scan3A_603, %select_n3A_608 : i32
      %ne3A_610 = arith.constant 0 : i32
      %ne3A_611 = arith.cmpi ne, %rem3A_609, %ne3A_610 : i32
      %lt3A_612 = arith.constant 0 : i32
      %lt3A_613 = arith.cmpi slt, %rem3A_609, %lt3A_612 : i32
      %lt3A_614 = arith.constant 0 : i32
      %lt3A_615 = arith.cmpi slt, %select_n3A_608, %lt3A_614 : i32
      %ne3A_616 = arith.xori %lt3A_613, %lt3A_615 : i1
      %and3A_617 = arith.andi %ne3A_616, %ne3A_611 : i1
      %add3A_618 = arith.addi %rem3A_609, %select_n3A_608 : i32
      %select_n3A_619 = arith.select %and3A_617, %add3A_618, %rem3A_609 : i32
      %sub3A_620 = arith.constant 1 : i32
      %sub3A_621 = arith.subi %scan3A_603, %sub3A_620 : i32
      %jit3A_622 = arith.constant 4 : i32
      %eq3A_623 = arith.constant 0 : i32
      %eq3A_624 = arith.cmpi eq, %jit3A_622, %eq3A_623 : i32
      %jit3A_625 = arith.constant 1 : i32
      %select_n3A_626 = arith.select %eq3A_624, %jit3A_625, %jit3A_622 : i32
      %rem3A_627 = arith.remsi %sub3A_621, %select_n3A_626 : i32
      %ne3A_628 = arith.constant 0 : i32
      %ne3A_629 = arith.cmpi ne, %rem3A_627, %ne3A_628 : i32
      %lt3A_630 = arith.constant 0 : i32
      %lt3A_631 = arith.cmpi slt, %rem3A_627, %lt3A_630 : i32
      %lt3A_632 = arith.constant 0 : i32
      %lt3A_633 = arith.cmpi slt, %select_n3A_626, %lt3A_632 : i32
      %ne3A_634 = arith.xori %lt3A_631, %lt3A_633 : i1
      %and3A_635 = arith.andi %ne3A_634, %ne3A_629 : i1
      %add3A_636 = arith.addi %rem3A_627, %select_n3A_626 : i32
      %select_n3A_637 = arith.select %and3A_635, %add3A_636, %rem3A_627 : i32
      %dma_wait3A_638 = arith.constant 1 : i32
      %dma_wait3A_639 = arith.constant 0 : i32
      %dma_wait3A_640 = arith.constant 0 : i32
      %dma_wait3A_641 = arith.constant 0 : i32
      %dma_wait3A_642 = tpu.memref_slice %arg11[%select_n3A_619, %dma_wait3A_640, %dma_wait3A_641] : memref<4x128x64xf32, #tpu.memory_space<vmem>> -> memref<1x128x64xf32, #tpu.memory_space<vmem>>
      %dma_wait3A_643 = tpu.memref_squeeze %dma_wait3A_642 : memref<1x128x64xf32, #tpu.memory_space<vmem>> -> memref<128x64xf32, #tpu.memory_space<vmem>>
      %dma_wait3A_644 = arith.constant 0 : i32
      %dma_wait3A_645 = tpu.memref_slice %arg9[%dma_wait3A_638, %dma_wait3A_639, %dma_wait3A_644] : memref<2x50x128xi32, #tpu.memory_space<vmem>> -> memref<1x1x128xi32, #tpu.memory_space<vmem>>
      %dma_wait3A_646 = tpu.memref_squeeze %dma_wait3A_645 : memref<1x1x128xi32, #tpu.memory_space<vmem>> -> memref<128xi32, #tpu.memory_space<vmem>>
      %dma_wait3A_647 = arith.constant 0 : i32
      %dma_wait3A_648 = arith.constant 0 : i32
      %dma_wait3A_649 = tpu.memref_slice %arg7[%dma_wait3A_647, %dma_wait3A_648] : memref<8000x64xf32, #tpu.memory_space<hbm>> -> memref<8000x64xf32, #tpu.memory_space<hbm>>
      %dma_wait3A_650 = tpu.memref_slice %arg14[%select_n3A_619] : memref<4x!tpu.dma_semaphore, #tpu.memory_space<semaphore_mem>> -> memref<1x!tpu.dma_semaphore, #tpu.memory_space<semaphore_mem>>
      %dma_wait3A_651 = tpu.memref_squeeze %dma_wait3A_650 : memref<1x!tpu.dma_semaphore, #tpu.memory_space<semaphore_mem>> -> memref<!tpu.dma_semaphore, #tpu.memory_space<semaphore_mem>>
      tpu.wait_indirect_dma semaphore(%dma_wait3A_651 : memref<!tpu.dma_semaphore, #tpu.memory_space<semaphore_mem>>) src(%dma_wait3A_649 : memref<8000x64xf32, #tpu.memory_space<hbm>>) dst(%dma_wait3A_643 : memref<128x64xf32, #tpu.memory_space<vmem>>)
      %dma_start3A_652 = arith.constant 0 : i32
      %dma_start3A_653 = arith.constant 0 : i32
      %dma_start3A_654 = tpu.memref_slice %arg11[%select_n3A_619, %dma_start3A_652, %dma_start3A_653] : memref<4x128x64xf32, #tpu.memory_space<vmem>> -> memref<1x128x64xf32, #tpu.memory_space<vmem>>
      %dma_start3A_655 = tpu.memref_squeeze %dma_start3A_654 : memref<1x128x64xf32, #tpu.memory_space<vmem>> -> memref<128x64xf32, #tpu.memory_space<vmem>>
      %dma_start3A_656 = arith.constant 0 : i32
      %dma_start3A_657 = tpu.memref_slice %arg10[%scan3A_603, %dma_start3A_656] : memref<50x128xi32, #tpu.memory_space<vmem>> -> memref<1x128xi32, #tpu.memory_space<vmem>>
      %dma_start3A_658 = tpu.memref_squeeze %dma_start3A_657 : memref<1x128xi32, #tpu.memory_space<vmem>> -> memref<128xi32, #tpu.memory_space<vmem>>
      %dma_start3A_659 = arith.constant 0 : i32
      %dma_start3A_660 = arith.constant 0 : i32
      %dma_start3A_661 = tpu.memref_slice %arg13[%dma_start3A_659, %dma_start3A_660] : memref<2048x64xf32, #tpu.memory_space<vmem_shared>> -> memref<2048x64xf32, #tpu.memory_space<vmem_shared>>
      %dma_start3A_662 = tpu.memref_slice %arg15[%select_n3A_619] : memref<4x!tpu.dma_semaphore, #tpu.memory_space<semaphore_mem>> -> memref<1x!tpu.dma_semaphore, #tpu.memory_space<semaphore_mem>>
      %dma_start3A_663 = tpu.memref_squeeze %dma_start3A_662 : memref<1x!tpu.dma_semaphore, #tpu.memory_space<semaphore_mem>> -> memref<!tpu.dma_semaphore, #tpu.memory_space<semaphore_mem>>
      tpu.enqueue_indirect_dma source(%dma_start3A_655 : memref<128x64xf32, #tpu.memory_space<vmem>>) target(%dma_start3A_661 : memref<2048x64xf32, #tpu.memory_space<vmem_shared>>) offsets(%dma_start3A_658 : memref<128xi32, #tpu.memory_space<vmem>>) semaphore(%dma_start3A_663 : memref<!tpu.dma_semaphore, #tpu.memory_space<semaphore_mem>>) {add = true}
      %dma_wait3A_664 = arith.constant 0 : i32
      %dma_wait3A_665 = arith.constant 0 : i32
      %dma_wait3A_666 = arith.constant 0 : i32
      %dma_wait3A_667 = tpu.memref_slice %arg11[%select_n3A_637, %dma_wait3A_665, %dma_wait3A_666] : memref<4x128x64xf32, #tpu.memory_space<vmem>> -> memref<1x128x64xf32, #tpu.memory_space<vmem>>
      %dma_wait3A_668 = tpu.memref_squeeze %dma_wait3A_667 : memref<1x128x64xf32, #tpu.memory_space<vmem>> -> memref<128x64xf32, #tpu.memory_space<vmem>>
      %dma_wait3A_669 = arith.constant 0 : i32
      %dma_wait3A_670 = tpu.memref_slice %arg10[%dma_wait3A_664, %dma_wait3A_669] : memref<50x128xi32, #tpu.memory_space<vmem>> -> memref<1x128xi32, #tpu.memory_space<vmem>>
      %dma_wait3A_671 = tpu.memref_squeeze %dma_wait3A_670 : memref<1x128xi32, #tpu.memory_space<vmem>> -> memref<128xi32, #tpu.memory_space<vmem>>
      %dma_wait3A_672 = arith.constant 0 : i32
      %dma_wait3A_673 = arith.constant 0 : i32
      %dma_wait3A_674 = tpu.memref_slice %arg13[%dma_wait3A_672, %dma_wait3A_673] : memref<2048x64xf32, #tpu.memory_space<vmem_shared>> -> memref<2048x64xf32, #tpu.memory_space<vmem_shared>>
      %dma_wait3A_675 = tpu.memref_slice %arg15[%select_n3A_637] : memref<4x!tpu.dma_semaphore, #tpu.memory_space<semaphore_mem>> -> memref<1x!tpu.dma_semaphore, #tpu.memory_space<semaphore_mem>>
      %dma_wait3A_676 = tpu.memref_squeeze %dma_wait3A_675 : memref<1x!tpu.dma_semaphore, #tpu.memory_space<semaphore_mem>> -> memref<!tpu.dma_semaphore, #tpu.memory_space<semaphore_mem>>
      tpu.wait_indirect_dma semaphore(%dma_wait3A_676 : memref<!tpu.dma_semaphore, #tpu.memory_space<semaphore_mem>>) src(%dma_wait3A_668 : memref<128x64xf32, #tpu.memory_space<vmem>>) dst(%dma_wait3A_674 : memref<2048x64xf32, #tpu.memory_space<vmem_shared>>)
      %sub3A_677 = arith.constant 1 : i32
      %sub3A_678 = arith.subi %scan3A_603, %sub3A_677 : i32
      %add3A_679 = arith.constant 4 : i32
      %add3A_680 = arith.addi %sub3A_678, %add3A_679 : i32
      %dma_start3A_681 = arith.constant 1 : i32
      %dma_start3A_682 = arith.constant 0 : i32
      %dma_start3A_683 = arith.constant 0 : i32
      %dma_start3A_684 = tpu.memref_slice %arg11[%select_n3A_637, %dma_start3A_682, %dma_start3A_683] : memref<4x128x64xf32, #tpu.memory_space<vmem>> -> memref<1x128x64xf32, #tpu.memory_space<vmem>>
      %dma_start3A_685 = tpu.memref_squeeze %dma_start3A_684 : memref<1x128x64xf32, #tpu.memory_space<vmem>> -> memref<128x64xf32, #tpu.memory_space<vmem>>
      %dma_start3A_686 = arith.constant 0 : i32
      %dma_start3A_687 = tpu.memref_slice %arg9[%dma_start3A_681, %add3A_680, %dma_start3A_686] : memref<2x50x128xi32, #tpu.memory_space<vmem>> -> memref<1x1x128xi32, #tpu.memory_space<vmem>>
      %dma_start3A_688 = tpu.memref_squeeze %dma_start3A_687 : memref<1x1x128xi32, #tpu.memory_space<vmem>> -> memref<128xi32, #tpu.memory_space<vmem>>
      %dma_start3A_689 = arith.constant 0 : i32
      %dma_start3A_690 = arith.constant 0 : i32
      %dma_start3A_691 = tpu.memref_slice %arg7[%dma_start3A_689, %dma_start3A_690] : memref<8000x64xf32, #tpu.memory_space<hbm>> -> memref<8000x64xf32, #tpu.memory_space<hbm>>
      %dma_start3A_692 = tpu.memref_slice %arg14[%select_n3A_637] : memref<4x!tpu.dma_semaphore, #tpu.memory_space<semaphore_mem>> -> memref<1x!tpu.dma_semaphore, #tpu.memory_space<semaphore_mem>>
      %dma_start3A_693 = tpu.memref_squeeze %dma_start3A_692 : memref<1x!tpu.dma_semaphore, #tpu.memory_space<semaphore_mem>> -> memref<!tpu.dma_semaphore, #tpu.memory_space<semaphore_mem>>
      tpu.enqueue_indirect_dma source(%dma_start3A_691 : memref<8000x64xf32, #tpu.memory_space<hbm>>) target(%dma_start3A_685 : memref<128x64xf32, #tpu.memory_space<vmem>>) offsets(%dma_start3A_688 : memref<128xi32, #tpu.memory_space<vmem>>) semaphore(%dma_start3A_693 : memref<!tpu.dma_semaphore, #tpu.memory_space<semaphore_mem>>)
    }
    %scan3A_365 = arith.constant 46 : i32
    %dma_wait3A_366 = arith.constant 1 : i32
    %dma_wait3A_367 = arith.constant 0 : i32
    %dma_wait3A_368 = arith.constant 3 : i32
    %dma_wait3A_369 = arith.constant 3 : i32
    %dma_wait3A_370 = arith.constant 0 : i32
    %dma_wait3A_371 = arith.constant 0 : i32
    %dma_wait3A_372 = tpu.memref_slice %arg11[%dma_wait3A_368, %dma_wait3A_370, %dma_wait3A_371] : memref<4x128x64xf32, #tpu.memory_space<vmem>> -> memref<1x128x64xf32, #tpu.memory_space<vmem>>
    %dma_wait3A_373 = tpu.memref_squeeze %dma_wait3A_372 : memref<1x128x64xf32, #tpu.memory_space<vmem>> -> memref<128x64xf32, #tpu.memory_space<vmem>>
    %dma_wait3A_374 = arith.constant 0 : i32
    %dma_wait3A_375 = tpu.memref_slice %arg9[%dma_wait3A_366, %dma_wait3A_367, %dma_wait3A_374] : memref<2x50x128xi32, #tpu.memory_space<vmem>> -> memref<1x1x128xi32, #tpu.memory_space<vmem>>
    %dma_wait3A_376 = tpu.memref_squeeze %dma_wait3A_375 : memref<1x1x128xi32, #tpu.memory_space<vmem>> -> memref<128xi32, #tpu.memory_space<vmem>>
    %dma_wait3A_377 = arith.constant 0 : i32
    %dma_wait3A_378 = arith.constant 0 : i32
    %dma_wait3A_379 = tpu.memref_slice %arg7[%dma_wait3A_377, %dma_wait3A_378] : memref<8000x64xf32, #tpu.memory_space<hbm>> -> memref<8000x64xf32, #tpu.memory_space<hbm>>
    %dma_wait3A_380 = tpu.memref_slice %arg14[%dma_wait3A_369] : memref<4x!tpu.dma_semaphore, #tpu.memory_space<semaphore_mem>> -> memref<1x!tpu.dma_semaphore, #tpu.memory_space<semaphore_mem>>
    %dma_wait3A_381 = tpu.memref_squeeze %dma_wait3A_380 : memref<1x!tpu.dma_semaphore, #tpu.memory_space<semaphore_mem>> -> memref<!tpu.dma_semaphore, #tpu.memory_space<semaphore_mem>>
    tpu.wait_indirect_dma semaphore(%dma_wait3A_381 : memref<!tpu.dma_semaphore, #tpu.memory_space<semaphore_mem>>) src(%dma_wait3A_379 : memref<8000x64xf32, #tpu.memory_space<hbm>>) dst(%dma_wait3A_373 : memref<128x64xf32, #tpu.memory_space<vmem>>)
    %dma_start3A_382 = arith.constant 3 : i32
    %dma_start3A_383 = arith.constant 47 : i32
    %dma_start3A_384 = arith.constant 3 : i32
    %dma_start3A_385 = arith.constant 0 : i32
    %dma_start3A_386 = arith.constant 0 : i32
    %dma_start3A_387 = tpu.memref_slice %arg11[%dma_start3A_382, %dma_start3A_385, %dma_start3A_386] : memref<4x128x64xf32, #tpu.memory_space<vmem>> -> memref<1x128x64xf32, #tpu.memory_space<vmem>>
    %dma_start3A_388 = tpu.memref_squeeze %dma_start3A_387 : memref<1x128x64xf32, #tpu.memory_space<vmem>> -> memref<128x64xf32, #tpu.memory_space<vmem>>
    %dma_start3A_389 = arith.constant 0 : i32
    %dma_start3A_390 = tpu.memref_slice %arg10[%dma_start3A_383, %dma_start3A_389] : memref<50x128xi32, #tpu.memory_space<vmem>> -> memref<1x128xi32, #tpu.memory_space<vmem>>
    %dma_start3A_391 = tpu.memref_squeeze %dma_start3A_390 : memref<1x128xi32, #tpu.memory_space<vmem>> -> memref<128xi32, #tpu.memory_space<vmem>>
    %dma_start3A_392 = arith.constant 0 : i32
    %dma_start3A_393 = arith.constant 0 : i32
    %dma_start3A_394 = tpu.memref_slice %arg13[%dma_start3A_392, %dma_start3A_393] : memref<2048x64xf32, #tpu.memory_space<vmem_shared>> -> memref<2048x64xf32, #tpu.memory_space<vmem_shared>>
    %dma_start3A_395 = tpu.memref_slice %arg15[%dma_start3A_384] : memref<4x!tpu.dma_semaphore, #tpu.memory_space<semaphore_mem>> -> memref<1x!tpu.dma_semaphore, #tpu.memory_space<semaphore_mem>>
    %dma_start3A_396 = tpu.memref_squeeze %dma_start3A_395 : memref<1x!tpu.dma_semaphore, #tpu.memory_space<semaphore_mem>> -> memref<!tpu.dma_semaphore, #tpu.memory_space<semaphore_mem>>
    tpu.enqueue_indirect_dma source(%dma_start3A_388 : memref<128x64xf32, #tpu.memory_space<vmem>>) target(%dma_start3A_394 : memref<2048x64xf32, #tpu.memory_space<vmem_shared>>) offsets(%dma_start3A_391 : memref<128xi32, #tpu.memory_space<vmem>>) semaphore(%dma_start3A_396 : memref<!tpu.dma_semaphore, #tpu.memory_space<semaphore_mem>>) {add = true}
    %dma_wait3A_397 = arith.constant 1 : i32
    %dma_wait3A_398 = arith.constant 0 : i32
    %dma_wait3A_399 = arith.constant 0 : i32
    %dma_wait3A_400 = arith.constant 0 : i32
    %dma_wait3A_401 = arith.constant 0 : i32
    %dma_wait3A_402 = arith.constant 0 : i32
    %dma_wait3A_403 = tpu.memref_slice %arg11[%dma_wait3A_399, %dma_wait3A_401, %dma_wait3A_402] : memref<4x128x64xf32, #tpu.memory_space<vmem>> -> memref<1x128x64xf32, #tpu.memory_space<vmem>>
    %dma_wait3A_404 = tpu.memref_squeeze %dma_wait3A_403 : memref<1x128x64xf32, #tpu.memory_space<vmem>> -> memref<128x64xf32, #tpu.memory_space<vmem>>
    %dma_wait3A_405 = arith.constant 0 : i32
    %dma_wait3A_406 = tpu.memref_slice %arg9[%dma_wait3A_397, %dma_wait3A_398, %dma_wait3A_405] : memref<2x50x128xi32, #tpu.memory_space<vmem>> -> memref<1x1x128xi32, #tpu.memory_space<vmem>>
    %dma_wait3A_407 = tpu.memref_squeeze %dma_wait3A_406 : memref<1x1x128xi32, #tpu.memory_space<vmem>> -> memref<128xi32, #tpu.memory_space<vmem>>
    %dma_wait3A_408 = arith.constant 0 : i32
    %dma_wait3A_409 = arith.constant 0 : i32
    %dma_wait3A_410 = tpu.memref_slice %arg7[%dma_wait3A_408, %dma_wait3A_409] : memref<8000x64xf32, #tpu.memory_space<hbm>> -> memref<8000x64xf32, #tpu.memory_space<hbm>>
    %dma_wait3A_411 = tpu.memref_slice %arg14[%dma_wait3A_400] : memref<4x!tpu.dma_semaphore, #tpu.memory_space<semaphore_mem>> -> memref<1x!tpu.dma_semaphore, #tpu.memory_space<semaphore_mem>>
    %dma_wait3A_412 = tpu.memref_squeeze %dma_wait3A_411 : memref<1x!tpu.dma_semaphore, #tpu.memory_space<semaphore_mem>> -> memref<!tpu.dma_semaphore, #tpu.memory_space<semaphore_mem>>
    tpu.wait_indirect_dma semaphore(%dma_wait3A_412 : memref<!tpu.dma_semaphore, #tpu.memory_space<semaphore_mem>>) src(%dma_wait3A_410 : memref<8000x64xf32, #tpu.memory_space<hbm>>) dst(%dma_wait3A_404 : memref<128x64xf32, #tpu.memory_space<vmem>>)
    %dma_start3A_413 = arith.constant 0 : i32
    %dma_start3A_414 = arith.constant 48 : i32
    %dma_start3A_415 = arith.constant 0 : i32
    %dma_start3A_416 = arith.constant 0 : i32
    %dma_start3A_417 = arith.constant 0 : i32
    %dma_start3A_418 = tpu.memref_slice %arg11[%dma_start3A_413, %dma_start3A_416, %dma_start3A_417] : memref<4x128x64xf32, #tpu.memory_space<vmem>> -> memref<1x128x64xf32, #tpu.memory_space<vmem>>
    %dma_start3A_419 = tpu.memref_squeeze %dma_start3A_418 : memref<1x128x64xf32, #tpu.memory_space<vmem>> -> memref<128x64xf32, #tpu.memory_space<vmem>>
    %dma_start3A_420 = arith.constant 0 : i32
    %dma_start3A_421 = tpu.memref_slice %arg10[%dma_start3A_414, %dma_start3A_420] : memref<50x128xi32, #tpu.memory_space<vmem>> -> memref<1x128xi32, #tpu.memory_space<vmem>>
    %dma_start3A_422 = tpu.memref_squeeze %dma_start3A_421 : memref<1x128xi32, #tpu.memory_space<vmem>> -> memref<128xi32, #tpu.memory_space<vmem>>
    %dma_start3A_423 = arith.constant 0 : i32
    %dma_start3A_424 = arith.constant 0 : i32
    %dma_start3A_425 = tpu.memref_slice %arg13[%dma_start3A_423, %dma_start3A_424] : memref<2048x64xf32, #tpu.memory_space<vmem_shared>> -> memref<2048x64xf32, #tpu.memory_space<vmem_shared>>
    %dma_start3A_426 = tpu.memref_slice %arg15[%dma_start3A_415] : memref<4x!tpu.dma_semaphore, #tpu.memory_space<semaphore_mem>> -> memref<1x!tpu.dma_semaphore, #tpu.memory_space<semaphore_mem>>
    %dma_start3A_427 = tpu.memref_squeeze %dma_start3A_426 : memref<1x!tpu.dma_semaphore, #tpu.memory_space<semaphore_mem>> -> memref<!tpu.dma_semaphore, #tpu.memory_space<semaphore_mem>>
    tpu.enqueue_indirect_dma source(%dma_start3A_419 : memref<128x64xf32, #tpu.memory_space<vmem>>) target(%dma_start3A_425 : memref<2048x64xf32, #tpu.memory_space<vmem_shared>>) offsets(%dma_start3A_422 : memref<128xi32, #tpu.memory_space<vmem>>) semaphore(%dma_start3A_427 : memref<!tpu.dma_semaphore, #tpu.memory_space<semaphore_mem>>) {add = true}
    %dma_wait3A_428 = arith.constant 1 : i32
    %dma_wait3A_429 = arith.constant 0 : i32
    %dma_wait3A_430 = arith.constant 1 : i32
    %dma_wait3A_431 = arith.constant 1 : i32
    %dma_wait3A_432 = arith.constant 0 : i32
    %dma_wait3A_433 = arith.constant 0 : i32
    %dma_wait3A_434 = tpu.memref_slice %arg11[%dma_wait3A_430, %dma_wait3A_432, %dma_wait3A_433] : memref<4x128x64xf32, #tpu.memory_space<vmem>> -> memref<1x128x64xf32, #tpu.memory_space<vmem>>
    %dma_wait3A_435 = tpu.memref_squeeze %dma_wait3A_434 : memref<1x128x64xf32, #tpu.memory_space<vmem>> -> memref<128x64xf32, #tpu.memory_space<vmem>>
    %dma_wait3A_436 = arith.constant 0 : i32
    %dma_wait3A_437 = tpu.memref_slice %arg9[%dma_wait3A_428, %dma_wait3A_429, %dma_wait3A_436] : memref<2x50x128xi32, #tpu.memory_space<vmem>> -> memref<1x1x128xi32, #tpu.memory_space<vmem>>
    %dma_wait3A_438 = tpu.memref_squeeze %dma_wait3A_437 : memref<1x1x128xi32, #tpu.memory_space<vmem>> -> memref<128xi32, #tpu.memory_space<vmem>>
    %dma_wait3A_439 = arith.constant 0 : i32
    %dma_wait3A_440 = arith.constant 0 : i32
    %dma_wait3A_441 = tpu.memref_slice %arg7[%dma_wait3A_439, %dma_wait3A_440] : memref<8000x64xf32, #tpu.memory_space<hbm>> -> memref<8000x64xf32, #tpu.memory_space<hbm>>
    %dma_wait3A_442 = tpu.memref_slice %arg14[%dma_wait3A_431] : memref<4x!tpu.dma_semaphore, #tpu.memory_space<semaphore_mem>> -> memref<1x!tpu.dma_semaphore, #tpu.memory_space<semaphore_mem>>
    %dma_wait3A_443 = tpu.memref_squeeze %dma_wait3A_442 : memref<1x!tpu.dma_semaphore, #tpu.memory_space<semaphore_mem>> -> memref<!tpu.dma_semaphore, #tpu.memory_space<semaphore_mem>>
    tpu.wait_indirect_dma semaphore(%dma_wait3A_443 : memref<!tpu.dma_semaphore, #tpu.memory_space<semaphore_mem>>) src(%dma_wait3A_441 : memref<8000x64xf32, #tpu.memory_space<hbm>>) dst(%dma_wait3A_435 : memref<128x64xf32, #tpu.memory_space<vmem>>)
    %dma_start3A_444 = arith.constant 1 : i32
    %dma_start3A_445 = arith.constant 49 : i32
    %dma_start3A_446 = arith.constant 1 : i32
    %dma_start3A_447 = arith.constant 0 : i32
    %dma_start3A_448 = arith.constant 0 : i32
    %dma_start3A_449 = tpu.memref_slice %arg11[%dma_start3A_444, %dma_start3A_447, %dma_start3A_448] : memref<4x128x64xf32, #tpu.memory_space<vmem>> -> memref<1x128x64xf32, #tpu.memory_space<vmem>>
    %dma_start3A_450 = tpu.memref_squeeze %dma_start3A_449 : memref<1x128x64xf32, #tpu.memory_space<vmem>> -> memref<128x64xf32, #tpu.memory_space<vmem>>
    %dma_start3A_451 = arith.constant 0 : i32
    %dma_start3A_452 = tpu.memref_slice %arg10[%dma_start3A_445, %dma_start3A_451] : memref<50x128xi32, #tpu.memory_space<vmem>> -> memref<1x128xi32, #tpu.memory_space<vmem>>
    %dma_start3A_453 = tpu.memref_squeeze %dma_start3A_452 : memref<1x128xi32, #tpu.memory_space<vmem>> -> memref<128xi32, #tpu.memory_space<vmem>>
    %dma_start3A_454 = arith.constant 0 : i32
    %dma_start3A_455 = arith.constant 0 : i32
    %dma_start3A_456 = tpu.memref_slice %arg13[%dma_start3A_454, %dma_start3A_455] : memref<2048x64xf32, #tpu.memory_space<vmem_shared>> -> memref<2048x64xf32, #tpu.memory_space<vmem_shared>>
    %dma_start3A_457 = tpu.memref_slice %arg15[%dma_start3A_446] : memref<4x!tpu.dma_semaphore, #tpu.memory_space<semaphore_mem>> -> memref<1x!tpu.dma_semaphore, #tpu.memory_space<semaphore_mem>>
    %dma_start3A_458 = tpu.memref_squeeze %dma_start3A_457 : memref<1x!tpu.dma_semaphore, #tpu.memory_space<semaphore_mem>> -> memref<!tpu.dma_semaphore, #tpu.memory_space<semaphore_mem>>
    tpu.enqueue_indirect_dma source(%dma_start3A_450 : memref<128x64xf32, #tpu.memory_space<vmem>>) target(%dma_start3A_456 : memref<2048x64xf32, #tpu.memory_space<vmem_shared>>) offsets(%dma_start3A_453 : memref<128xi32, #tpu.memory_space<vmem>>) semaphore(%dma_start3A_458 : memref<!tpu.dma_semaphore, #tpu.memory_space<semaphore_mem>>) {add = true}
    %dma_wait3A_459 = arith.constant 0 : i32
    %dma_wait3A_460 = arith.constant 0 : i32
    %dma_wait3A_461 = arith.constant 0 : i32
    %dma_wait3A_462 = arith.constant 0 : i32
    %dma_wait3A_463 = arith.constant 0 : i32
    %dma_wait3A_464 = tpu.memref_slice %arg11[%dma_wait3A_459, %dma_wait3A_462, %dma_wait3A_463] : memref<4x128x64xf32, #tpu.memory_space<vmem>> -> memref<1x128x64xf32, #tpu.memory_space<vmem>>
    %dma_wait3A_465 = tpu.memref_squeeze %dma_wait3A_464 : memref<1x128x64xf32, #tpu.memory_space<vmem>> -> memref<128x64xf32, #tpu.memory_space<vmem>>
    %dma_wait3A_466 = arith.constant 0 : i32
    %dma_wait3A_467 = tpu.memref_slice %arg10[%dma_wait3A_460, %dma_wait3A_466] : memref<50x128xi32, #tpu.memory_space<vmem>> -> memref<1x128xi32, #tpu.memory_space<vmem>>
    %dma_wait3A_468 = tpu.memref_squeeze %dma_wait3A_467 : memref<1x128xi32, #tpu.memory_space<vmem>> -> memref<128xi32, #tpu.memory_space<vmem>>
    %dma_wait3A_469 = arith.constant 0 : i32
    %dma_wait3A_470 = arith.constant 0 : i32
    %dma_wait3A_471 = tpu.memref_slice %arg13[%dma_wait3A_469, %dma_wait3A_470] : memref<2048x64xf32, #tpu.memory_space<vmem_shared>> -> memref<2048x64xf32, #tpu.memory_space<vmem_shared>>
    %dma_wait3A_472 = tpu.memref_slice %arg15[%dma_wait3A_461] : memref<4x!tpu.dma_semaphore, #tpu.memory_space<semaphore_mem>> -> memref<1x!tpu.dma_semaphore, #tpu.memory_space<semaphore_mem>>
    %dma_wait3A_473 = tpu.memref_squeeze %dma_wait3A_472 : memref<1x!tpu.dma_semaphore, #tpu.memory_space<semaphore_mem>> -> memref<!tpu.dma_semaphore, #tpu.memory_space<semaphore_mem>>
    tpu.wait_indirect_dma semaphore(%dma_wait3A_473 : memref<!tpu.dma_semaphore, #tpu.memory_space<semaphore_mem>>) src(%dma_wait3A_465 : memref<128x64xf32, #tpu.memory_space<vmem>>) dst(%dma_wait3A_471 : memref<2048x64xf32, #tpu.memory_space<vmem_shared>>)
    %dma_wait3A_474 = arith.constant 1 : i32
    %dma_wait3A_475 = arith.constant 0 : i32
    %dma_wait3A_476 = arith.constant 1 : i32
    %dma_wait3A_477 = arith.constant 0 : i32
    %dma_wait3A_478 = arith.constant 0 : i32
    %dma_wait3A_479 = tpu.memref_slice %arg11[%dma_wait3A_474, %dma_wait3A_477, %dma_wait3A_478] : memref<4x128x64xf32, #tpu.memory_space<vmem>> -> memref<1x128x64xf32, #tpu.memory_space<vmem>>
    %dma_wait3A_480 = tpu.memref_squeeze %dma_wait3A_479 : memref<1x128x64xf32, #tpu.memory_space<vmem>> -> memref<128x64xf32, #tpu.memory_space<vmem>>
    %dma_wait3A_481 = arith.constant 0 : i32
    %dma_wait3A_482 = tpu.memref_slice %arg10[%dma_wait3A_475, %dma_wait3A_481] : memref<50x128xi32, #tpu.memory_space<vmem>> -> memref<1x128xi32, #tpu.memory_space<vmem>>
    %dma_wait3A_483 = tpu.memref_squeeze %dma_wait3A_482 : memref<1x128xi32, #tpu.memory_space<vmem>> -> memref<128xi32, #tpu.memory_space<vmem>>
    %dma_wait3A_484 = arith.constant 0 : i32
    %dma_wait3A_485 = arith.constant 0 : i32
    %dma_wait3A_486 = tpu.memref_slice %arg13[%dma_wait3A_484, %dma_wait3A_485] : memref<2048x64xf32, #tpu.memory_space<vmem_shared>> -> memref<2048x64xf32, #tpu.memory_space<vmem_shared>>
    %dma_wait3A_487 = tpu.memref_slice %arg15[%dma_wait3A_476] : memref<4x!tpu.dma_semaphore, #tpu.memory_space<semaphore_mem>> -> memref<1x!tpu.dma_semaphore, #tpu.memory_space<semaphore_mem>>
    %dma_wait3A_488 = tpu.memref_squeeze %dma_wait3A_487 : memref<1x!tpu.dma_semaphore, #tpu.memory_space<semaphore_mem>> -> memref<!tpu.dma_semaphore, #tpu.memory_space<semaphore_mem>>
    tpu.wait_indirect_dma semaphore(%dma_wait3A_488 : memref<!tpu.dma_semaphore, #tpu.memory_space<semaphore_mem>>) src(%dma_wait3A_480 : memref<128x64xf32, #tpu.memory_space<vmem>>) dst(%dma_wait3A_486 : memref<2048x64xf32, #tpu.memory_space<vmem_shared>>)
    %dma_wait3A_489 = arith.constant 2 : i32
    %dma_wait3A_490 = arith.constant 0 : i32
    %dma_wait3A_491 = arith.constant 2 : i32
    %dma_wait3A_492 = arith.constant 0 : i32
    %dma_wait3A_493 = arith.constant 0 : i32
    %dma_wait3A_494 = tpu.memref_slice %arg11[%dma_wait3A_489, %dma_wait3A_492, %dma_wait3A_493] : memref<4x128x64xf32, #tpu.memory_space<vmem>> -> memref<1x128x64xf32, #tpu.memory_space<vmem>>
    %dma_wait3A_495 = tpu.memref_squeeze %dma_wait3A_494 : memref<1x128x64xf32, #tpu.memory_space<vmem>> -> memref<128x64xf32, #tpu.memory_space<vmem>>
    %dma_wait3A_496 = arith.constant 0 : i32
    %dma_wait3A_497 = tpu.memref_slice %arg10[%dma_wait3A_490, %dma_wait3A_496] : memref<50x128xi32, #tpu.memory_space<vmem>> -> memref<1x128xi32, #tpu.memory_space<vmem>>
    %dma_wait3A_498 = tpu.memref_squeeze %dma_wait3A_497 : memref<1x128xi32, #tpu.memory_space<vmem>> -> memref<128xi32, #tpu.memory_space<vmem>>
    %dma_wait3A_499 = arith.constant 0 : i32
    %dma_wait3A_500 = arith.constant 0 : i32
    %dma_wait3A_501 = tpu.memref_slice %arg13[%dma_wait3A_499, %dma_wait3A_500] : memref<2048x64xf32, #tpu.memory_space<vmem_shared>> -> memref<2048x64xf32, #tpu.memory_space<vmem_shared>>
    %dma_wait3A_502 = tpu.memref_slice %arg15[%dma_wait3A_491] : memref<4x!tpu.dma_semaphore, #tpu.memory_space<semaphore_mem>> -> memref<1x!tpu.dma_semaphore, #tpu.memory_space<semaphore_mem>>
    %dma_wait3A_503 = tpu.memref_squeeze %dma_wait3A_502 : memref<1x!tpu.dma_semaphore, #tpu.memory_space<semaphore_mem>> -> memref<!tpu.dma_semaphore, #tpu.memory_space<semaphore_mem>>
    tpu.wait_indirect_dma semaphore(%dma_wait3A_503 : memref<!tpu.dma_semaphore, #tpu.memory_space<semaphore_mem>>) src(%dma_wait3A_495 : memref<128x64xf32, #tpu.memory_space<vmem>>) dst(%dma_wait3A_501 : memref<2048x64xf32, #tpu.memory_space<vmem_shared>>)
    %dma_wait3A_504 = arith.constant 3 : i32
    %dma_wait3A_505 = arith.constant 0 : i32
    %dma_wait3A_506 = arith.constant 3 : i32
    %dma_wait3A_507 = arith.constant 0 : i32
    %dma_wait3A_508 = arith.constant 0 : i32
    %dma_wait3A_509 = tpu.memref_slice %arg11[%dma_wait3A_504, %dma_wait3A_507, %dma_wait3A_508] : memref<4x128x64xf32, #tpu.memory_space<vmem>> -> memref<1x128x64xf32, #tpu.memory_space<vmem>>
    %dma_wait3A_510 = tpu.memref_squeeze %dma_wait3A_509 : memref<1x128x64xf32, #tpu.memory_space<vmem>> -> memref<128x64xf32, #tpu.memory_space<vmem>>
    %dma_wait3A_511 = arith.constant 0 : i32
    %dma_wait3A_512 = tpu.memref_slice %arg10[%dma_wait3A_505, %dma_wait3A_511] : memref<50x128xi32, #tpu.memory_space<vmem>> -> memref<1x128xi32, #tpu.memory_space<vmem>>
    %dma_wait3A_513 = tpu.memref_squeeze %dma_wait3A_512 : memref<1x128xi32, #tpu.memory_space<vmem>> -> memref<128xi32, #tpu.memory_space<vmem>>
    %dma_wait3A_514 = arith.constant 0 : i32
    %dma_wait3A_515 = arith.constant 0 : i32
    %dma_wait3A_516 = tpu.memref_slice %arg13[%dma_wait3A_514, %dma_wait3A_515] : memref<2048x64xf32, #tpu.memory_space<vmem_shared>> -> memref<2048x64xf32, #tpu.memory_space<vmem_shared>>
    %dma_wait3A_517 = tpu.memref_slice %arg15[%dma_wait3A_506] : memref<4x!tpu.dma_semaphore, #tpu.memory_space<semaphore_mem>> -> memref<1x!tpu.dma_semaphore, #tpu.memory_space<semaphore_mem>>
    %dma_wait3A_518 = tpu.memref_squeeze %dma_wait3A_517 : memref<1x!tpu.dma_semaphore, #tpu.memory_space<semaphore_mem>> -> memref<!tpu.dma_semaphore, #tpu.memory_space<semaphore_mem>>
    tpu.wait_indirect_dma semaphore(%dma_wait3A_518 : memref<!tpu.dma_semaphore, #tpu.memory_space<semaphore_mem>>) src(%dma_wait3A_510 : memref<128x64xf32, #tpu.memory_space<vmem>>) dst(%dma_wait3A_516 : memref<2048x64xf32, #tpu.memory_space<vmem_shared>>)
    "tpu.region"() ({
      %run_scoped3A_519 = tpu.sem_alloc : memref<!tpu.dma_semaphore, #tpu.memory_space<semaphore_mem>>
      %dma_start3A_520 = arith.constant 0 : i32
      %dma_start3A_521 = tpu.memref_slice %arg8[%mul3A_2, %dma_start3A_520] : memref<4096x128xf32, #tpu.memory_space<hbm>> -> memref<128x64xf32, #tpu.memory_space<hbm>>
      %dma_start3A_522 = arith.constant 0 : i32
      %dma_start3A_523 = tpu.memref_slice %arg12[%mul3A_5, %dma_start3A_522] : memref<2048x64xf32, #tpu.memory_space<vmem_shared>> -> memref<128x64xf32, #tpu.memory_space<vmem_shared>>
      tpu.enqueue_dma source(%dma_start3A_523 : memref<128x64xf32, #tpu.memory_space<vmem_shared>>) target(%dma_start3A_521 : memref<128x64xf32, #tpu.memory_space<hbm>>) target_semaphore(%run_scoped3A_519 : memref<!tpu.dma_semaphore, #tpu.memory_space<semaphore_mem>>)
      %dma_wait3A_524 = arith.constant 0 : i32
      %dma_wait3A_525 = tpu.memref_slice %arg8[%mul3A_2, %dma_wait3A_524] : memref<4096x128xf32, #tpu.memory_space<hbm>> -> memref<128x64xf32, #tpu.memory_space<hbm>>
      %dma_wait3A_526 = arith.constant 0 : i32
      %dma_wait3A_527 = tpu.memref_slice %arg12[%mul3A_5, %dma_wait3A_526] : memref<2048x64xf32, #tpu.memory_space<vmem_shared>> -> memref<128x64xf32, #tpu.memory_space<vmem_shared>>
      tpu.wait_dma2 semaphore(%run_scoped3A_519 : memref<!tpu.dma_semaphore, #tpu.memory_space<semaphore_mem>>) src(%dma_wait3A_527 : memref<128x64xf32, #tpu.memory_space<vmem_shared>>) dst(%dma_wait3A_525 : memref<128x64xf32, #tpu.memory_space<hbm>>)
      tpu.yield
    }) : () -> ()
    "tpu.region"() ({
      %run_scoped3A_519 = tpu.sem_alloc : memref<!tpu.dma_semaphore, #tpu.memory_space<semaphore_mem>>
      %dma_start3A_520 = arith.constant 64 : i32
      %dma_start3A_521 = tpu.memref_slice %arg8[%mul3A_2, %dma_start3A_520] : memref<4096x128xf32, #tpu.memory_space<hbm>> -> memref<128x64xf32, #tpu.memory_space<hbm>>
      %dma_start3A_522 = arith.constant 0 : i32
      %dma_start3A_523 = tpu.memref_slice %arg13[%mul3A_5, %dma_start3A_522] : memref<2048x64xf32, #tpu.memory_space<vmem_shared>> -> memref<128x64xf32, #tpu.memory_space<vmem_shared>>
      tpu.enqueue_dma source(%dma_start3A_523 : memref<128x64xf32, #tpu.memory_space<vmem_shared>>) target(%dma_start3A_521 : memref<128x64xf32, #tpu.memory_space<hbm>>) target_semaphore(%run_scoped3A_519 : memref<!tpu.dma_semaphore, #tpu.memory_space<semaphore_mem>>)
      %dma_wait3A_524 = arith.constant 64 : i32
      %dma_wait3A_525 = tpu.memref_slice %arg8[%mul3A_2, %dma_wait3A_524] : memref<4096x128xf32, #tpu.memory_space<hbm>> -> memref<128x64xf32, #tpu.memory_space<hbm>>
      %dma_wait3A_526 = arith.constant 0 : i32
      %dma_wait3A_527 = tpu.memref_slice %arg13[%mul3A_5, %dma_wait3A_526] : memref<2048x64xf32, #tpu.memory_space<vmem_shared>> -> memref<128x64xf32, #tpu.memory_space<vmem_shared>>
      tpu.wait_dma2 semaphore(%run_scoped3A_519 : memref<!tpu.dma_semaphore, #tpu.memory_space<semaphore_mem>>) src(%dma_wait3A_527 : memref<128x64xf32, #tpu.memory_space<vmem_shared>>) dst(%dma_wait3A_525 : memref<128x64xf32, #tpu.memory_space<hbm>>)
      tpu.yield
    }) : () -> ()
    return
  }
}

</mosaic_0001>

<sc_bundles>
// kernel: kernel.4.cloned.1.call-start
scs
__scs_entry_jumppad:
0x0: {  	(pc) =	sbr.rel $0x88, $3  }
0x1: {  	(tag) =	ssettag $0x0;
	lr =	simm.s32 $0x1  }
0x2: {  	[smem:$0x3F99] =	sst lr;
	_ =	strace $0xD0000000  }
0x3: {  	_ = 	snop  }
0x4: {  	_ = 	snop  }
0x5: {  	_ = 	snop  }
0x6: {  	_ = 	snop  }
0x7: {  	_ = 	snop  }
__scs_overlays_trampoline_lowered:
0x8: {  	[smem:$0x3FA8] =	sst s0  }
0x9: {  	[smem:$0x3FA9] =	sst s1  }
0xa: {  	[smem:$0x3FAA] =	sst s2  }
0xb: {  	[smem:$0x3FAB] =	sst s3  }
0xc: {  	[smem:$0x3FAC] =	sst s4  }
0xd: {  	[smem:$0x3FAD] =	sst s5  }
0xe: {  	[smem:$0x3FAE] =	sst s6  }
0xf: {  	[smem:$0x3FAF] =	sst s7  }
0x10: {  	[smem:$0x3FB0] =	sst s8  }
0x11: {  	[smem:$0x3FB1] =	sst s9;
	s0 =	simm.s32 @!p0 $0x0  }
0x12: {  	s1 =	sld [smem:$0x3F97];
	s0 =	simm.s32 @p0 $0x1  }
0x13: {  	[smem:$0x3FB2] =	sst s0;
	s0 =	simm.s32 @!p1 $0x0  }
0x14: {  	s2 =	sld [smem:$0x3F96];
	s0 =	simm.s32 @p1 $0x1  }
0x15: {  	[smem:$0x3FB3] =	sst s0;
	s0 =	simm.s32 @!p2 $0x0  }
0x16: {  	s3 =	sld [smem:$0x3FDB];
	s0 =	simm.s32 @p2 $0x1  }
0x17: {  	s4 =	simm.s32 $0x1BF5;
	[smem:$0x3FB5] =	sst s0  }
0x18: {  	s0 =	sld [smem:$0x3F98];
	_ =	swait.ge [sflag:s4], $0x0  }
0x19: {  	s7 =	sld [smem:$0x3F99]  }
0x1a: {  	s8 =	sadd.s32 $0xFFFFE003, lr  }
0x1b: {  	s9 =	sadd.s32 $0xFFFFFEF7, lr;
	s5 =	simm.s32 $0xFFFFFFFF;
	p2 =	slt.u32 s8, $0xFFFFF086  }
0x1c: {  	p1 =	slt.u32 s9, $0xF7A;
	s5 =	simm.s32 @!p2 $0x0  }
0x1d: {  	s5 =	simm.s32 @p1 $0x1;
	p0 =	seq.s32 s7, s2  }
0x1e: {  	s7 =	smul.u32 @!p0 $0xF7A, s2;
	p2 =	seq.s32 @!p0 s5, $0x0  }
0x1f: {  	s9 =	smul.u32 $0xF7A, s1;
	s8 =	simm.s32 @!p0 $0x1BF5;
	p2 =	por !p2, p0  }
0x20: {  	[sflag:s8] =	ssyncset.s32 @!p0 $0xFFFFF086;
	s6 =	sadd.s32 @!p0 s3, s7;
	s7 =	simm.s32 @!p0 $0x108  }
0x21: {  	s3 =	sadd.s32 s3, s9;
	s6 =	sadd.s32 @!p0 $0x88, s6;
	s7 =	simm.s32 @p2 $0x1082  }
0x22: {  	[simem:s7], [sflag:s8] =	dma.local @!p0 [hbm:s6], $0xF7A  }
0x23: {  	s9 =	sor.u32 $0xD0000000, s2;
	s6 =	simm.s32 $0x108;
	_ =	swait.ge @!p0 [sflag:s8], $0x0  }
0x24: {  	s3 =	sadd.s32 $0x88, s3;
	s6 =	simm.s32 @!p1 $0x1082;
	[sflag:s4] =	ssyncset.s32 $0xFFFFF086  }
0x25: {  	[simem:s6], [sflag:s4] =	dma.local [hbm:s3], $0xF7A  }
0x26: {  	[smem:$0x3F99] =	sst s1;
	(tag) =	ssettag s2;
	_ =	strace s9  }
0x27: {  	s1 =	sld [smem:$0x3FA9]  }
0x28: {  	s2 =	sld [smem:$0x3FAA]  }
0x29: {  	s4 =	sld [smem:$0x3FAC]  }
0x2a: {  	p0 =	seq.s32 s5, $0x0;
	s5 =	sld [smem:$0x3FAD]  }
0x2b: {  	s6 =	sld [smem:$0x3FAE]  }
0x2c: {  	s7 =	sld [smem:$0x3FAF]  }
0x2d: {  	s3 =	simm.s32 $0x108;
	s8 =	sld [smem:$0x3FB0]  }
0x2e: {  	s3 =	simm.s32 @!p0 $0x1082;
	s9 =	sld [smem:$0x3FB1]  }
0x2f: {  	lr =	sadd.s32 s0, s3;
	s0 =	sld [smem:$0x3FA8]  }
0x30: {  	s3 =	sld [smem:$0x3FAB]  }
0x31: {  	[smem:$0x3FB4] =	sst s10  }
0x32: {  	s10 =	sld [smem:$0x3FB2];
	_ =	sdelay $0x3  }
0x33: {  	p0 =	seq.s32 s10, $0x1;
	s10 =	sld [smem:$0x3FB4];
	_ =	sdelay $0x3  }
0x34: {  	[smem:$0x3FB4] =	sst s10  }
0x35: {  	s10 =	sld [smem:$0x3FB3];
	_ =	sdelay $0x3  }
0x36: {  	p1 =	seq.s32 s10, $0x1;
	s10 =	sld [smem:$0x3FB4];
	_ =	sdelay $0x3  }
0x37: {  	[smem:$0x3FB4] =	sst s10  }
0x38: {  	s10 =	sld [smem:$0x3FB5]  }
0x39: {  	_ = 	snop;
	(pc) =	sbr.ind lr, $3  }
0x3a: {  	_ = 	snop  }
0x3b: {  	_ = 	snop  }
0x3c: {  	p2 =	seq.s32 s10, $0x1;
	s10 =	sld [smem:$0x3FB4]  }
0x3d: {  	_ =	shalt  }
0x3e: {  	_ =	shalt  }
0x3f: {  	_ =	shalt  }
0x40: {  	_ =	shalt  }
0x41: {  	_ =	shalt  }
0x42: {  	_ =	shalt  }
0x43: {  	_ =	shalt  }
0x44: {  	_ =	shalt  }
0x45: {  	_ =	shalt  }
0x46: {  	_ =	shalt  }
0x47: {  	_ =	shalt  }
0x48: {  	_ =	shalt  }
0x49: {  	_ =	shalt  }
0x4a: {  	_ =	shalt  }
0x4b: {  	_ =	shalt  }
0x4c: {  	_ =	shalt  }
0x4d: {  	_ =	shalt  }
0x4e: {  	_ =	shalt  }
0x4f: {  	_ =	shalt  }
0x50: {  	_ =	shalt  }
0x51: {  	_ =	shalt  }
0x52: {  	_ =	shalt  }
0x53: {  	_ =	shalt  }
0x54: {  	_ =	shalt  }
0x55: {  	_ =	shalt  }
0x56: {  	_ =	shalt  }
0x57: {  	_ =	shalt  }
0x58: {  	_ =	shalt  }
0x59: {  	_ =	shalt  }
0x5a: {  	_ =	shalt  }
0x5b: {  	_ =	shalt  }
0x5c: {  	_ =	shalt  }
0x5d: {  	_ =	shalt  }
0x5e: {  	_ =	shalt  }
0x5f: {  	_ =	shalt  }
0x60: {  	_ =	shalt  }
0x61: {  	_ =	shalt  }
0x62: {  	_ =	shalt  }
0x63: {  	_ =	shalt  }
0x64: {  	_ =	shalt  }
0x65: {  	_ =	shalt  }
0x66: {  	_ =	shalt  }
0x67: {  	_ =	shalt  }
0x68: {  	_ =	shalt  }
0x69: {  	_ =	shalt  }
0x6a: {  	_ =	shalt  }
0x6b: {  	_ =	shalt  }
0x6c: {  	_ =	shalt  }
0x6d: {  	_ =	shalt  }
0x6e: {  	_ =	shalt  }
0x6f: {  	_ =	shalt  }
0x70: {  	_ =	shalt  }
0x71: {  	_ =	shalt  }
0x72: {  	_ =	shalt  }
0x73: {  	_ =	shalt  }
0x74: {  	_ =	shalt  }
0x75: {  	_ =	shalt  }
0x76: {  	_ =	shalt  }
0x77: {  	_ =	shalt  }
0x78: {  	_ =	shalt  }
0x79: {  	_ =	shalt  }
0x7a: {  	_ =	shalt  }
0x7b: {  	_ =	shalt  }
0x7c: {  	_ =	shalt  }
0x7d: {  	_ =	shalt  }
0x7e: {  	_ =	shalt  }
0x7f: {  	_ =	shalt  }
0x80: {  	_ =	shalt  }
0x81: {  	_ =	shalt  }
0x82: {  	_ =	shalt  }
0x83: {  	_ =	shalt  }
0x84: {  	_ =	shalt  }
0x85: {  	_ =	shalt  }
0x86: {  	_ =	shalt  }
0x87: {  	_ =	shalt  }
.Lfunc_end0:
.L_simem_size_0:
called_computation_lowered:
.L_overlay_start_0:
0x88: {  	s2 =	sld [smem:$0x3FD9]  }
0x89: {  	s3 =	sld [smem:$0x3FFE];
	_ =	sdelay $0x1  }
0x8a: {  	s1 =	srdreg.scid  }
0x8b: {  	s0 =	sand.u32 $0x1, s1  }
0x8c: {  	s17 =	sshll.u32 s0, $0xA;
	s2 =	sadd.s32 s3, s2  }
0x8d: {  	s2 =	sadd.s32 s2, s17  }
0x8e: {  	[smem:$0x3FC0] =	sst s2  }
0x8f: {  	_ = 	snop  }
0x90: {  	s2 =	sld [smem:$0x3FD0];
	(tm) =	ssettm $0x1  }
0x91: {  	s18 =	sld [smem:$0x3FFB];
	_ =	sdelay $0x3  }
0x92: {  	_ =	strace s18  }
0x93: {  	s3 =	sld [smem:$0x3FFC];
	_ =	sdelay $0x3  }
0x94: {  	_ =	strace s3  }
0x95: {  	s3 =	sld [smem:$0x3FFD];
	_ =	sdelay $0x3  }
0x96: {  	_ =	strace s3  }
0x97: {  	_ =	strace $0x8FFFFFFF  }
0x98: {  	s19 =	sld [smem:$0x3FDB];
	_ =	sdelay $0x1  }
0x99: {  	s4 =	simm.s32 $_scs_section_size  }
0x9a: {  	s5 =	simm.s32 $_size__tile_overlayer_lowered;
	s6 =	simm.s32 $_tile_overlayer_lowered  }
0x9b: {  	s22 =	simm.s32 $0x1BFF;
	s21 =	sshll.u32 s6, $0x1;
	s3 =	sadd.s32 s4, s19  }
0x9c: {  	s7 =	simm.s32 $0x0;
	s20 =	sshll.u32 s5, $0x1;
	s5 =	sadd.s32 s21, s3  }
0x9d: {  	[timem:s7], [sflag:s22] =	dma.local [hbm:s5], s20  }
0x9e: {  	_ =	swait.ge [sflag:s22], s20  }
0x9f: {  	s4 =	ssub.s32 $0x0, s20;
	[sflag:s22] =	ssyncset.done $0x0  }
0xa0: {  	[sflag:s22] =	ssyncadd.s32 s4;
	_ =	sdelay $0x1  }
0xa1: {  	s23 =	simm.s32 $0x1B8B  }
0xa2: {  	_ =	swait.ge [sflag:s23], $0x1  }
0xa3: {  	[sflag:s23] =	ssyncset.done $0x0  }
0xa4: {  	s25 =	simm.s32 $0x1B8E;
	s24 =	sld [smem:$0x3FFE];
	[sflag:s23] =	ssyncadd.s32 $0xFFFFFFFF  }
0xa5: {  	s26 =	simm.s32 $execute0_lowered;
	[smem:$0x3FD2] =	sst s25  }
0xa6: {  	s5 =	sshll.u32 s26, $0x1;
	_ =	strace $0x80000046;
	[dreg:$0x1] =	wrdreg $0xFFFFFFFF  }
0xa7: {  	s28 =	simm.s32 $_size_execute0_lowered;
	s3 =	sadd.s32 s3, s5;
	[dreg:$0x0] =	wrdreg $0x0  }
0xa8: {  	s5 =	sshll.u32 s28, $0x1;
	[dreg:$0x2] =	wrdreg s3  }
0xa9: {  	[dreg:$0x3] =	wrdreg s5  }
0xaa: {  	[dreg:$0x4] =	wrdreg $0xC0  }
0xab: {  	_ =	task [dreg:s7], $0x5FFFF  }
0xac: {  	[dreg:$0x1] =	wrdreg $0xFFFFFFFF  }
0xad: {  	[dreg:$0x0] =	wrdreg $0x60  }
0xae: {  	[dreg:$0x2] =	wrdreg s24  }
0xaf: {  	[dreg:$0x3] =	wrdreg s2  }
0xb0: {  	[dreg:$0x4] =	wrdreg $0xCB000  }
0xb1: {  	[dreg:$0x5] =	wrdreg $0xEB000  }
0xb2: {  	[dreg:$0x6] =	wrdreg $0x9  }
0xb3: {  	_ =	task.clear_ibuf [dreg:s7], $0x7FFFF;
	_ =	strace $0x90000046  }
0xb4: {  	s29 =	simm.s32 $0x9;
	_ =	strace $0x80000048  }
0xb5: {  	_ =	swait.ge [sflag:s29], $0x1  }
0xb6: {  	[sflag:s29] =	ssyncadd.s32 $0xFFFFFFFF  }
0xb7: {  	_ =	strace $0x90000048  }
0xb8: {  	_ =	sfence  }
0xb9: {  	s30 =	sld [smem:$0x0];
	_ =	sdelay $0x2  }
0xba: {  	s31 =	sshll.u32 s1, $0xD;
	s1 =	sshrl.u32 s1, $0x2  }
0xbb: {  	s3 =	sand.u32 $0x4000, s31;
	s1 =	sadd.s32 s1, s30  }
0xbc: {  	s0 =	sor.u32 s3, s0;
	s1 =	sshll.u32 s1, $0x11  }
0xbd: {  	s0 =	sor.u32 s1, s0  }
0xbe: {  	s0 =	sadd.s32 $0x8F2B, s0  }
0xbf: {  	[sflag:s0] =	ssyncadd.remote.s32 $0x1  }
0xc0: {  	_ =	sfence.sel $0xFFFF  }
0xc1: {  	[dreg:$0x0] =	wrdreg $0xFFFFFFFF;
	(pc) =	sbr.abs _section_cstart, $3  }
0xc2: {  	[dreg:$0x1] =	wrdreg $0xFFFFFFFF  }
0xc3: {  	_ =	task.clear_ibuf [dreg:s7], $0x2FFFF;
	_ =	strace $0x9FFFFFFF  }
0xc4: {  	(tm) =	ssettm $0x7FFFFFFF  }
0xc5: {  	_ =	shalt  }
tec
execute0_lowered:
.L_overlay_start_1:
0x0: {  	(tag) =	ssettag $0x1  }
0x1: {  	s0 =	rddreg [dreg:$0x0]  }
0x2: {  	s1 =	rddreg [dreg:$0x1]  }
0x3: {  	s2 =	srdreg.scid;
	s3 =	rddreg [dreg:$0x2]  }
0x4: {  	s11 =	stileid.u32;
	s4 =	rddreg [dreg:$0x3]  }
0x5: {  	s7 =	simm.s32 $0x0;
	s14 =	simm.s32 $0xA;
	s16 =	simm.s32 $0x6B00  }
0x6: {  	s17 =	simm.s32 $0xAB00;
	s30 =	simm.s32 $0x1;
	s31 =	simm.s32 $0x4  }
0x7: {  	s15 =	simm.s32 $0x8;
	s12 =	simm.s32 $0x0;
	s2 =	sand.u32 $0x1, s2  }
0x8: {  	s5 =	sshll.u32 s11, $0x1;
	[smem:$0x7FF] =	sst s7;
	s19 =	smul.u32 $0x320, s11  }
0x9: {  	s20 =	sadd.s32 $0x22800, s0;
	s7 =	sadd.s32 $0x12E00, s0;
	s23 =	sshll.u32 s11, $0xD  }
0xa: {  	s29 =	sshll.u32 s11, $0x6;
	s5 =	sor.u32 s2, s5;
	_ =	strace $0x80000047  }
0xb: {  	s2 =	ssub.s32 $0x2, s2;
	[dreg:$0x5] =	wrdreg s20;
	s25 =	sadd.s32 s23, s3  }
0xc: {  	[dreg:$0xc] =	wrdreg s29;
	s20 =	simm.s32 $0x3200;
	s6 =	smul.u32 $0x320, s5  }
0xd: {  	s9 =	sadd.s32 s19, s0;
	s5 =	sshll.u32 s5, $0xB;
	s10 =	sshrl.u32 s2, $0x1  }
0xe: {  	s11 =	sshrl.u32 s25, $0x3;
	s25 =	simm.s32 $0x2;
	s2 =	ssub.s32 s2, s10  }
0xf: {  	s24 =	sadd.s32 $0xFC00, s9;
	s9 =	simm.s32 $0x6;
	s10 =	simm.s32 $0x7  }
0x10: {  	s8 =	sadd.s32 s6, s0;
	[dreg:$0x8] =	wrdreg s24;
	s28 =	smax.u32 s2, $0x1  }
0x11: {  	s0 =	sadd.s32 s5, s0;
	s21 =	sadd.s32 $0x9800, s8;
	[dreg:$0xb] =	wrdreg s28  }
0x12: {  	s5 =	sadd.s32 s23, s4;
	s22 =	sadd.s32 $0x3400, s8;
	[dreg:$0x6] =	wrdreg s21  }
0x13: {  	s23 =	simm.s32 $0x4B00;
	s26 =	sadd.s32 $0x22C00, s0;
	[dreg:$0x7] =	wrdreg s22  }
0x14: {  	s0 =	sadd.s32 $0x22C08, s0;
	s13 =	sshrl.u32 s5, $0x3;
	[dreg:$0x9] =	wrdreg s26  }
0x15: {  	s8 =	simm.s32 $0x5;
	[dreg:$0xa] =	wrdreg s0;
	s0 =	sor.u32 $0x1C09, s29  }
0x16: {  	s21 =	simm.s32 $0x9;
	s22 =	simm.s32 $0x80;
	[dreg:$0xd] =	wrdreg s0  }
.LBB2_1:
0x17: {  	s0 =	simm.s32 $0x0;
	s2 =	rddreg [dreg:$0x6]  }
0x18: {  	[tilespmem:s0], [sflag:$0xA] =	stream.linear.gather [hbm4b:s2+s0], $0x1900, $0x38;
	[tilespmem:$0x10B00] =	vst v63  }
0x19: {  	_ =	swait.ge [sflag:s14], $0x1900  }
0x1a: {  	[sflag:s14] =	ssyncset.done $0x0  }
0x1b: {  	s5 =	simm.s32 $0x1900;
	s19 =	rddreg [dreg:$0x7];
	[sflag:s14] =	ssyncadd.s32 $0xFFFFE700  }
0x1c: {  	[tilespmem:s5], [sflag:$0xA] =	stream.linear.gather [hbm4b:s19+s0], $0x1900, $0x38;
	[tilespmem:$0x10B00] =	vst v63  }
0x1d: {  	_ =	swait.ge [sflag:s14], $0x1900  }
0x1e: {  	[sflag:s14] =	ssyncset.done $0x0  }
0x1f: {  	s5 =	simm.s32 $0x3200;
	s24 =	rddreg [dreg:$0x8];
	[sflag:s14] =	ssyncadd.s32 $0xFFFFE700  }
0x20: {  	[tilespmem:s5], [sflag:$0xA] =	stream.linear.gather [hbm4b:s24+s0], $0x1900, $0x38;
	[tilespmem:$0x10B00] =	vst v63  }
0x21: {  	_ =	swait.ge [sflag:s14], $0x1900  }
0x22: {  	[sflag:s14] =	ssyncset.done $0x0;
	s26 =	rddreg [dreg:$0x5]  }
0x23: {  	s6 =	rddreg [dreg:$0xd];
	[sflag:s14] =	ssyncadd.s32 $0xFFFFE700  }
0x24: {  	[spmem:s11], [sflag:s6] =	dma.local [hbm:s26], $0x400  }
0x25: {  	[spmem:s13], [sflag:s6] =	dma.local [hbm:s26], $0x400  }
0x26: {  	_ =	swait.ge [sflag:s21], $0x400  }
0x27: {  	[sflag:s21] =	ssyncset.done $0x0  }
0x28: {  	[sflag:s21] =	ssyncadd.s32 $0xFFFFFC00  }
0x29: {  	_ =	swait.ge [sflag:s21], $0x400  }
0x2a: {  	[sflag:s21] =	ssyncset.done $0x0  }
0x2b: {  	[sflag:s21] =	ssyncadd.s32 $0xFFFFFC00  }
0x2c: {  	[tilespmem:s23], [sflag:$0x1] =	stream.indirect.gather [hbm4b:s1+s22], $0x40, s0, s22, $0xb8;
	[tilespmem:$0x10B00] =	vst v63  }
0x2d: {  	_ = 	snop  }
0x2e: {  	[tilespmem:s16], [sflag:$0x2] =	stream.indirect.gather [hbm4b:s1+s22], $0x40, s22, s22, $0xb8;
	[tilespmem:$0x10B00] =	vst v63  }
0x2f: {  	s18 =	simm.s32 $0x100;
	s19 =	simm.s32 $0x8B00  }
0x30: {  	[tilespmem:s19], [sflag:$0x3] =	stream.indirect.gather [hbm4b:s1+s22], $0x40, s18, s22, $0xb8;
	[tilespmem:$0x10B00] =	vst v63  }
0x31: {  	s26 =	simm.s32 $0x180  }
0x32: {  	[tilespmem:s17], [sflag:$0x4] =	stream.indirect.gather [hbm4b:s1+s22], $0x40, s26, s22, $0xb8;
	[tilespmem:$0x10B00] =	vst v63  }
0x33: {  	s29 =	smov.u32 s13;
	s13 =	simm.s32 $0x1;
	_ =	swait.ge [sflag:s30], $0x2000  }
0x34: {  	s24 =	smov.u32 s11;
	s2 =	sand.u32 $0x3, s13;
	[sflag:s30] =	ssyncset.done $0x0  }
0x35: {  	s11 =	simm.s32 $0x4;
	s28 =	sadd.s32 $0x1, s2;
	[sflag:s30] =	ssyncadd.s32 $0xFFFFE000  }
0x36: {  	[spmem:s3] =	stream.indirect.scatter.add.f32 [tilespmem:s23], [sflag:$0x5], $0x40, s5, s22, $0xb8;
	[tilespmem:$0x10B00] =	vst v63  }
0x37: {  	s6 =	sshll.u32 s2, $0xD;
	s16 =	simm.s32 $0x3280;
	_ =	swait.ge [sflag:s28], $0x2000  }
0x38: {  	s26 =	sadd.s32 $0x5, s2;
	s5 =	sand.u32 $0x3, s11;
	[sflag:s28] =	ssyncset.done $0x0  }
0x39: {  	s2 =	sadd.s32 $0x4B00, s6;
	s17 =	sadd.s32 $0x5, s5;
	[sflag:s28] =	ssyncadd.s32 $0xFFFFE000  }
0x3a: {  	[spmem:s3] =	stream.indirect.scatter.add.f32 [tilespmem:s2], [sflag:s26], $0x40, s16, s22, $0xb8;
	[tilespmem:$0x10B00] =	vst v63  }
0x3b: {  	s18 =	simm.s32 $0x200;
	s6 =	simm.s32 $0xFFFFFFFE;
	_ =	swait.ge [sflag:s17], $0x2000  }
0x3c: {  	s19 =	sadd.s32 $0x1, s5;
	s5 =	sshll.u32 s5, $0xD;
	[sflag:s17] =	ssyncset.done $0x0  }
0x3d: {  	s6 =	sand.u32 $0x3, s6;
	s5 =	sadd.s32 $0x4B00, s5;
	[sflag:s17] =	ssyncadd.s32 $0xFFFFE000  }
0x3e: {  	[tilespmem:s5], [sflag:s19] =	stream.indirect.gather [hbm4b:s1+s22], $0x40, s18, s22, $0xb8;
	[tilespmem:$0x10B00] =	vst v63  }
0x3f: {  	s18 =	sadd.s32 $0x1, s6  }
0x40: {  	s0 =	simm.s32 $0x280;
	s11 =	simm.s32 $0x280;
	_ =	swait.ge [sflag:s18], $0x2000  }
0x41: {  	s16 =	simm.s32 $0x3300;
	s19 =	sshll.u32 s6, $0xD;
	[sflag:s18] =	ssyncset.done $0x0  }
0x42: {  	s5 =	sadd.s32 $0x5, s6;
	s17 =	sadd.s32 $0x4B00, s19;
	[sflag:s18] =	ssyncadd.s32 $0xFFFFE000  }
.LBB2_2:
0x43: {  	[spmem:s3] =	stream.indirect.scatter.add.f32 [tilespmem:s17], [sflag:s5], $0x40, s16, s22, $0xb8;
	[tilespmem:$0x10B00] =	vst v63  }
0x44: {  	s5 =	smov.u32 s13;
	s13 =	sadd.s32 $0x2, s13  }
0x45: {  	s0 =	sadd.s32 $0x100, s0;
	s16 =	sadd.s32 $0x100, s16;
	_ =	swait.ge [sflag:s26], $0x2000  }
0x46: {  	s6 =	sand.u32 $0x3, s13;
	p0 =	slt.u32 s13, $0x2D;
	[sflag:s26] =	ssyncset.done $0x0  }
0x47: {  	s17 =	sshll.u32 s6, $0xD;
	s18 =	sadd.s32 $0x1, s6;
	[sflag:s26] =	ssyncadd.s32 $0xFFFFE000  }
0x48: {  	[tilespmem:s2], [sflag:s28] =	stream.indirect.gather [hbm4b:s1+s22], $0x40, s11, s22, $0xb8;
	[tilespmem:$0x10B00] =	vst v63  }
0x49: {  	s2 =	sadd.s32 $0x5, s5;
	s11 =	sadd.s32 $0xFFFFFF80, s16;
	_ =	swait.ge [sflag:s18], $0x2000  }
0x4a: {  	s26 =	sadd.s32 $0x5, s6;
	s28 =	sand.u32 $0x3, s2;
	[sflag:s18] =	ssyncset.done $0x0  }
0x4b: {  	s2 =	sadd.s32 $0x4B00, s17;
	s6 =	sadd.s32 $0x5, s28;
	[sflag:s18] =	ssyncadd.s32 $0xFFFFE000  }
0x4c: {  	[spmem:s3] =	stream.indirect.scatter.add.f32 [tilespmem:s2], [sflag:s26], $0x40, s11, s22, $0xb8;
	[tilespmem:$0x10B00] =	vst v63  }
0x4d: {  	s17 =	sadd.s32 $0x1, s28;
	s11 =	sadd.s32 $0xFFFFFF80, s0;
	_ =	swait.ge [sflag:s6], $0x2000  }
0x4e: {  	s5 =	sadd.s32 $0xFFFFFFFF, s5;
	s28 =	sshll.u32 s28, $0xD;
	[sflag:s6] =	ssyncset.done $0x0  }
0x4f: {  	s5 =	sand.u32 $0x3, s5;
	s28 =	sadd.s32 $0x4B00, s28;
	[sflag:s6] =	ssyncadd.s32 $0xFFFFE000  }
0x50: {  	[tilespmem:s28], [sflag:s17] =	stream.indirect.gather [hbm4b:s1+s22], $0x40, s11, s22, $0xb8;
	[tilespmem:$0x10B00] =	vst v63  }
.Ltmp0:
0x51: {  	_ = 	snop;
	(pc) =	sbr.rel @p0 .LBB2_2-.Ltmp0, $4  }
0x52: {  	s19 =	sadd.s32 $0x1, s5;
	s6 =	sshll.u32 s5, $0xD  }
0x53: {  	s11 =	smov.u32 s0;
	s28 =	smov.u32 s18;
	_ =	swait.ge [sflag:s19], $0x2000  }
0x54: {  	[sflag:s19] =	ssyncset.done $0x0  }
0x55: {  	s5 =	sadd.s32 $0x5, s5;
	s17 =	sadd.s32 $0x4B00, s6;
	[sflag:s19] =	ssyncadd.s32 $0xFFFFE000  }
0x56: {  	[spmem:s3] =	stream.indirect.scatter.add.f32 [tilespmem:s17], [sflag:s5], $0x40, s16, s22, $0xb8;
	[tilespmem:$0x10B00] =	vst v63  }
0x57: {  	_ =	swait.ge [sflag:s26], $0x2000  }
0x58: {  	[sflag:s26] =	ssyncset.done $0x0  }
0x59: {  	[sflag:s26] =	ssyncadd.s32 $0xFFFFE000  }
0x5a: {  	[tilespmem:s2], [sflag:s28] =	stream.indirect.gather [hbm4b:s1+s22], $0x40, s11, s22, $0xb8;
	[tilespmem:$0x10B00] =	vst v63  }
0x5b: {  	_ =	swait.ge [sflag:s31], $0x2000  }
0x5c: {  	[sflag:s31] =	ssyncset.done $0x0  }
0x5d: {  	s5 =	simm.s32 $0xAB00;
	s0 =	simm.s32 $0x4980;
	[sflag:s31] =	ssyncadd.s32 $0xFFFFE000  }
0x5e: {  	[spmem:s3] =	stream.indirect.scatter.add.f32 [tilespmem:s5], [sflag:$0x8], $0x40, s0, s22, $0xb8;
	[tilespmem:$0x10B00] =	vst v63  }
0x5f: {  	_ =	swait.ge [sflag:s30], $0x2000  }
0x60: {  	[sflag:s30] =	ssyncset.done $0x0  }
0x61: {  	s16 =	simm.s32 $0x4A00;
	[sflag:s30] =	ssyncadd.s32 $0xFFFFE000  }
0x62: {  	[spmem:s3] =	stream.indirect.scatter.add.f32 [tilespmem:s23], [sflag:$0x5], $0x40, s16, s22, $0xb8;
	[tilespmem:$0x10B00] =	vst v63  }
0x63: {  	_ =	swait.ge [sflag:s25], $0x2000  }
0x64: {  	[sflag:s25] =	ssyncset.done $0x0  }
0x65: {  	s17 =	simm.s32 $0x6B00;
	s18 =	simm.s32 $0x4A80;
	[sflag:s25] =	ssyncadd.s32 $0xFFFFE000  }
0x66: {  	[spmem:s3] =	stream.indirect.scatter.add.f32 [tilespmem:s17], [sflag:$0x6], $0x40, s18, s22, $0xb8;
	[tilespmem:$0x10B00] =	vst v63  }
0x67: {  	_ =	swait.ge [sflag:s8], $0x2000  }
0x68: {  	[sflag:s8] =	ssyncset.done $0x0  }
0x69: {  	s19 =	simm.s32 $0x1900;
	[sflag:s8] =	ssyncadd.s32 $0xFFFFE000  }
0x6a: {  	[tilespmem:s23], [sflag:$0x1] =	stream.indirect.gather [hbm4b:s7+s22], $0x40, s19, s22, $0xb8;
	[tilespmem:$0x10B00] =	vst v63  }
0x6b: {  	_ =	swait.ge [sflag:s9], $0x2000  }
0x6c: {  	[sflag:s9] =	ssyncset.done $0x0  }
0x6d: {  	s26 =	simm.s32 $0x1980;
	[sflag:s9] =	ssyncadd.s32 $0xFFFFE000  }
0x6e: {  	[tilespmem:s17], [sflag:$0x2] =	stream.indirect.gather [hbm4b:s7+s22], $0x40, s26, s22, $0xb8;
	[tilespmem:$0x10B00] =	vst v63  }
0x6f: {  	_ =	swait.ge [sflag:s10], $0x2000  }
0x70: {  	[sflag:s10] =	ssyncset.done $0x0  }
0x71: {  	s6 =	simm.s32 $0x8B00;
	s11 =	simm.s32 $0x1A00;
	[sflag:s10] =	ssyncadd.s32 $0xFFFFE000  }
0x72: {  	[tilespmem:s6], [sflag:$0x3] =	stream.indirect.gather [hbm4b:s7+s22], $0x40, s11, s22, $0xb8;
	[tilespmem:$0x10B00] =	vst v63  }
0x73: {  	_ =	swait.ge [sflag:s15], $0x2000  }
0x74: {  	[sflag:s15] =	ssyncset.done $0x0  }
0x75: {  	s13 =	simm.s32 $0x1A80;
	[sflag:s15] =	ssyncadd.s32 $0xFFFFE000  }
0x76: {  	[tilespmem:s5], [sflag:$0x4] =	stream.indirect.gather [hbm4b:s7+s22], $0x40, s13, s22, $0xb8;
	[tilespmem:$0x10B00] =	vst v63  }
0x77: {  	s13 =	simm.s32 $0x1;
	_ =	swait.ge [sflag:s30], $0x2000  }
0x78: {  	s18 =	simm.s32 $0x4;
	s16 =	sand.u32 $0x3, s13;
	[sflag:s30] =	ssyncset.done $0x0  }
0x79: {  	s19 =	sand.u32 $0x3, s18;
	s28 =	sadd.s32 $0x1, s16;
	[sflag:s30] =	ssyncadd.s32 $0xFFFFE000  }
0x7a: {  	[spmem:s4] =	stream.indirect.scatter.add.f32 [tilespmem:s23], [sflag:$0x5], $0x40, s20, s22, $0xb8;
	[tilespmem:$0x10B00] =	vst v63  }
0x7b: {  	s6 =	simm.s32 $0x3280;
	s11 =	sshll.u32 s19, $0xD;
	_ =	swait.ge [sflag:s28], $0x2000  }
0x7c: {  	s5 =	sadd.s32 $0x5, s19;
	s17 =	sshll.u32 s16, $0xD;
	[sflag:s28] =	ssyncset.done $0x0  }
0x7d: {  	s2 =	sadd.s32 $0x5, s16;
	s26 =	sadd.s32 $0x4B00, s17;
	[sflag:s28] =	ssyncadd.s32 $0xFFFFE000  }
0x7e: {  	[spmem:s4] =	stream.indirect.scatter.add.f32 [tilespmem:s26], [sflag:s2], $0x40, s6, s22, $0xb8;
	[tilespmem:$0x10B00] =	vst v63  }
0x7f: {  	s11 =	sadd.s32 $0x4B00, s11;
	_ =	swait.ge [sflag:s5], $0x2000  }
0x80: {  	s17 =	sadd.s32 $0x1, s19;
	s19 =	simm.s32 $0xFFFFFFFE;
	[sflag:s5] =	ssyncset.done $0x0  }
0x81: {  	s18 =	sand.u32 $0x3, s19;
	s6 =	simm.s32 $0x1B00;
	[sflag:s5] =	ssyncadd.s32 $0xFFFFE000  }
0x82: {  	[tilespmem:s11], [sflag:s17] =	stream.indirect.gather [hbm4b:s7+s22], $0x40, s6, s22, $0xb8;
	[tilespmem:$0x10B00] =	vst v63  }
0x83: {  	s11 =	sadd.s32 $0x1, s18  }
0x84: {  	s0 =	simm.s32 $0x1B80;
	s16 =	simm.s32 $0x3300;
	_ =	swait.ge [sflag:s11], $0x2000  }
0x85: {  	s19 =	sshll.u32 s18, $0xD;
	s5 =	sadd.s32 $0x5, s18;
	[sflag:s11] =	ssyncset.done $0x0  }
0x86: {  	s17 =	sadd.s32 $0x4B00, s19;
	[sflag:s11] =	ssyncadd.s32 $0xFFFFE000;
	s11 =	simm.s32 $0x1B80  }
.LBB2_4:
0x87: {  	[spmem:s4] =	stream.indirect.scatter.add.f32 [tilespmem:s17], [sflag:s5], $0x40, s16, s22, $0xb8;
	[tilespmem:$0x10B00] =	vst v63  }
0x88: {  	s5 =	smov.u32 s13;
	s13 =	sadd.s32 $0x2, s13  }
0x89: {  	s0 =	sadd.s32 $0x100, s0;
	s16 =	sadd.s32 $0x100, s16;
	_ =	swait.ge [sflag:s2], $0x2000  }
0x8a: {  	s6 =	sand.u32 $0x3, s13;
	p0 =	slt.u32 s13, $0x2D;
	[sflag:s2] =	ssyncset.done $0x0  }
0x8b: {  	s17 =	sshll.u32 s6, $0xD;
	s18 =	sadd.s32 $0x1, s6;
	[sflag:s2] =	ssyncadd.s32 $0xFFFFE000  }
0x8c: {  	[tilespmem:s26], [sflag:s28] =	stream.indirect.gather [hbm4b:s7+s22], $0x40, s11, s22, $0xb8;
	[tilespmem:$0x10B00] =	vst v63  }
0x8d: {  	s2 =	sadd.s32 $0x5, s5;
	s11 =	sadd.s32 $0xFFFFFF80, s16;
	_ =	swait.ge [sflag:s18], $0x2000  }
0x8e: {  	s19 =	sand.u32 $0x3, s2;
	s2 =	sadd.s32 $0x5, s6;
	[sflag:s18] =	ssyncset.done $0x0  }
0x8f: {  	s26 =	sadd.s32 $0x4B00, s17;
	s6 =	sadd.s32 $0x5, s19;
	[sflag:s18] =	ssyncadd.s32 $0xFFFFE000  }
0x90: {  	[spmem:s4] =	stream.indirect.scatter.add.f32 [tilespmem:s26], [sflag:s2], $0x40, s11, s22, $0xb8;
	[tilespmem:$0x10B00] =	vst v63  }
0x91: {  	s17 =	sadd.s32 $0x1, s19;
	s11 =	sadd.s32 $0xFFFFFF80, s0;
	_ =	swait.ge [sflag:s6], $0x2000  }
0x92: {  	s5 =	sadd.s32 $0xFFFFFFFF, s5;
	s19 =	sshll.u32 s19, $0xD;
	[sflag:s6] =	ssyncset.done $0x0  }
0x93: {  	s5 =	sand.u32 $0x3, s5;
	s19 =	sadd.s32 $0x4B00, s19;
	[sflag:s6] =	ssyncadd.s32 $0xFFFFE000  }
0x94: {  	[tilespmem:s19], [sflag:s17] =	stream.indirect.gather [hbm4b:s7+s22], $0x40, s11, s22, $0xb8;
	[tilespmem:$0x10B00] =	vst v63  }
.Ltmp1:
0x95: {  	_ = 	snop;
	(pc) =	sbr.rel @p0 .LBB2_4-.Ltmp1, $4  }
0x96: {  	s6 =	sshll.u32 s5, $0xD;
	s19 =	sadd.s32 $0x1, s5  }
0x97: {  	s28 =	smov.u32 s18;
	s11 =	smov.u32 s0;
	_ =	swait.ge [sflag:s19], $0x2000  }
0x98: {  	[sflag:s19] =	ssyncset.done $0x0  }
0x99: {  	s17 =	sadd.s32 $0x4B00, s6;
	s5 =	sadd.s32 $0x5, s5;
	[sflag:s19] =	ssyncadd.s32 $0xFFFFE000  }
0x9a: {  	[spmem:s4] =	stream.indirect.scatter.add.f32 [tilespmem:s17], [sflag:s5], $0x40, s16, s22, $0xb8;
	[tilespmem:$0x10B00] =	vst v63  }
0x9b: {  	_ =	swait.ge [sflag:s2], $0x2000  }
0x9c: {  	[sflag:s2] =	ssyncset.done $0x0  }
0x9d: {  	[sflag:s2] =	ssyncadd.s32 $0xFFFFE000  }
0x9e: {  	[tilespmem:s26], [sflag:s28] =	stream.indirect.gather [hbm4b:s7+s22], $0x40, s11, s22, $0xb8;
	[tilespmem:$0x10B00] =	vst v63  }
0x9f: {  	_ =	swait.ge [sflag:s31], $0x2000  }
0xa0: {  	[sflag:s31] =	ssyncset.done $0x0  }
0xa1: {  	s17 =	simm.s32 $0xAB00;
	s0 =	simm.s32 $0x4980;
	[sflag:s31] =	ssyncadd.s32 $0xFFFFE000  }
0xa2: {  	[spmem:s4] =	stream.indirect.scatter.add.f32 [tilespmem:s17], [sflag:$0x8], $0x40, s0, s22, $0xb8;
	[tilespmem:$0x10B00] =	vst v63  }
0xa3: {  	_ =	swait.ge [sflag:s30], $0x2000  }
0xa4: {  	[sflag:s30] =	ssyncset.done $0x0  }
0xa5: {  	s11 =	simm.s32 $0x4A00;
	[sflag:s30] =	ssyncadd.s32 $0xFFFFE000  }
0xa6: {  	[spmem:s4] =	stream.indirect.scatter.add.f32 [tilespmem:s23], [sflag:$0x5], $0x40, s11, s22, $0xb8;
	[tilespmem:$0x10B00] =	vst v63  }
0xa7: {  	_ =	swait.ge [sflag:s25], $0x2000  }
0xa8: {  	[sflag:s25] =	ssyncset.done $0x0  }
0xa9: {  	s16 =	simm.s32 $0x6B00;
	s13 =	simm.s32 $0x4A80;
	[sflag:s25] =	ssyncadd.s32 $0xFFFFE000  }
0xaa: {  	[spmem:s4] =	stream.indirect.scatter.add.f32 [tilespmem:s16], [sflag:$0x6], $0x40, s13, s22, $0xb8;
	[tilespmem:$0x10B00] =	vst v63  }
0xab: {  	_ =	swait.ge [sflag:s8], $0x2000  }
0xac: {  	[sflag:s8] =	ssyncset.done $0x0  }
0xad: {  	[sflag:s8] =	ssyncadd.s32 $0xFFFFE000  }
0xae: {  	_ =	swait.ge [sflag:s9], $0x2000  }
0xaf: {  	[sflag:s9] =	ssyncset.done $0x0  }
0xb0: {  	[sflag:s9] =	ssyncadd.s32 $0xFFFFE000  }
0xb1: {  	_ =	swait.ge [sflag:s10], $0x2000  }
0xb2: {  	[sflag:s10] =	ssyncset.done $0x0  }
0xb3: {  	[sflag:s10] =	ssyncadd.s32 $0xFFFFE000  }
0xb4: {  	_ =	swait.ge [sflag:s15], $0x2000  }
0xb5: {  	s26 =	simm.s32 $0x10;
	[sflag:s15] =	ssyncset.done $0x0;
	s18 =	rddreg [dreg:$0xc]  }
0xb6: {  	s19 =	rddreg [dreg:$0x9];
	[sflag:s15] =	ssyncadd.s32 $0xFFFFE000;
	s0 =	sor.u32 $0x1C0A, s18  }
0xb7: {  	[hbm:s19@s26], [sflag:s0] =	dma.strided [spmem:s24@s15], $0x400, s30, $0x8   }
0xb8: {  	_ =	swait.ge [sflag:s14], $0x400  }
0xb9: {  	[sflag:s14] =	ssyncset.done $0x0  }
0xba: {  	s28 =	rddreg [dreg:$0xa];
	[sflag:s14] =	ssyncadd.s32 $0xFFFFFC00  }
0xbb: {  	[hbm:s28@s26], [sflag:s0] =	dma.strided [spmem:s29@s15], $0x400, s30, $0x8   }
0xbc: {  	_ =	swait.ge [sflag:s14], $0x400  }
0xbd: {  	s12 =	sadd.s32 $0x1, s12;
	s13 =	smov.u32 s29;
	s29 =	rddreg [dreg:$0xb]  }
0xbe: {  	p0 =	sne.s32 s12, s29  }
.Ltmp2:
0xbf: {  	_ = 	snop;
	(pc) =	sbr.rel @p0 .LBB2_1-.Ltmp2, $3  }
0xc0: {  	_ =	sdelay $0x1  }
0xc1: {  	[sflag:s14] =	ssyncset.done $0x0  }
0xc2: {  	s11 =	smov.u32 s24;
	[sflag:s14] =	ssyncadd.s32 $0xFFFFFC00  }
0xc3: {  	_ =	sfence.sel $0x180000  }
0xc4: {  	[bflag:$0x0] =	sbarrier.arrive $0xFFFF  }
0xc5: {  	_ =	strace $0x90000047  }
0xc6: {  	s0 =	stileid.u32;
	[bflag:$0x2] =	sbarrier.arrive $0xFFFF  }
0xc7: {  	p0 =	sne.s32 s0, $0x0;
	s0 =	rddreg [dreg:$0x4]  }
0xc8: {  	s0 =	sadd.s32 @!p0 $0x100000, s0  }
0xc9: {  	[sflag:s0] =	ssyncadd.tile.s32 @!p0 $0x1;
	_ =	shalt  }
.Lfunc_end2:
_tile_overlayer_lowered:
.L_overlay_start_2:
0xca: {  	(tag) =	ssettag $0x2  }
0xcb: {  	s0 =	rddreg [dreg:$0x0];
	s2 =	stileid.u32  }
0xcc: {  	s1 =	rddreg [dreg:$0x1];
	p0 =	sne.s32 s2, $0x0  }
0xcd: {  	s3 =	rddreg [dreg:$0x2];
	[bflag:$0x3] =	sbarrier.arrive $0xFFFF;
	s2 =	simm.s32 @!p0 $0x1C0A  }
0xce: {  	[timem:s3], [sflag:s2] =	dma.local @!p0 [hbm:s0], s1  }
0xcf: {  	s0 =	simm.s32 @!p0 $0xA  }
0xd0: {  	_ =	swait.ge @!p0 [sflag:s0], s1  }
0xd1: {  	s1 =	ssub.s32 @!p0 $0x0, s1;
	[sflag:s0] =	ssyncset.done @!p0 $0x0  }
0xd2: {  	[sflag:s0] =	ssyncadd.s32 @!p0 s1  }
0xd3: {  	[bflag:$0x3] =	sbarrier.arrive $0xFFFF  }
0xd4: {  	_ =	shalt  }

// kernel: kernel.7.cloned.1.call-start
scs
__scs_entry_jumppad:
0x0: {  	(pc) =	sbr.rel $0x88, $3  }
0x1: {  	(tag) =	ssettag $0x0;
	lr =	simm.s32 $0x1  }
0x2: {  	[smem:$0x3F99] =	sst lr;
	_ =	strace $0xD0000000  }
0x3: {  	_ = 	snop  }
0x4: {  	_ = 	snop  }
0x5: {  	_ = 	snop  }
0x6: {  	_ = 	snop  }
0x7: {  	_ = 	snop  }
__scs_overlays_trampoline_lowered:
0x8: {  	[smem:$0x3FA8] =	sst s0  }
0x9: {  	[smem:$0x3FA9] =	sst s1  }
0xa: {  	[smem:$0x3FAA] =	sst s2  }
0xb: {  	[smem:$0x3FAB] =	sst s3  }
0xc: {  	[smem:$0x3FAC] =	sst s4  }
0xd: {  	[smem:$0x3FAD] =	sst s5  }
0xe: {  	[smem:$0x3FAE] =	sst s6  }
0xf: {  	[smem:$0x3FAF] =	sst s7  }
0x10: {  	[smem:$0x3FB0] =	sst s8  }
0x11: {  	[smem:$0x3FB1] =	sst s9;
	s0 =	simm.s32 @!p0 $0x0  }
0x12: {  	s1 =	sld [smem:$0x3F97];
	s0 =	simm.s32 @p0 $0x1  }
0x13: {  	[smem:$0x3FB2] =	sst s0;
	s0 =	simm.s32 @!p1 $0x0  }
0x14: {  	s2 =	sld [smem:$0x3F96];
	s0 =	simm.s32 @p1 $0x1  }
0x15: {  	[smem:$0x3FB3] =	sst s0;
	s0 =	simm.s32 @!p2 $0x0  }
0x16: {  	s3 =	sld [smem:$0x3FDB];
	s0 =	simm.s32 @p2 $0x1  }
0x17: {  	s4 =	simm.s32 $0x1BF5;
	[smem:$0x3FB5] =	sst s0  }
0x18: {  	s0 =	sld [smem:$0x3F98];
	_ =	swait.ge [sflag:s4], $0x0  }
0x19: {  	s7 =	sld [smem:$0x3F99]  }
0x1a: {  	s8 =	sadd.s32 $0xFFFFE003, lr  }
0x1b: {  	s9 =	sadd.s32 $0xFFFFFEF7, lr;
	s5 =	simm.s32 $0xFFFFFFFF;
	p2 =	slt.u32 s8, $0xFFFFF086  }
0x1c: {  	p1 =	slt.u32 s9, $0xF7A;
	s5 =	simm.s32 @!p2 $0x0  }
0x1d: {  	s5 =	simm.s32 @p1 $0x1;
	p0 =	seq.s32 s7, s2  }
0x1e: {  	s7 =	smul.u32 @!p0 $0xF7A, s2;
	p2 =	seq.s32 @!p0 s5, $0x0  }
0x1f: {  	s9 =	smul.u32 $0xF7A, s1;
	s8 =	simm.s32 @!p0 $0x1BF5;
	p2 =	por !p2, p0  }
0x20: {  	[sflag:s8] =	ssyncset.s32 @!p0 $0xFFFFF086;
	s6 =	sadd.s32 @!p0 s3, s7;
	s7 =	simm.s32 @!p0 $0x108  }
0x21: {  	s3 =	sadd.s32 s3, s9;
	s6 =	sadd.s32 @!p0 $0x88, s6;
	s7 =	simm.s32 @p2 $0x1082  }
0x22: {  	[simem:s7], [sflag:s8] =	dma.local @!p0 [hbm:s6], $0xF7A  }
0x23: {  	s9 =	sor.u32 $0xD0000000, s2;
	s6 =	simm.s32 $0x108;
	_ =	swait.ge @!p0 [sflag:s8], $0x0  }
0x24: {  	s3 =	sadd.s32 $0x88, s3;
	s6 =	simm.s32 @!p1 $0x1082;
	[sflag:s4] =	ssyncset.s32 $0xFFFFF086  }
0x25: {  	[simem:s6], [sflag:s4] =	dma.local [hbm:s3], $0xF7A  }
0x26: {  	[smem:$0x3F99] =	sst s1;
	(tag) =	ssettag s2;
	_ =	strace s9  }
0x27: {  	s1 =	sld [smem:$0x3FA9]  }
0x28: {  	s2 =	sld [smem:$0x3FAA]  }
0x29: {  	s4 =	sld [smem:$0x3FAC]  }
0x2a: {  	p0 =	seq.s32 s5, $0x0;
	s5 =	sld [smem:$0x3FAD]  }
0x2b: {  	s6 =	sld [smem:$0x3FAE]  }
0x2c: {  	s7 =	sld [smem:$0x3FAF]  }
0x2d: {  	s3 =	simm.s32 $0x108;
	s8 =	sld [smem:$0x3FB0]  }
0x2e: {  	s3 =	simm.s32 @!p0 $0x1082;
	s9 =	sld [smem:$0x3FB1]  }
0x2f: {  	lr =	sadd.s32 s0, s3;
	s0 =	sld [smem:$0x3FA8]  }
0x30: {  	s3 =	sld [smem:$0x3FAB]  }
0x31: {  	[smem:$0x3FB4] =	sst s10  }
0x32: {  	s10 =	sld [smem:$0x3FB2];
	_ =	sdelay $0x3  }
0x33: {  	p0 =	seq.s32 s10, $0x1;
	s10 =	sld [smem:$0x3FB4];
	_ =	sdelay $0x3  }
0x34: {  	[smem:$0x3FB4] =	sst s10  }
0x35: {  	s10 =	sld [smem:$0x3FB3];
	_ =	sdelay $0x3  }
0x36: {  	p1 =	seq.s32 s10, $0x1;
	s10 =	sld [smem:$0x3FB4];
	_ =	sdelay $0x3  }
0x37: {  	[smem:$0x3FB4] =	sst s10  }
0x38: {  	s10 =	sld [smem:$0x3FB5]  }
0x39: {  	_ = 	snop;
	(pc) =	sbr.ind lr, $3  }
0x3a: {  	_ = 	snop  }
0x3b: {  	_ = 	snop  }
0x3c: {  	p2 =	seq.s32 s10, $0x1;
	s10 =	sld [smem:$0x3FB4]  }
0x3d: {  	_ =	shalt  }
0x3e: {  	_ =	shalt  }
0x3f: {  	_ =	shalt  }
0x40: {  	_ =	shalt  }
0x41: {  	_ =	shalt  }
0x42: {  	_ =	shalt  }
0x43: {  	_ =	shalt  }
0x44: {  	_ =	shalt  }
0x45: {  	_ =	shalt  }
0x46: {  	_ =	shalt  }
0x47: {  	_ =	shalt  }
0x48: {  	_ =	shalt  }
0x49: {  	_ =	shalt  }
0x4a: {  	_ =	shalt  }
0x4b: {  	_ =	shalt  }
0x4c: {  	_ =	shalt  }
0x4d: {  	_ =	shalt  }
0x4e: {  	_ =	shalt  }
0x4f: {  	_ =	shalt  }
0x50: {  	_ =	shalt  }
0x51: {  	_ =	shalt  }
0x52: {  	_ =	shalt  }
0x53: {  	_ =	shalt  }
0x54: {  	_ =	shalt  }
0x55: {  	_ =	shalt  }
0x56: {  	_ =	shalt  }
0x57: {  	_ =	shalt  }
0x58: {  	_ =	shalt  }
0x59: {  	_ =	shalt  }
0x5a: {  	_ =	shalt  }
0x5b: {  	_ =	shalt  }
0x5c: {  	_ =	shalt  }
0x5d: {  	_ =	shalt  }
0x5e: {  	_ =	shalt  }
0x5f: {  	_ =	shalt  }
0x60: {  	_ =	shalt  }
0x61: {  	_ =	shalt  }
0x62: {  	_ =	shalt  }
0x63: {  	_ =	shalt  }
0x64: {  	_ =	shalt  }
0x65: {  	_ =	shalt  }
0x66: {  	_ =	shalt  }
0x67: {  	_ =	shalt  }
0x68: {  	_ =	shalt  }
0x69: {  	_ =	shalt  }
0x6a: {  	_ =	shalt  }
0x6b: {  	_ =	shalt  }
0x6c: {  	_ =	shalt  }
0x6d: {  	_ =	shalt  }
0x6e: {  	_ =	shalt  }
0x6f: {  	_ =	shalt  }
0x70: {  	_ =	shalt  }
0x71: {  	_ =	shalt  }
0x72: {  	_ =	shalt  }
0x73: {  	_ =	shalt  }
0x74: {  	_ =	shalt  }
0x75: {  	_ =	shalt  }
0x76: {  	_ =	shalt  }
0x77: {  	_ =	shalt  }
0x78: {  	_ =	shalt  }
0x79: {  	_ =	shalt  }
0x7a: {  	_ =	shalt  }
0x7b: {  	_ =	shalt  }
0x7c: {  	_ =	shalt  }
0x7d: {  	_ =	shalt  }
0x7e: {  	_ =	shalt  }
0x7f: {  	_ =	shalt  }
0x80: {  	_ =	shalt  }
0x81: {  	_ =	shalt  }
0x82: {  	_ =	shalt  }
0x83: {  	_ =	shalt  }
0x84: {  	_ =	shalt  }
0x85: {  	_ =	shalt  }
0x86: {  	_ =	shalt  }
0x87: {  	_ =	shalt  }
.Lfunc_end0:
.L_simem_size_0:
called_computation.1_lowered:
.L_overlay_start_0:
0x88: {  	s2 =	sld [smem:$0x3FD9]  }
0x89: {  	s3 =	sld [smem:$0x3FFE];
	_ =	sdelay $0x1  }
0x8a: {  	s1 =	srdreg.scid  }
0x8b: {  	s0 =	sand.u32 $0x1, s1  }
0x8c: {  	s17 =	sshll.u32 s0, $0xA;
	s2 =	sadd.s32 s3, s2  }
0x8d: {  	s2 =	sadd.s32 s2, s17  }
0x8e: {  	[smem:$0x3FC0] =	sst s2  }
0x8f: {  	_ = 	snop  }
0x90: {  	(tm) =	ssettm $0x1  }
0x91: {  	s18 =	sld [smem:$0x3FFB];
	_ =	sdelay $0x3  }
0x92: {  	_ =	strace s18  }
0x93: {  	s2 =	sld [smem:$0x3FFC];
	_ =	sdelay $0x3  }
0x94: {  	_ =	strace s2  }
0x95: {  	s2 =	sld [smem:$0x3FFD];
	_ =	sdelay $0x3  }
0x96: {  	_ =	strace s2  }
0x97: {  	_ =	strace $0x8FFFFFFF  }
0x98: {  	s19 =	sld [smem:$0x3FDB];
	_ =	sdelay $0x1  }
0x99: {  	s20 =	simm.s32 $_scs_section_size  }
0x9a: {  	s4 =	simm.s32 $_size__tile_overlayer_lowered;
	s5 =	simm.s32 $_tile_overlayer_lowered  }
0x9b: {  	s6 =	simm.s32 $0x1BFF;
	s21 =	sshll.u32 s5, $0x1;
	s3 =	sadd.s32 s20, s19  }
0x9c: {  	s22 =	simm.s32 $0x0;
	s4 =	sshll.u32 s4, $0x1;
	s5 =	sadd.s32 s21, s3  }
0x9d: {  	[timem:s22], [sflag:s6] =	dma.local [hbm:s5], s4  }
0x9e: {  	_ =	swait.ge [sflag:s6], s4  }
0x9f: {  	s4 =	ssub.s32 $0x0, s4;
	[sflag:s6] =	ssyncset.done $0x0  }
0xa0: {  	[sflag:s6] =	ssyncadd.s32 s4;
	_ =	sdelay $0x1  }
0xa1: {  	s23 =	simm.s32 $0x1B8B  }
0xa2: {  	_ =	swait.ge [sflag:s23], $0x1  }
0xa3: {  	[sflag:s23] =	ssyncset.done $0x0  }
0xa4: {  	[sflag:s23] =	ssyncadd.s32 $0xFFFFFFFF  }
0xa5: {  	s4 =	sld [smem:$0x0]  }
0xa6: {  	s5 =	sand.u32 $0xFFFFFFFE, s1  }
0xa7: {  	p0 =	sne.s32 s1, s5  }
0xa8: {  	s5 =	sshll.u32 @p0 s5, $0xE  }
0xa9: {  	s5 =	sadd.s32 @p0 $0x11B8D, s5;
	s6 =	sshll.u32 @p0 s4, $0x11  }
0xaa: {  	s5 =	sor.u32 @p0 s6, s5  }
0xab: {  	[sflag:s5] =	ssyncadd.remote.s32 @p0 $0x1;
	_ =	sdelay $0x1  }
0xac: {  	s5 =	simm.s32 @p0 $0x1B8D  }
0xad: {  	_ =	swait.eq @p0 [sflag:s5], $0x1  }
0xae: {  	[sflag:s5] =	ssyncadd.s32 @p0 $0xFFFFFFFF  }
0xaf: {  	s6 =	sshll.u32 @!p0 s1, $0xE  }
0xb0: {  	s6 =	sor.u32 @!p0 $0x4000, s6;
	s5 =	simm.s32 @!p0 $0x1B8D  }
0xb1: {  	s4 =	sshll.u32 @!p0 s4, $0x11;
	s6 =	sadd.s32 @!p0 $0x11B8D, s6;
	_ =	swait.eq @!p0 [sflag:s5], $0x1  }
0xb2: {  	s4 =	sor.u32 @!p0 s4, s6;
	[sflag:s5] =	ssyncadd.s32 @!p0 $0xFFFFFFFF  }
0xb3: {  	s25 =	simm.s32 $0x1B8E;
	s24 =	sld [smem:$0x3FFE];
	[sflag:s4] =	ssyncadd.remote.s32 @!p0 $0x1  }
0xb4: {  	s26 =	simm.s32 $execute0_lowered;
	[smem:$0x3FD2] =	sst s25  }
0xb5: {  	s5 =	sshll.u32 s26, $0x1;
	_ =	strace $0x80000049;
	[dreg:$0x1] =	wrdreg $0xFFFFFFFF  }
0xb6: {  	s28 =	simm.s32 $_size_execute0_lowered;
	s3 =	sadd.s32 s3, s5;
	[dreg:$0x0] =	wrdreg $0x0  }
0xb7: {  	s5 =	sshll.u32 s28, $0x1;
	[dreg:$0x2] =	wrdreg s3  }
0xb8: {  	[dreg:$0x3] =	wrdreg s5  }
0xb9: {  	[dreg:$0x4] =	wrdreg $0xC0  }
0xba: {  	_ =	task [dreg:s22], $0x5FFFF  }
0xbb: {  	[dreg:$0x1] =	wrdreg $0xFFFFFFFF  }
0xbc: {  	[dreg:$0x0] =	wrdreg $0x60  }
0xbd: {  	[dreg:$0x2] =	wrdreg s24  }
0xbe: {  	[dreg:$0x3] =	wrdreg $0xCB000  }
0xbf: {  	[dreg:$0x4] =	wrdreg $0xEB000  }
0xc0: {  	[dreg:$0x5] =	wrdreg $0xA  }
0xc1: {  	_ =	task.clear_ibuf [dreg:s22], $0x6FFFF;
	_ =	strace $0x90000049  }
0xc2: {  	s29 =	simm.s32 $0xA;
	_ =	strace $0x8000004B  }
0xc3: {  	_ =	swait.ge [sflag:s29], $0x1  }
0xc4: {  	[sflag:s29] =	ssyncadd.s32 $0xFFFFFFFF  }
0xc5: {  	_ =	strace $0x9000004B  }
0xc6: {  	_ =	sfence  }
0xc7: {  	s30 =	sld [smem:$0x0];
	_ =	sdelay $0x2  }
0xc8: {  	s31 =	sshll.u32 s1, $0xD;
	s1 =	sshrl.u32 s1, $0x2  }
0xc9: {  	s4 =	sand.u32 $0x4000, s31;
	s1 =	sadd.s32 s1, s30  }
0xca: {  	s0 =	sor.u32 s4, s0;
	s1 =	sshll.u32 s1, $0x11  }
0xcb: {  	s0 =	sor.u32 s1, s0  }
0xcc: {  	s0 =	sadd.s32 $0x8F2B, s0  }
0xcd: {  	[sflag:s0] =	ssyncadd.remote.s32 $0x1  }
0xce: {  	_ =	sfence.sel $0xFFFF  }
0xcf: {  	[dreg:$0x0] =	wrdreg $0xFFFFFFFF;
	(pc) =	sbr.abs _section_cstart, $3  }
0xd0: {  	[dreg:$0x1] =	wrdreg $0xFFFFFFFF  }
0xd1: {  	_ =	task.clear_ibuf [dreg:s22], $0x2FFFF;
	_ =	strace $0x9FFFFFFF  }
0xd2: {  	(tm) =	ssettm $0x7FFFFFFF  }
0xd3: {  	_ =	shalt  }
tec
execute0_lowered:
.L_overlay_start_1:
0x0: {  	(tag) =	ssettag $0x1  }
0x1: {  	s0 =	rddreg [dreg:$0x0]  }
0x2: {  	s1 =	srdreg.scid;
	s2 =	rddreg [dreg:$0x1]  }
0x3: {  	s11 =	stileid.u32;
	s3 =	rddreg [dreg:$0x2];
	s6 =	simm.s32 $0x0  }
0x4: {  	s14 =	simm.s32 $0xA;
	s16 =	simm.s32 $0x6B00;
	s17 =	simm.s32 $0xAB00  }
0x5: {  	s30 =	simm.s32 $0x1;
	s31 =	simm.s32 $0x4;
	s15 =	simm.s32 $0x8  }
0x6: {  	s12 =	simm.s32 $0x0;
	s1 =	sand.u32 $0x1, s1;
	s4 =	sshll.u32 s11, $0x1  }
0x7: {  	[smem:$0x7FF] =	sst s6;
	s19 =	smul.u32 $0x320, s11;
	s6 =	sadd.s32 $0x27CC00, s0  }
0x8: {  	s20 =	sadd.s32 $0x22800, s0;
	s7 =	sadd.s32 $0x1B9600, s0;
	s23 =	sshll.u32 s11, $0xD  }
0x9: {  	s29 =	sshll.u32 s11, $0x6;
	s4 =	sor.u32 s1, s4;
	_ =	strace $0x8000004A  }
0xa: {  	[dreg:$0x4] =	wrdreg s20;
	s1 =	ssub.s32 $0x2, s1;
	s25 =	sadd.s32 s23, s2  }
0xb: {  	[dreg:$0xb] =	wrdreg s29;
	s20 =	simm.s32 $0x3200;
	s5 =	smul.u32 $0x320, s4  }
0xc: {  	s9 =	sadd.s32 s19, s0;
	s4 =	sshll.u32 s4, $0xB;
	s10 =	sshrl.u32 s1, $0x1  }
0xd: {  	s11 =	sshrl.u32 s25, $0x3;
	s25 =	simm.s32 $0x2;
	s1 =	ssub.s32 s1, s10  }
0xe: {  	s24 =	sadd.s32 $0xFC00, s9;
	s9 =	simm.s32 $0x6;
	s10 =	simm.s32 $0x7  }
0xf: {  	s8 =	sadd.s32 s5, s0;
	[dreg:$0x7] =	wrdreg s24;
	s28 =	smax.u32 s1, $0x1  }
0x10: {  	s0 =	sadd.s32 s4, s0;
	s21 =	sadd.s32 $0x39000, s8;
	[dreg:$0xa] =	wrdreg s28  }
0x11: {  	s4 =	sadd.s32 s23, s3;
	s22 =	sadd.s32 $0x32C00, s8;
	[dreg:$0x5] =	wrdreg s21  }
0x12: {  	s23 =	simm.s32 $0x4B00;
	s26 =	sadd.s32 $0x3F400, s0;
	[dreg:$0x6] =	wrdreg s22  }
0x13: {  	s0 =	sadd.s32 $0x3F408, s0;
	s13 =	sshrl.u32 s4, $0x3;
	[dreg:$0x8] =	wrdreg s26  }
0x14: {  	s8 =	simm.s32 $0x5;
	[dreg:$0x9] =	wrdreg s0;
	s0 =	sor.u32 $0x1C09, s29  }
0x15: {  	s21 =	simm.s32 $0x9;
	s22 =	simm.s32 $0x80;
	[dreg:$0xc] =	wrdreg s0  }
.LBB2_1:
0x16: {  	s0 =	simm.s32 $0x0;
	s1 =	rddreg [dreg:$0x5]  }
0x17: {  	[tilespmem:s0], [sflag:$0xA] =	stream.linear.gather [hbm4b:s1+s0], $0x1900, $0x38;
	[tilespmem:$0x10B00] =	vst v63  }
0x18: {  	_ =	swait.ge [sflag:s14], $0x1900  }
0x19: {  	[sflag:s14] =	ssyncset.done $0x0  }
0x1a: {  	s4 =	simm.s32 $0x1900;
	s19 =	rddreg [dreg:$0x6];
	[sflag:s14] =	ssyncadd.s32 $0xFFFFE700  }
0x1b: {  	[tilespmem:s4], [sflag:$0xA] =	stream.linear.gather [hbm4b:s19+s0], $0x1900, $0x38;
	[tilespmem:$0x10B00] =	vst v63  }
0x1c: {  	_ =	swait.ge [sflag:s14], $0x1900  }
0x1d: {  	[sflag:s14] =	ssyncset.done $0x0  }
0x1e: {  	s4 =	simm.s32 $0x3200;
	s24 =	rddreg [dreg:$0x7];
	[sflag:s14] =	ssyncadd.s32 $0xFFFFE700  }
0x1f: {  	[tilespmem:s4], [sflag:$0xA] =	stream.linear.gather [hbm4b:s24+s0], $0x1900, $0x38;
	[tilespmem:$0x10B00] =	vst v63  }
0x20: {  	_ =	swait.ge [sflag:s14], $0x1900  }
0x21: {  	[sflag:s14] =	ssyncset.done $0x0;
	s26 =	rddreg [dreg:$0x4]  }
0x22: {  	s5 =	rddreg [dreg:$0xc];
	[sflag:s14] =	ssyncadd.s32 $0xFFFFE700  }
0x23: {  	[spmem:s11], [sflag:s5] =	dma.local [hbm:s26], $0x400  }
0x24: {  	[spmem:s13], [sflag:s5] =	dma.local [hbm:s26], $0x400  }
0x25: {  	_ =	swait.ge [sflag:s21], $0x400  }
0x26: {  	[sflag:s21] =	ssyncset.done $0x0  }
0x27: {  	[sflag:s21] =	ssyncadd.s32 $0xFFFFFC00  }
0x28: {  	_ =	swait.ge [sflag:s21], $0x400  }
0x29: {  	[sflag:s21] =	ssyncset.done $0x0  }
0x2a: {  	[sflag:s21] =	ssyncadd.s32 $0xFFFFFC00  }
0x2b: {  	[tilespmem:s23], [sflag:$0x1] =	stream.indirect.gather [hbm4b:s6+s22], $0x40, s0, s22, $0xb8;
	[tilespmem:$0x10B00] =	vst v63  }
0x2c: {  	_ = 	snop  }
0x2d: {  	[tilespmem:s16], [sflag:$0x2] =	stream.indirect.gather [hbm4b:s6+s22], $0x40, s22, s22, $0xb8;
	[tilespmem:$0x10B00] =	vst v63  }
0x2e: {  	s18 =	simm.s32 $0x100;
	s19 =	simm.s32 $0x8B00  }
0x2f: {  	[tilespmem:s19], [sflag:$0x3] =	stream.indirect.gather [hbm4b:s6+s22], $0x40, s18, s22, $0xb8;
	[tilespmem:$0x10B00] =	vst v63  }
0x30: {  	s26 =	simm.s32 $0x180  }
0x31: {  	[tilespmem:s17], [sflag:$0x4] =	stream.indirect.gather [hbm4b:s6+s22], $0x40, s26, s22, $0xb8;
	[tilespmem:$0x10B00] =	vst v63  }
0x32: {  	s29 =	smov.u32 s13;
	s13 =	simm.s32 $0x1;
	_ =	swait.ge [sflag:s30], $0x2000  }
0x33: {  	s24 =	smov.u32 s11;
	s1 =	sand.u32 $0x3, s13;
	[sflag:s30] =	ssyncset.done $0x0  }
0x34: {  	s11 =	simm.s32 $0x4;
	s28 =	sadd.s32 $0x1, s1;
	[sflag:s30] =	ssyncadd.s32 $0xFFFFE000  }
0x35: {  	[spmem:s2] =	stream.indirect.scatter.add.f32 [tilespmem:s23], [sflag:$0x5], $0x40, s4, s22, $0xb8;
	[tilespmem:$0x10B00] =	vst v63  }
0x36: {  	s5 =	sshll.u32 s1, $0xD;
	s16 =	simm.s32 $0x3280;
	_ =	swait.ge [sflag:s28], $0x2000  }
0x37: {  	s26 =	sadd.s32 $0x5, s1;
	s4 =	sand.u32 $0x3, s11;
	[sflag:s28] =	ssyncset.done $0x0  }
0x38: {  	s1 =	sadd.s32 $0x4B00, s5;
	s17 =	sadd.s32 $0x5, s4;
	[sflag:s28] =	ssyncadd.s32 $0xFFFFE000  }
0x39: {  	[spmem:s2] =	stream.indirect.scatter.add.f32 [tilespmem:s1], [sflag:s26], $0x40, s16, s22, $0xb8;
	[tilespmem:$0x10B00] =	vst v63  }
0x3a: {  	s18 =	simm.s32 $0x200;
	s5 =	simm.s32 $0xFFFFFFFE;
	_ =	swait.ge [sflag:s17], $0x2000  }
0x3b: {  	s19 =	sadd.s32 $0x1, s4;
	s4 =	sshll.u32 s4, $0xD;
	[sflag:s17] =	ssyncset.done $0x0  }
0x3c: {  	s5 =	sand.u32 $0x3, s5;
	s4 =	sadd.s32 $0x4B00, s4;
	[sflag:s17] =	ssyncadd.s32 $0xFFFFE000  }
0x3d: {  	[tilespmem:s4], [sflag:s19] =	stream.indirect.gather [hbm4b:s6+s22], $0x40, s18, s22, $0xb8;
	[tilespmem:$0x10B00] =	vst v63  }
0x3e: {  	s18 =	sadd.s32 $0x1, s5  }
0x3f: {  	s0 =	simm.s32 $0x280;
	s11 =	simm.s32 $0x280;
	_ =	swait.ge [sflag:s18], $0x2000  }
0x40: {  	s16 =	simm.s32 $0x3300;
	s19 =	sshll.u32 s5, $0xD;
	[sflag:s18] =	ssyncset.done $0x0  }
0x41: {  	s4 =	sadd.s32 $0x5, s5;
	s17 =	sadd.s32 $0x4B00, s19;
	[sflag:s18] =	ssyncadd.s32 $0xFFFFE000  }
.LBB2_2:
0x42: {  	[spmem:s2] =	stream.indirect.scatter.add.f32 [tilespmem:s17], [sflag:s4], $0x40, s16, s22, $0xb8;
	[tilespmem:$0x10B00] =	vst v63  }
0x43: {  	s4 =	smov.u32 s13;
	s13 =	sadd.s32 $0x2, s13  }
0x44: {  	s0 =	sadd.s32 $0x100, s0;
	s16 =	sadd.s32 $0x100, s16;
	_ =	swait.ge [sflag:s26], $0x2000  }
0x45: {  	s5 =	sand.u32 $0x3, s13;
	p0 =	slt.u32 s13, $0x2D;
	[sflag:s26] =	ssyncset.done $0x0  }
0x46: {  	s17 =	sshll.u32 s5, $0xD;
	s18 =	sadd.s32 $0x1, s5;
	[sflag:s26] =	ssyncadd.s32 $0xFFFFE000  }
0x47: {  	[tilespmem:s1], [sflag:s28] =	stream.indirect.gather [hbm4b:s6+s22], $0x40, s11, s22, $0xb8;
	[tilespmem:$0x10B00] =	vst v63  }
0x48: {  	s1 =	sadd.s32 $0x5, s4;
	s11 =	sadd.s32 $0xFFFFFF80, s16;
	_ =	swait.ge [sflag:s18], $0x2000  }
0x49: {  	s26 =	sadd.s32 $0x5, s5;
	s28 =	sand.u32 $0x3, s1;
	[sflag:s18] =	ssyncset.done $0x0  }
0x4a: {  	s1 =	sadd.s32 $0x4B00, s17;
	s5 =	sadd.s32 $0x5, s28;
	[sflag:s18] =	ssyncadd.s32 $0xFFFFE000  }
0x4b: {  	[spmem:s2] =	stream.indirect.scatter.add.f32 [tilespmem:s1], [sflag:s26], $0x40, s11, s22, $0xb8;
	[tilespmem:$0x10B00] =	vst v63  }
0x4c: {  	s17 =	sadd.s32 $0x1, s28;
	s11 =	sadd.s32 $0xFFFFFF80, s0;
	_ =	swait.ge [sflag:s5], $0x2000  }
0x4d: {  	s4 =	sadd.s32 $0xFFFFFFFF, s4;
	s28 =	sshll.u32 s28, $0xD;
	[sflag:s5] =	ssyncset.done $0x0  }
0x4e: {  	s4 =	sand.u32 $0x3, s4;
	s28 =	sadd.s32 $0x4B00, s28;
	[sflag:s5] =	ssyncadd.s32 $0xFFFFE000  }
0x4f: {  	[tilespmem:s28], [sflag:s17] =	stream.indirect.gather [hbm4b:s6+s22], $0x40, s11, s22, $0xb8;
	[tilespmem:$0x10B00] =	vst v63  }
.Ltmp0:
0x50: {  	_ = 	snop;
	(pc) =	sbr.rel @p0 .LBB2_2-.Ltmp0, $4  }
0x51: {  	s19 =	sadd.s32 $0x1, s4;
	s5 =	sshll.u32 s4, $0xD  }
0x52: {  	s11 =	smov.u32 s0;
	s28 =	smov.u32 s18;
	_ =	swait.ge [sflag:s19], $0x2000  }
0x53: {  	[sflag:s19] =	ssyncset.done $0x0  }
0x54: {  	s4 =	sadd.s32 $0x5, s4;
	s17 =	sadd.s32 $0x4B00, s5;
	[sflag:s19] =	ssyncadd.s32 $0xFFFFE000  }
0x55: {  	[spmem:s2] =	stream.indirect.scatter.add.f32 [tilespmem:s17], [sflag:s4], $0x40, s16, s22, $0xb8;
	[tilespmem:$0x10B00] =	vst v63  }
0x56: {  	_ =	swait.ge [sflag:s26], $0x2000  }
0x57: {  	[sflag:s26] =	ssyncset.done $0x0  }
0x58: {  	[sflag:s26] =	ssyncadd.s32 $0xFFFFE000  }
0x59: {  	[tilespmem:s1], [sflag:s28] =	stream.indirect.gather [hbm4b:s6+s22], $0x40, s11, s22, $0xb8;
	[tilespmem:$0x10B00] =	vst v63  }
0x5a: {  	_ =	swait.ge [sflag:s31], $0x2000  }
0x5b: {  	[sflag:s31] =	ssyncset.done $0x0  }
0x5c: {  	s4 =	simm.s32 $0xAB00;
	s0 =	simm.s32 $0x4980;
	[sflag:s31] =	ssyncadd.s32 $0xFFFFE000  }
0x5d: {  	[spmem:s2] =	stream.indirect.scatter.add.f32 [tilespmem:s4], [sflag:$0x8], $0x40, s0, s22, $0xb8;
	[tilespmem:$0x10B00] =	vst v63  }
0x5e: {  	_ =	swait.ge [sflag:s30], $0x2000  }
0x5f: {  	[sflag:s30] =	ssyncset.done $0x0  }
0x60: {  	s16 =	simm.s32 $0x4A00;
	[sflag:s30] =	ssyncadd.s32 $0xFFFFE000  }
0x61: {  	[spmem:s2] =	stream.indirect.scatter.add.f32 [tilespmem:s23], [sflag:$0x5], $0x40, s16, s22, $0xb8;
	[tilespmem:$0x10B00] =	vst v63  }
0x62: {  	_ =	swait.ge [sflag:s25], $0x2000  }
0x63: {  	[sflag:s25] =	ssyncset.done $0x0  }
0x64: {  	s17 =	simm.s32 $0x6B00;
	s18 =	simm.s32 $0x4A80;
	[sflag:s25] =	ssyncadd.s32 $0xFFFFE000  }
0x65: {  	[spmem:s2] =	stream.indirect.scatter.add.f32 [tilespmem:s17], [sflag:$0x6], $0x40, s18, s22, $0xb8;
	[tilespmem:$0x10B00] =	vst v63  }
0x66: {  	_ =	swait.ge [sflag:s8], $0x2000  }
0x67: {  	[sflag:s8] =	ssyncset.done $0x0  }
0x68: {  	s19 =	simm.s32 $0x1900;
	[sflag:s8] =	ssyncadd.s32 $0xFFFFE000  }
0x69: {  	[tilespmem:s23], [sflag:$0x1] =	stream.indirect.gather [hbm4b:s7+s22], $0x40, s19, s22, $0xb8;
	[tilespmem:$0x10B00] =	vst v63  }
0x6a: {  	_ =	swait.ge [sflag:s9], $0x2000  }
0x6b: {  	[sflag:s9] =	ssyncset.done $0x0  }
0x6c: {  	s26 =	simm.s32 $0x1980;
	[sflag:s9] =	ssyncadd.s32 $0xFFFFE000  }
0x6d: {  	[tilespmem:s17], [sflag:$0x2] =	stream.indirect.gather [hbm4b:s7+s22], $0x40, s26, s22, $0xb8;
	[tilespmem:$0x10B00] =	vst v63  }
0x6e: {  	_ =	swait.ge [sflag:s10], $0x2000  }
0x6f: {  	[sflag:s10] =	ssyncset.done $0x0  }
0x70: {  	s5 =	simm.s32 $0x8B00;
	s11 =	simm.s32 $0x1A00;
	[sflag:s10] =	ssyncadd.s32 $0xFFFFE000  }
0x71: {  	[tilespmem:s5], [sflag:$0x3] =	stream.indirect.gather [hbm4b:s7+s22], $0x40, s11, s22, $0xb8;
	[tilespmem:$0x10B00] =	vst v63  }
0x72: {  	_ =	swait.ge [sflag:s15], $0x2000  }
0x73: {  	[sflag:s15] =	ssyncset.done $0x0  }
0x74: {  	s13 =	simm.s32 $0x1A80;
	[sflag:s15] =	ssyncadd.s32 $0xFFFFE000  }
0x75: {  	[tilespmem:s4], [sflag:$0x4] =	stream.indirect.gather [hbm4b:s7+s22], $0x40, s13, s22, $0xb8;
	[tilespmem:$0x10B00] =	vst v63  }
0x76: {  	s13 =	simm.s32 $0x1;
	_ =	swait.ge [sflag:s30], $0x2000  }
0x77: {  	s18 =	simm.s32 $0x4;
	s16 =	sand.u32 $0x3, s13;
	[sflag:s30] =	ssyncset.done $0x0  }
0x78: {  	s19 =	sand.u32 $0x3, s18;
	s28 =	sadd.s32 $0x1, s16;
	[sflag:s30] =	ssyncadd.s32 $0xFFFFE000  }
0x79: {  	[spmem:s3] =	stream.indirect.scatter.add.f32 [tilespmem:s23], [sflag:$0x5], $0x40, s20, s22, $0xb8;
	[tilespmem:$0x10B00] =	vst v63  }
0x7a: {  	s5 =	simm.s32 $0x3280;
	s11 =	sshll.u32 s19, $0xD;
	_ =	swait.ge [sflag:s28], $0x2000  }
0x7b: {  	s4 =	sadd.s32 $0x5, s19;
	s17 =	sshll.u32 s16, $0xD;
	[sflag:s28] =	ssyncset.done $0x0  }
0x7c: {  	s1 =	sadd.s32 $0x5, s16;
	s26 =	sadd.s32 $0x4B00, s17;
	[sflag:s28] =	ssyncadd.s32 $0xFFFFE000  }
0x7d: {  	[spmem:s3] =	stream.indirect.scatter.add.f32 [tilespmem:s26], [sflag:s1], $0x40, s5, s22, $0xb8;
	[tilespmem:$0x10B00] =	vst v63  }
0x7e: {  	s11 =	sadd.s32 $0x4B00, s11;
	_ =	swait.ge [sflag:s4], $0x2000  }
0x7f: {  	s17 =	sadd.s32 $0x1, s19;
	s19 =	simm.s32 $0xFFFFFFFE;
	[sflag:s4] =	ssyncset.done $0x0  }
0x80: {  	s18 =	sand.u32 $0x3, s19;
	s5 =	simm.s32 $0x1B00;
	[sflag:s4] =	ssyncadd.s32 $0xFFFFE000  }
0x81: {  	[tilespmem:s11], [sflag:s17] =	stream.indirect.gather [hbm4b:s7+s22], $0x40, s5, s22, $0xb8;
	[tilespmem:$0x10B00] =	vst v63  }
0x82: {  	s11 =	sadd.s32 $0x1, s18  }
0x83: {  	s0 =	simm.s32 $0x1B80;
	s16 =	simm.s32 $0x3300;
	_ =	swait.ge [sflag:s11], $0x2000  }
0x84: {  	s19 =	sshll.u32 s18, $0xD;
	s4 =	sadd.s32 $0x5, s18;
	[sflag:s11] =	ssyncset.done $0x0  }
0x85: {  	s17 =	sadd.s32 $0x4B00, s19;
	[sflag:s11] =	ssyncadd.s32 $0xFFFFE000;
	s11 =	simm.s32 $0x1B80  }
.LBB2_4:
0x86: {  	[spmem:s3] =	stream.indirect.scatter.add.f32 [tilespmem:s17], [sflag:s4], $0x40, s16, s22, $0xb8;
	[tilespmem:$0x10B00] =	vst v63  }
0x87: {  	s4 =	smov.u32 s13;
	s13 =	sadd.s32 $0x2, s13  }
0x88: {  	s0 =	sadd.s32 $0x100, s0;
	s16 =	sadd.s32 $0x100, s16;
	_ =	swait.ge [sflag:s1], $0x2000  }
0x89: {  	s5 =	sand.u32 $0x3, s13;
	p0 =	slt.u32 s13, $0x2D;
	[sflag:s1] =	ssyncset.done $0x0  }
0x8a: {  	s17 =	sshll.u32 s5, $0xD;
	s18 =	sadd.s32 $0x1, s5;
	[sflag:s1] =	ssyncadd.s32 $0xFFFFE000  }
0x8b: {  	[tilespmem:s26], [sflag:s28] =	stream.indirect.gather [hbm4b:s7+s22], $0x40, s11, s22, $0xb8;
	[tilespmem:$0x10B00] =	vst v63  }
0x8c: {  	s1 =	sadd.s32 $0x5, s4;
	s11 =	sadd.s32 $0xFFFFFF80, s16;
	_ =	swait.ge [sflag:s18], $0x2000  }
0x8d: {  	s19 =	sand.u32 $0x3, s1;
	s1 =	sadd.s32 $0x5, s5;
	[sflag:s18] =	ssyncset.done $0x0  }
0x8e: {  	s26 =	sadd.s32 $0x4B00, s17;
	s5 =	sadd.s32 $0x5, s19;
	[sflag:s18] =	ssyncadd.s32 $0xFFFFE000  }
0x8f: {  	[spmem:s3] =	stream.indirect.scatter.add.f32 [tilespmem:s26], [sflag:s1], $0x40, s11, s22, $0xb8;
	[tilespmem:$0x10B00] =	vst v63  }
0x90: {  	s17 =	sadd.s32 $0x1, s19;
	s11 =	sadd.s32 $0xFFFFFF80, s0;
	_ =	swait.ge [sflag:s5], $0x2000  }
0x91: {  	s4 =	sadd.s32 $0xFFFFFFFF, s4;
	s19 =	sshll.u32 s19, $0xD;
	[sflag:s5] =	ssyncset.done $0x0  }
0x92: {  	s4 =	sand.u32 $0x3, s4;
	s19 =	sadd.s32 $0x4B00, s19;
	[sflag:s5] =	ssyncadd.s32 $0xFFFFE000  }
0x93: {  	[tilespmem:s19], [sflag:s17] =	stream.indirect.gather [hbm4b:s7+s22], $0x40, s11, s22, $0xb8;
	[tilespmem:$0x10B00] =	vst v63  }
.Ltmp1:
0x94: {  	_ = 	snop;
	(pc) =	sbr.rel @p0 .LBB2_4-.Ltmp1, $4  }
0x95: {  	s5 =	sshll.u32 s4, $0xD;
	s19 =	sadd.s32 $0x1, s4  }
0x96: {  	s28 =	smov.u32 s18;
	s11 =	smov.u32 s0;
	_ =	swait.ge [sflag:s19], $0x2000  }
0x97: {  	[sflag:s19] =	ssyncset.done $0x0  }
0x98: {  	s17 =	sadd.s32 $0x4B00, s5;
	s4 =	sadd.s32 $0x5, s4;
	[sflag:s19] =	ssyncadd.s32 $0xFFFFE000  }
0x99: {  	[spmem:s3] =	stream.indirect.scatter.add.f32 [tilespmem:s17], [sflag:s4], $0x40, s16, s22, $0xb8;
	[tilespmem:$0x10B00] =	vst v63  }
0x9a: {  	_ =	swait.ge [sflag:s1], $0x2000  }
0x9b: {  	[sflag:s1] =	ssyncset.done $0x0  }
0x9c: {  	[sflag:s1] =	ssyncadd.s32 $0xFFFFE000  }
0x9d: {  	[tilespmem:s26], [sflag:s28] =	stream.indirect.gather [hbm4b:s7+s22], $0x40, s11, s22, $0xb8;
	[tilespmem:$0x10B00] =	vst v63  }
0x9e: {  	_ =	swait.ge [sflag:s31], $0x2000  }
0x9f: {  	[sflag:s31] =	ssyncset.done $0x0  }
0xa0: {  	s17 =	simm.s32 $0xAB00;
	s0 =	simm.s32 $0x4980;
	[sflag:s31] =	ssyncadd.s32 $0xFFFFE000  }
0xa1: {  	[spmem:s3] =	stream.indirect.scatter.add.f32 [tilespmem:s17], [sflag:$0x8], $0x40, s0, s22, $0xb8;
	[tilespmem:$0x10B00] =	vst v63  }
0xa2: {  	_ =	swait.ge [sflag:s30], $0x2000  }
0xa3: {  	[sflag:s30] =	ssyncset.done $0x0  }
0xa4: {  	s11 =	simm.s32 $0x4A00;
	[sflag:s30] =	ssyncadd.s32 $0xFFFFE000  }
0xa5: {  	[spmem:s3] =	stream.indirect.scatter.add.f32 [tilespmem:s23], [sflag:$0x5], $0x40, s11, s22, $0xb8;
	[tilespmem:$0x10B00] =	vst v63  }
0xa6: {  	_ =	swait.ge [sflag:s25], $0x2000  }
0xa7: {  	[sflag:s25] =	ssyncset.done $0x0  }
0xa8: {  	s16 =	simm.s32 $0x6B00;
	s13 =	simm.s32 $0x4A80;
	[sflag:s25] =	ssyncadd.s32 $0xFFFFE000  }
0xa9: {  	[spmem:s3] =	stream.indirect.scatter.add.f32 [tilespmem:s16], [sflag:$0x6], $0x40, s13, s22, $0xb8;
	[tilespmem:$0x10B00] =	vst v63  }
0xaa: {  	_ =	swait.ge [sflag:s8], $0x2000  }
0xab: {  	[sflag:s8] =	ssyncset.done $0x0  }
0xac: {  	[sflag:s8] =	ssyncadd.s32 $0xFFFFE000  }
0xad: {  	_ =	swait.ge [sflag:s9], $0x2000  }
0xae: {  	[sflag:s9] =	ssyncset.done $0x0  }
0xaf: {  	[sflag:s9] =	ssyncadd.s32 $0xFFFFE000  }
0xb0: {  	_ =	swait.ge [sflag:s10], $0x2000  }
0xb1: {  	[sflag:s10] =	ssyncset.done $0x0  }
0xb2: {  	[sflag:s10] =	ssyncadd.s32 $0xFFFFE000  }
0xb3: {  	_ =	swait.ge [sflag:s15], $0x2000  }
0xb4: {  	s26 =	simm.s32 $0x10;
	[sflag:s15] =	ssyncset.done $0x0;
	s18 =	rddreg [dreg:$0xb]  }
0xb5: {  	s19 =	rddreg [dreg:$0x8];
	[sflag:s15] =	ssyncadd.s32 $0xFFFFE000;
	s0 =	sor.u32 $0x1C0A, s18  }
0xb6: {  	[hbm:s19@s26], [sflag:s0] =	dma.strided [spmem:s24@s15], $0x400, s30, $0x8   }
0xb7: {  	_ =	swait.ge [sflag:s14], $0x400  }
0xb8: {  	[sflag:s14] =	ssyncset.done $0x0  }
0xb9: {  	s28 =	rddreg [dreg:$0x9];
	[sflag:s14] =	ssyncadd.s32 $0xFFFFFC00  }
0xba: {  	[hbm:s28@s26], [sflag:s0] =	dma.strided [spmem:s29@s15], $0x400, s30, $0x8   }
0xbb: {  	_ =	swait.ge [sflag:s14], $0x400  }
0xbc: {  	s12 =	sadd.s32 $0x1, s12;
	s13 =	smov.u32 s29;
	s29 =	rddreg [dreg:$0xa]  }
0xbd: {  	p0 =	sne.s32 s12, s29  }
.Ltmp2:
0xbe: {  	_ = 	snop;
	(pc) =	sbr.rel @p0 .LBB2_1-.Ltmp2, $3  }
0xbf: {  	_ =	sdelay $0x1  }
0xc0: {  	[sflag:s14] =	ssyncset.done $0x0  }
0xc1: {  	s11 =	smov.u32 s24;
	[sflag:s14] =	ssyncadd.s32 $0xFFFFFC00  }
0xc2: {  	_ =	sfence.sel $0x180000  }
0xc3: {  	[bflag:$0x0] =	sbarrier.arrive $0xFFFF  }
0xc4: {  	_ =	strace $0x9000004A  }
0xc5: {  	s0 =	stileid.u32;
	[bflag:$0x2] =	sbarrier.arrive $0xFFFF  }
0xc6: {  	p0 =	sne.s32 s0, $0x0;
	s0 =	rddreg [dreg:$0x3]  }
0xc7: {  	s0 =	sadd.s32 @!p0 $0x100000, s0  }
0xc8: {  	[sflag:s0] =	ssyncadd.tile.s32 @!p0 $0x1;
	_ =	shalt  }
.Lfunc_end2:
_tile_overlayer_lowered:
.L_overlay_start_2:
0xc9: {  	(tag) =	ssettag $0x2  }
0xca: {  	s0 =	rddreg [dreg:$0x0];
	s2 =	stileid.u32  }
0xcb: {  	s1 =	rddreg [dreg:$0x1];
	p0 =	sne.s32 s2, $0x0  }
0xcc: {  	s3 =	rddreg [dreg:$0x2];
	[bflag:$0x3] =	sbarrier.arrive $0xFFFF;
	s2 =	simm.s32 @!p0 $0x1C0A  }
0xcd: {  	[timem:s3], [sflag:s2] =	dma.local @!p0 [hbm:s0], s1  }
0xce: {  	s0 =	simm.s32 @!p0 $0xA  }
0xcf: {  	_ =	swait.ge @!p0 [sflag:s0], s1  }
0xd0: {  	s1 =	ssub.s32 @!p0 $0x0, s1;
	[sflag:s0] =	ssyncset.done @!p0 $0x0  }
0xd1: {  	[sflag:s0] =	ssyncadd.s32 @!p0 s1  }
0xd2: {  	[bflag:$0x3] =	sbarrier.arrive $0xFFFF  }
0xd3: {  	_ =	shalt  }

</sc_bundles>
